<compile_context>
chip_gen: v7x
topology: tpu7x:2x2x1
jax: 0.10.2.dev20260603
libtpu: 0.0.44.dev20260713+nightly
codegen_flags: <defaults>
</compile_context>

<pallas_src>
import functools

import jax
import jax.numpy as jnp
from jax import lax
from jax.experimental import pallas as pl
from jax.experimental.pallas import tpu as pltpu
from jax.experimental.pallas import tpu_sc as plsc

W = 512
ROWS_PER_CH = 512
NPX = ROWS_PER_CH * W
NCH = 64 * 3
NROWS = NCH * ROWS_PER_CH
NW = 32
CPW = NCH // NW
R = 16
K = R * W
CHUNKS = NPX // K
U = 2

def _histeq_body(x_hbm, out_hbm, in0, in1, out0, out1, bins_v, hist_v, cum_v,
                 lut_v, sem0, sem1, osem0, osem1):
    wid = lax.axis_index("s") * 2 + lax.axis_index("c")
    lanes = lax.iota(jnp.int32, 16)
    laneoff = lanes * 256
    lanes_f = lanes.astype(jnp.float32)
    zeros16 = jnp.zeros((16,), jnp.float32)
    ones16 = jnp.ones((16,), jnp.float32)
    ins = ((in0, sem0), (in1, sem1))
    outs = ((out0, osem0), (out1, osem1))

    def per_channel(ci, carry_unused):
        row0 = (wid * CPW + ci) * ROWS_PER_CH

        @plsc.parallel_loop(0, 4096, step=16, unroll=8)
        def _(o):
            hist_v[pl.ds(o, 16)] = zeros16

        pltpu.async_copy(x_hbm.at[pl.ds(row0, R)], in0, sem0)

        def hist_grp(g, c):
            idx0 = g * 2
            for b, (inb, semb) in enumerate(ins):
                idx = idx0 + b
                pltpu.make_async_copy(x_hbm.at[pl.ds(row0, R)], inb, semb).wait()
                nxt = idx + 1
                othb, othsem = ins[1 - b]

                @pl.when(nxt < CHUNKS)
                def _():
                    pltpu.async_copy(
                        x_hbm.at[pl.ds(row0 + nxt * R, R)], othb, othsem)

                boff = idx * K

                @plsc.parallel_loop(0, K, step=64, unroll=U)
                def _(o):
                    r = o >> 9
                    cc = o & (W - 1)
                    word = None
                    for q in range(4):
                        x = inb[r, pl.ds(cc + q * 16, 16)]
                        bn = x.astype(jnp.int32)
                        plsc.addupdate_scatter(hist_v, [laneoff + bn], ones16)
                        word = bn if q == 0 else word | (bn << (8 * q))
                    bins_v[pl.ds((boff + o) >> 2, 16)] = word

            return c

        lax.fori_loop(0, CHUNKS // 2, hist_grp, 0)

        carry = jnp.float32(0.0)
        for j in range(16):
            v = hist_v[pl.ds(16 * j, 16)]
            for l in range(1, 16):
                v = v + hist_v[pl.ds(l * 256 + 16 * j, 16)]
            c = plsc.cumsum(v) + carry
            cum_v[pl.ds(16 * j, 16)] = c
            carry = c[15]
        total = carry

        sml = jnp.float32(0.0)
        for j in range(16):
            c = cum_v[pl.ds(16 * j, 16)]
            sml = jnp.maximum(sml, jnp.max(jnp.where(c < total, c, 0.0)))

        def ffloor(x):
            return x.astype(jnp.int32).astype(jnp.float32)

        step = ffloor(jnp.full((16,), sml, jnp.float32) / 255.0)
        off = ffloor(step * 0.5)
        den = jnp.maximum(step, 1.0)
        is_id = step == 0.0

        lut_v[pl.ds(0, 16)] = zeros16
        for j in range(16):
            c = cum_v[pl.ds(16 * j, 16)]
            vals = jnp.clip(ffloor((c + off) / den), 0.0, 255.0)
            idf = lanes_f + jnp.float32(16 * j + 1)
            vals = jnp.where(is_id, idf, vals)
            plsc.store_scatter(lut_v, [lanes + (16 * j + 1)], vals)

        def remap_grp(g, c):
            idx0 = g * 2
            for b in range(2):
                outb, osemb = outs[b]
                idx = idx0 + b

                @pl.when(g > 0)
                def _():
                    pltpu.make_async_copy(
                        outb, out_hbm.at[pl.ds(row0, R)], osemb).wait()

                boff = idx * K

                @plsc.parallel_loop(0, K, step=64, unroll=U)
                def _(o):
                    r = o >> 9
                    cc = o & (W - 1)
                    word = bins_v[pl.ds((boff + o) >> 2, 16)]
                    for q in range(4):
                        if q == 0:
                            bi = word & 255
                        elif q == 3:
                            bi = lax.shift_right_logical(word, 24)
                        else:
                            bi = lax.shift_right_logical(word, 8 * q) & 255
                        outb[r, pl.ds(cc + q * 16, 16)] = plsc.load_gather(
                            lut_v, [bi])

                pltpu.async_copy(
                    outb, out_hbm.at[pl.ds(row0 + idx * R, R)], osemb)
            return c

        lax.fori_loop(0, CHUNKS // 2, remap_grp, 0)
        pltpu.make_async_copy(out0, out_hbm.at[pl.ds(row0, R)], osem0).wait()
        pltpu.make_async_copy(out1, out_hbm.at[pl.ds(row0, R)], osem1).wait()
        return carry_unused

    lax.fori_loop(0, CPW, per_channel, 0)


def kernel(pic):
    B, C, H, Wd = pic.shape
    x2 = pic.reshape(B * C * H, Wd)
    mesh = plsc.VectorSubcoreMesh(core_axis_name="c", subcore_axis_name="s")
    f = pl.kernel(
        _histeq_body,
        out_type=jax.ShapeDtypeStruct((NROWS, W), jnp.float32),
        mesh=mesh,
        compiler_params=pltpu.CompilerParams(needs_layout_passes=False),
        scratch_types=[
            pltpu.VMEM((R, W), jnp.float32),
            pltpu.VMEM((R, W), jnp.float32),
            pltpu.VMEM((R, W), jnp.float32),
            pltpu.VMEM((R, W), jnp.float32),
            pltpu.VMEM((NPX // 4,), jnp.int32),
            pltpu.VMEM((4096,), jnp.float32),
            pltpu.VMEM((256,), jnp.float32),
            pltpu.VMEM((272,), jnp.float32),
            pltpu.SemaphoreType.DMA,
            pltpu.SemaphoreType.DMA,
            pltpu.SemaphoreType.DMA,
            pltpu.SemaphoreType.DMA,
        ],
    )
    out = f(x2)
    return out.reshape(B, C, H, Wd)

# --- scband reference (transcript-rebuilt; emitter-appended) ---
"""Pipeline reference for scband-histeq-39436389711987 (READ-ONLY COPY).

The authoritative reference and input builder live on the scoring server;
editing this copy changes nothing except your own understanding.
"""

import jax, jax.numpy as jnp
import numpy as np

# Faithful JAX port of torchvision F.equalize (per-image, per-channel histogram
# equalization, identical integer LUT math to torchvision _scale_channel).

def _scale_channel(chan_f):
    # chan_f: float32 [H*W] with pixel values in [0, 256)
    chan_f_q = jnp.clip(jnp.floor(chan_f), 0.0, 255.0)
    chan = jax.lax.stop_gradient(chan_f_q).astype(jnp.int32)
    # 256-bin histogram via scatter-add (SparseCore-friendly)
    hist = jnp.zeros(256, jnp.float32).at[chan].add(1.0)
    idx = jnp.arange(256)
    nonzero = hist > 0
    last_idx = jnp.max(jnp.where(nonzero, idx, -1))
    last_val = hist[last_idx]
    # step = floor(sum(nonzero_hist[:-1]) / 255) == floor((total - last_nonzero)/255)
    step = jnp.floor((jnp.sum(hist) - last_val) / 255.0)
    cum = jnp.cumsum(hist)
    lut = jnp.floor((cum + jnp.floor(step / 2.0)) / jnp.maximum(step, 1.0))
    lut = jnp.clip(jnp.concatenate([jnp.zeros(1, jnp.float32), lut[:-1]]), 0.0, 255.0)
    eq = jnp.take(lut, chan, axis=0)  # LUT gather
    # torchvision returns the input unchanged when step == 0
    return jnp.where(step == 0, chan_f_q, eq)


def setup_inputs(seed: int = 0) -> dict:
    key = jax.random.key(seed)
    pic = jax.random.uniform(key, (64, 3, 512, 512), dtype=jnp.float32,
                             minval=0.0, maxval=255.0)
    return {"pic": pic}


def reference(pic):
    B, C, H, W = pic.shape
    flat = pic.reshape(B * C, H * W)
    out = jax.vmap(_scale_channel)(flat)
    return out.reshape(B, C, H, W)

if __name__ == "__main__":
    import jax
    _d = setup_inputs()
    print(jax.jit(kernel)(*tuple(_d.values())))

</pallas_src>

<mosaic_0001>
#map = affine_map<(d0, d1) -> (0, 0)>
module attributes {stable_mosaic.version = 14 : i64} {
  func.func @_histeq_body(%arg0: i32, %arg1: i32, %arg2: memref<98304x512xf32, #tpu.memory_space<hbm>>, %arg3: memref<98304x512xf32, #tpu.memory_space<hbm>>, %arg4: memref<16x512xf32, #tpu.memory_space<vmem>>, %arg5: memref<16x512xf32, #tpu.memory_space<vmem>>, %arg6: memref<16x512xf32, #tpu.memory_space<vmem>>, %arg7: memref<16x512xf32, #tpu.memory_space<vmem>>, %arg8: memref<65536xi32, #tpu.memory_space<vmem>>, %arg9: memref<4096xf32, #tpu.memory_space<vmem>>, %arg10: memref<256xf32, #tpu.memory_space<vmem>>, %arg11: memref<272xf32, #tpu.memory_space<vmem>>, %arg12: memref<!tpu.dma_semaphore, #tpu.memory_space<semaphore_mem>>, %arg13: memref<!tpu.dma_semaphore, #tpu.memory_space<semaphore_mem>>, %arg14: memref<!tpu.dma_semaphore, #tpu.memory_space<semaphore_mem>>, %arg15: memref<!tpu.dma_semaphore, #tpu.memory_space<semaphore_mem>>) attributes {dimension_semantics = [#tpu.dimension_semantics<core_parallel>, #tpu.dimension_semantics<subcore_parallel>], iteration_bounds = array<i64: 2, 16>, scalar_prefetch = 0 : i64, scratch_operands = 12 : i64, tpu.core_type = #tpu.core_type<sc_vector_subcore>, window_params = [{transform_indices = #map}, {transform_indices = #map}]} {
    %mul3A = arith.constant 2 : i32
    %mul3A_0 = arith.muli %arg1, %mul3A : i32
    %add3A = arith.addi %mul3A_0, %arg0 : i32
    %iota3A = tpu.iota {dimensions = array<i32: 0>} : vector<16xi32>
    %mul3A_1 = arith.constant 256 : i32
    %mul3A_2 = vector.broadcast %mul3A_1 : i32 to vector<16xi32>
    %mul3A_3 = arith.muli %iota3A, %mul3A_2 : vector<16xi32>
    %convert_element_type3A = arith.sitofp %iota3A : vector<16xi32> to vector<16xf32>
    %broadcast_in_dim3A = arith.constant 0.000000e+00 : f32
    %broadcast_in_dim3A_4 = vector.broadcast %broadcast_in_dim3A : f32 to vector<16xf32>
    %broadcast_in_dim3A_5 = arith.constant 1.000000e+00 : f32
    %broadcast_in_dim3A_6 = vector.broadcast %broadcast_in_dim3A_5 : f32 to vector<16xf32>
    %scan3A = arith.constant 0 : i32
    %scan3A_7 = arith.constant 0 : i32
    %scan3A_8 = arith.constant 6 : i32
    %scan3A_9 = arith.addi %scan3A_7, %scan3A_8 : i32
    %scan3A_10 = arith.constant 1 : i32
    scf.for %scan3A_12 = %scan3A_7 to %scan3A_9 step %scan3A_10  : i32 {
      %mul3A_13 = arith.constant 6 : i32
      %mul3A_14 = arith.muli %add3A, %mul3A_13 : i32
      %add3A_15 = arith.addi %mul3A_14, %scan3A_12 : i32
      %mul3A_16 = arith.constant 512 : i32
      %mul3A_17 = arith.muli %add3A_15, %mul3A_16 : i32
      %parallel_loop3A = arith.constant 0 : i32
      %parallel_loop3A_18 = arith.constant 4096 : i32
      %parallel_loop3A_19 = arith.constant 16 : i32
      scf.for %parallel_loop3A_1442 = %parallel_loop3A to %parallel_loop3A_18 step %parallel_loop3A_19  : i32 {
        %parallel_loop3A_1443 = arith.index_cast %parallel_loop3A_1442 : i32 to index
        %parallel_loop3A_1444 = tpu.vector_load %arg9[%parallel_loop3A_1443] {strides = array<i32>} : memref<4096xf32, #tpu.memory_space<vmem>>, vector<16xf32>,
        tpu.vector_store %arg9[%parallel_loop3A_1443], %broadcast_in_dim3A_4 {strides = array<i32>} : memref<4096xf32, #tpu.memory_space<vmem>>, vector<16xf32>,
      } {sc.loop_unroll_factor = 8 : i64, sc.parallel_access}
      %dma_start3A = arith.constant 0 : i32
      %dma_start3A_20 = tpu.memref_slice %arg2[%mul3A_17, %dma_start3A] : memref<98304x512xf32, #tpu.memory_space<hbm>> -> memref<16x512xf32, #tpu.memory_space<hbm>>
      %dma_start3A_21 = arith.constant 0 : i32
      %dma_start3A_22 = tpu.memref_slice %arg2[%mul3A_17, %dma_start3A_21] : memref<98304x512xf32, #tpu.memory_space<hbm>> -> memref<16x512xf32, #tpu.memory_space<hbm>>
      tpu.enqueue_dma source(%dma_start3A_22 : memref<16x512xf32, #tpu.memory_space<hbm>>) target(%arg4 : memref<16x512xf32, #tpu.memory_space<vmem>>) target_semaphore(%arg12 : memref<!tpu.dma_semaphore, #tpu.memory_space<semaphore_mem>>)
      %scan3A_23 = arith.constant 0 : i32
      %scan3A_24 = arith.constant 0 : i32
      %scan3A_25 = arith.constant 16 : i32
      %scan3A_26 = arith.addi %scan3A_24, %scan3A_25 : i32
      %scan3A_27 = arith.constant 1 : i32
      scf.for %scan3A_1442 = %scan3A_24 to %scan3A_26 step %scan3A_27  : i32 {
        %mul3A_1443 = arith.constant 2 : i32
        %mul3A_1444 = arith.muli %scan3A_1442, %mul3A_1443 : i32
        %add3A_1445 = arith.constant 0 : i32
        %add3A_1446 = arith.addi %mul3A_1444, %add3A_1445 : i32
        %dma_wait3A_1447 = arith.constant 0 : i32
        %dma_wait3A_1448 = tpu.memref_slice %arg2[%mul3A_17, %dma_wait3A_1447] : memref<98304x512xf32, #tpu.memory_space<hbm>> -> memref<16x512xf32, #tpu.memory_space<hbm>>
        %dma_wait3A_1449 = arith.constant 0 : i32
        %dma_wait3A_1450 = tpu.memref_slice %arg2[%mul3A_17, %dma_wait3A_1449] : memref<98304x512xf32, #tpu.memory_space<hbm>> -> memref<16x512xf32, #tpu.memory_space<hbm>>
        tpu.wait_dma2 semaphore(%arg12 : memref<!tpu.dma_semaphore, #tpu.memory_space<semaphore_mem>>) src(%dma_wait3A_1450 : memref<16x512xf32, #tpu.memory_space<hbm>>) dst(%arg4 : memref<16x512xf32, #tpu.memory_space<vmem>>)
        %add3A_1451 = arith.constant 1 : i32
        %add3A_1452 = arith.addi %add3A_1446, %add3A_1451 : i32
        %lt3A_1453 = arith.constant 32 : i32
        %lt3A_1454 = arith.cmpi slt, %add3A_1452, %lt3A_1453 : i32
        %convert_element_type3A_1455 = arith.extui %lt3A_1454 : i1 to i32
        %cond3A = arith.constant 0 : i32
        %cond3A_1456 = arith.cmpi ne, %convert_element_type3A_1455, %cond3A : i32
        scf.if %cond3A_1456 {
          %mul3A_1480 = arith.constant 16 : i32
          %mul3A_1481 = arith.muli %add3A_1452, %mul3A_1480 : i32
          %add3A_1482 = arith.addi %mul3A_17, %mul3A_1481 : i32
          %dma_start3A_1483 = arith.constant 0 : i32
          %dma_start3A_1484 = tpu.memref_slice %arg2[%add3A_1482, %dma_start3A_1483] : memref<98304x512xf32, #tpu.memory_space<hbm>> -> memref<16x512xf32, #tpu.memory_space<hbm>>
          %dma_start3A_1485 = arith.constant 0 : i32
          %dma_start3A_1486 = tpu.memref_slice %arg2[%add3A_1482, %dma_start3A_1485] : memref<98304x512xf32, #tpu.memory_space<hbm>> -> memref<16x512xf32, #tpu.memory_space<hbm>>
          tpu.enqueue_dma source(%dma_start3A_1486 : memref<16x512xf32, #tpu.memory_space<hbm>>) target(%arg5 : memref<16x512xf32, #tpu.memory_space<vmem>>) target_semaphore(%arg13 : memref<!tpu.dma_semaphore, #tpu.memory_space<semaphore_mem>>)
        } else {
        }
        %mul3A_1457 = arith.constant 8192 : i32
        %mul3A_1458 = arith.muli %add3A_1446, %mul3A_1457 : i32
        %parallel_loop3A_1459 = arith.constant 0 : i32
        %parallel_loop3A_1460 = arith.constant 8192 : i32
        %parallel_loop3A_1461 = arith.constant 64 : i32
        scf.for %parallel_loop3A_1480 = %parallel_loop3A_1459 to %parallel_loop3A_1460 step %parallel_loop3A_1461  : i32 {
          %parallel_loop3A_1481 = arith.constant 9 : i32
          %parallel_loop3A_1482 = arith.shrsi %parallel_loop3A_1480, %parallel_loop3A_1481 : i32
          %parallel_loop3A_1483 = arith.constant 511 : i32
          %parallel_loop3A_1484 = arith.andi %parallel_loop3A_1480, %parallel_loop3A_1483 : i32
          %parallel_loop3A_1485 = arith.constant 0 : i32
          %parallel_loop3A_1486 = arith.addi %parallel_loop3A_1484, %parallel_loop3A_1485 : i32
          %parallel_loop3A_1487 = arith.index_cast %parallel_loop3A_1482 : i32 to index
          %parallel_loop3A_1488 = arith.index_cast %parallel_loop3A_1486 : i32 to index
          %parallel_loop3A_1489 = tpu.vector_load %arg4[%parallel_loop3A_1487, %parallel_loop3A_1488] {strides = array<i32>} : memref<16x512xf32, #tpu.memory_space<vmem>>, vector<16xf32>,
          %parallel_loop3A_1490 = arith.fptosi %parallel_loop3A_1489 : vector<16xf32> to vector<16xi32>
          %parallel_loop3A_1491 = arith.addi %mul3A_3, %parallel_loop3A_1490 : vector<16xi32>
          tpu.vector_store_idx %arg9[%parallel_loop3A_1491], %broadcast_in_dim3A_6 {add = true} : memref<4096xf32, #tpu.memory_space<vmem>>[vector<16xi32>], vector<16xf32>,
          %parallel_loop3A_1492 = arith.constant 16 : i32
          %parallel_loop3A_1493 = arith.addi %parallel_loop3A_1484, %parallel_loop3A_1492 : i32
          %parallel_loop3A_1494 = arith.index_cast %parallel_loop3A_1482 : i32 to index
          %parallel_loop3A_1495 = arith.index_cast %parallel_loop3A_1493 : i32 to index
          %parallel_loop3A_1496 = tpu.vector_load %arg4[%parallel_loop3A_1494, %parallel_loop3A_1495] {strides = array<i32>} : memref<16x512xf32, #tpu.memory_space<vmem>>, vector<16xf32>,
          %parallel_loop3A_1497 = arith.fptosi %parallel_loop3A_1496 : vector<16xf32> to vector<16xi32>
          %parallel_loop3A_1498 = arith.addi %mul3A_3, %parallel_loop3A_1497 : vector<16xi32>
          tpu.vector_store_idx %arg9[%parallel_loop3A_1498], %broadcast_in_dim3A_6 {add = true} : memref<4096xf32, #tpu.memory_space<vmem>>[vector<16xi32>], vector<16xf32>,
          %parallel_loop3A_1499 = arith.constant 8 : i32
          %parallel_loop3A_1500 = vector.broadcast %parallel_loop3A_1499 : i32 to vector<16xi32>
          %parallel_loop3A_1501 = arith.shli %parallel_loop3A_1497, %parallel_loop3A_1500 : vector<16xi32>
          %parallel_loop3A_1502 = arith.ori %parallel_loop3A_1490, %parallel_loop3A_1501 : vector<16xi32>
          %parallel_loop3A_1503 = arith.constant 32 : i32
          %parallel_loop3A_1504 = arith.addi %parallel_loop3A_1484, %parallel_loop3A_1503 : i32
          %parallel_loop3A_1505 = arith.index_cast %parallel_loop3A_1482 : i32 to index
          %parallel_loop3A_1506 = arith.index_cast %parallel_loop3A_1504 : i32 to index
          %parallel_loop3A_1507 = tpu.vector_load %arg4[%parallel_loop3A_1505, %parallel_loop3A_1506] {strides = array<i32>} : memref<16x512xf32, #tpu.memory_space<vmem>>, vector<16xf32>,
          %parallel_loop3A_1508 = arith.fptosi %parallel_loop3A_1507 : vector<16xf32> to vector<16xi32>
          %parallel_loop3A_1509 = arith.addi %mul3A_3, %parallel_loop3A_1508 : vector<16xi32>
          tpu.vector_store_idx %arg9[%parallel_loop3A_1509], %broadcast_in_dim3A_6 {add = true} : memref<4096xf32, #tpu.memory_space<vmem>>[vector<16xi32>], vector<16xf32>,
          %parallel_loop3A_1510 = arith.constant 16 : i32
          %parallel_loop3A_1511 = vector.broadcast %parallel_loop3A_1510 : i32 to vector<16xi32>
          %parallel_loop3A_1512 = arith.shli %parallel_loop3A_1508, %parallel_loop3A_1511 : vector<16xi32>
          %parallel_loop3A_1513 = arith.ori %parallel_loop3A_1502, %parallel_loop3A_1512 : vector<16xi32>
          %parallel_loop3A_1514 = arith.constant 48 : i32
          %parallel_loop3A_1515 = arith.addi %parallel_loop3A_1484, %parallel_loop3A_1514 : i32
          %parallel_loop3A_1516 = arith.index_cast %parallel_loop3A_1482 : i32 to index
          %parallel_loop3A_1517 = arith.index_cast %parallel_loop3A_1515 : i32 to index
          %parallel_loop3A_1518 = tpu.vector_load %arg4[%parallel_loop3A_1516, %parallel_loop3A_1517] {strides = array<i32>} : memref<16x512xf32, #tpu.memory_space<vmem>>, vector<16xf32>,
          %parallel_loop3A_1519 = arith.fptosi %parallel_loop3A_1518 : vector<16xf32> to vector<16xi32>
          %parallel_loop3A_1520 = arith.addi %mul3A_3, %parallel_loop3A_1519 : vector<16xi32>
          tpu.vector_store_idx %arg9[%parallel_loop3A_1520], %broadcast_in_dim3A_6 {add = true} : memref<4096xf32, #tpu.memory_space<vmem>>[vector<16xi32>], vector<16xf32>,
          %parallel_loop3A_1521 = arith.constant 24 : i32
          %parallel_loop3A_1522 = vector.broadcast %parallel_loop3A_1521 : i32 to vector<16xi32>
          %parallel_loop3A_1523 = arith.shli %parallel_loop3A_1519, %parallel_loop3A_1522 : vector<16xi32>
          %parallel_loop3A_1524 = arith.ori %parallel_loop3A_1513, %parallel_loop3A_1523 : vector<16xi32>
          %parallel_loop3A_1525 = arith.addi %mul3A_1458, %parallel_loop3A_1480 : i32
          %parallel_loop3A_1526 = arith.constant 2 : i32
          %parallel_loop3A_1527 = arith.shrsi %parallel_loop3A_1525, %parallel_loop3A_1526 : i32
          %parallel_loop3A_1528 = arith.index_cast %parallel_loop3A_1527 : i32 to index
          %parallel_loop3A_1529 = tpu.vector_load %arg8[%parallel_loop3A_1528] {strides = array<i32>} : memref<65536xi32, #tpu.memory_space<vmem>>, vector<16xi32>,
          tpu.vector_store %arg8[%parallel_loop3A_1528], %parallel_loop3A_1524 {strides = array<i32>} : memref<65536xi32, #tpu.memory_space<vmem>>, vector<16xi32>,
        } {sc.loop_unroll_factor = 2 : i64, sc.parallel_access}
        %add3A_1462 = arith.constant 1 : i32
        %add3A_1463 = arith.addi %mul3A_1444, %add3A_1462 : i32
        %dma_wait3A_1464 = arith.constant 0 : i32
        %dma_wait3A_1465 = tpu.memref_slice %arg2[%mul3A_17, %dma_wait3A_1464] : memref<98304x512xf32, #tpu.memory_space<hbm>> -> memref<16x512xf32, #tpu.memory_space<hbm>>
        %dma_wait3A_1466 = arith.constant 0 : i32
        %dma_wait3A_1467 = tpu.memref_slice %arg2[%mul3A_17, %dma_wait3A_1466] : memref<98304x512xf32, #tpu.memory_space<hbm>> -> memref<16x512xf32, #tpu.memory_space<hbm>>
        tpu.wait_dma2 semaphore(%arg13 : memref<!tpu.dma_semaphore, #tpu.memory_space<semaphore_mem>>) src(%dma_wait3A_1467 : memref<16x512xf32, #tpu.memory_space<hbm>>) dst(%arg5 : memref<16x512xf32, #tpu.memory_space<vmem>>)
        %add3A_1468 = arith.constant 1 : i32
        %add3A_1469 = arith.addi %add3A_1463, %add3A_1468 : i32
        %lt3A_1470 = arith.constant 32 : i32
        %lt3A_1471 = arith.cmpi slt, %add3A_1469, %lt3A_1470 : i32
        %convert_element_type3A_1472 = arith.extui %lt3A_1471 : i1 to i32
        %cond3A_1473 = arith.constant 0 : i32
        %cond3A_1474 = arith.cmpi ne, %convert_element_type3A_1472, %cond3A_1473 : i32
        scf.if %cond3A_1474 {
          %mul3A_1480 = arith.constant 16 : i32
          %mul3A_1481 = arith.muli %add3A_1469, %mul3A_1480 : i32
          %add3A_1482 = arith.addi %mul3A_17, %mul3A_1481 : i32
          %dma_start3A_1483 = arith.constant 0 : i32
          %dma_start3A_1484 = tpu.memref_slice %arg2[%add3A_1482, %dma_start3A_1483] : memref<98304x512xf32, #tpu.memory_space<hbm>> -> memref<16x512xf32, #tpu.memory_space<hbm>>
          %dma_start3A_1485 = arith.constant 0 : i32
          %dma_start3A_1486 = tpu.memref_slice %arg2[%add3A_1482, %dma_start3A_1485] : memref<98304x512xf32, #tpu.memory_space<hbm>> -> memref<16x512xf32, #tpu.memory_space<hbm>>
          tpu.enqueue_dma source(%dma_start3A_1486 : memref<16x512xf32, #tpu.memory_space<hbm>>) target(%arg4 : memref<16x512xf32, #tpu.memory_space<vmem>>) target_semaphore(%arg12 : memref<!tpu.dma_semaphore, #tpu.memory_space<semaphore_mem>>)
        } else {
        }
        %mul3A_1475 = arith.constant 8192 : i32
        %mul3A_1476 = arith.muli %add3A_1463, %mul3A_1475 : i32
        %parallel_loop3A_1477 = arith.constant 0 : i32
        %parallel_loop3A_1478 = arith.constant 8192 : i32
        %parallel_loop3A_1479 = arith.constant 64 : i32
        scf.for %parallel_loop3A_1480 = %parallel_loop3A_1477 to %parallel_loop3A_1478 step %parallel_loop3A_1479  : i32 {
          %parallel_loop3A_1481 = arith.constant 9 : i32
          %parallel_loop3A_1482 = arith.shrsi %parallel_loop3A_1480, %parallel_loop3A_1481 : i32
          %parallel_loop3A_1483 = arith.constant 511 : i32
          %parallel_loop3A_1484 = arith.andi %parallel_loop3A_1480, %parallel_loop3A_1483 : i32
          %parallel_loop3A_1485 = arith.constant 0 : i32
          %parallel_loop3A_1486 = arith.addi %parallel_loop3A_1484, %parallel_loop3A_1485 : i32
          %parallel_loop3A_1487 = arith.index_cast %parallel_loop3A_1482 : i32 to index
          %parallel_loop3A_1488 = arith.index_cast %parallel_loop3A_1486 : i32 to index
          %parallel_loop3A_1489 = tpu.vector_load %arg5[%parallel_loop3A_1487, %parallel_loop3A_1488] {strides = array<i32>} : memref<16x512xf32, #tpu.memory_space<vmem>>, vector<16xf32>,
          %parallel_loop3A_1490 = arith.fptosi %parallel_loop3A_1489 : vector<16xf32> to vector<16xi32>
          %parallel_loop3A_1491 = arith.addi %mul3A_3, %parallel_loop3A_1490 : vector<16xi32>
          tpu.vector_store_idx %arg9[%parallel_loop3A_1491], %broadcast_in_dim3A_6 {add = true} : memref<4096xf32, #tpu.memory_space<vmem>>[vector<16xi32>], vector<16xf32>,
          %parallel_loop3A_1492 = arith.constant 16 : i32
          %parallel_loop3A_1493 = arith.addi %parallel_loop3A_1484, %parallel_loop3A_1492 : i32
          %parallel_loop3A_1494 = arith.index_cast %parallel_loop3A_1482 : i32 to index
          %parallel_loop3A_1495 = arith.index_cast %parallel_loop3A_1493 : i32 to index
          %parallel_loop3A_1496 = tpu.vector_load %arg5[%parallel_loop3A_1494, %parallel_loop3A_1495] {strides = array<i32>} : memref<16x512xf32, #tpu.memory_space<vmem>>, vector<16xf32>,
          %parallel_loop3A_1497 = arith.fptosi %parallel_loop3A_1496 : vector<16xf32> to vector<16xi32>
          %parallel_loop3A_1498 = arith.addi %mul3A_3, %parallel_loop3A_1497 : vector<16xi32>
          tpu.vector_store_idx %arg9[%parallel_loop3A_1498], %broadcast_in_dim3A_6 {add = true} : memref<4096xf32, #tpu.memory_space<vmem>>[vector<16xi32>], vector<16xf32>,
          %parallel_loop3A_1499 = arith.constant 8 : i32
          %parallel_loop3A_1500 = vector.broadcast %parallel_loop3A_1499 : i32 to vector<16xi32>
          %parallel_loop3A_1501 = arith.shli %parallel_loop3A_1497, %parallel_loop3A_1500 : vector<16xi32>
          %parallel_loop3A_1502 = arith.ori %parallel_loop3A_1490, %parallel_loop3A_1501 : vector<16xi32>
          %parallel_loop3A_1503 = arith.constant 32 : i32
          %parallel_loop3A_1504 = arith.addi %parallel_loop3A_1484, %parallel_loop3A_1503 : i32
          %parallel_loop3A_1505 = arith.index_cast %parallel_loop3A_1482 : i32 to index
          %parallel_loop3A_1506 = arith.index_cast %parallel_loop3A_1504 : i32 to index
          %parallel_loop3A_1507 = tpu.vector_load %arg5[%parallel_loop3A_1505, %parallel_loop3A_1506] {strides = array<i32>} : memref<16x512xf32, #tpu.memory_space<vmem>>, vector<16xf32>,
          %parallel_loop3A_1508 = arith.fptosi %parallel_loop3A_1507 : vector<16xf32> to vector<16xi32>
          %parallel_loop3A_1509 = arith.addi %mul3A_3, %parallel_loop3A_1508 : vector<16xi32>
          tpu.vector_store_idx %arg9[%parallel_loop3A_1509], %broadcast_in_dim3A_6 {add = true} : memref<4096xf32, #tpu.memory_space<vmem>>[vector<16xi32>], vector<16xf32>,
          %parallel_loop3A_1510 = arith.constant 16 : i32
          %parallel_loop3A_1511 = vector.broadcast %parallel_loop3A_1510 : i32 to vector<16xi32>
          %parallel_loop3A_1512 = arith.shli %parallel_loop3A_1508, %parallel_loop3A_1511 : vector<16xi32>
          %parallel_loop3A_1513 = arith.ori %parallel_loop3A_1502, %parallel_loop3A_1512 : vector<16xi32>
          %parallel_loop3A_1514 = arith.constant 48 : i32
          %parallel_loop3A_1515 = arith.addi %parallel_loop3A_1484, %parallel_loop3A_1514 : i32
          %parallel_loop3A_1516 = arith.index_cast %parallel_loop3A_1482 : i32 to index
          %parallel_loop3A_1517 = arith.index_cast %parallel_loop3A_1515 : i32 to index
          %parallel_loop3A_1518 = tpu.vector_load %arg5[%parallel_loop3A_1516, %parallel_loop3A_1517] {strides = array<i32>} : memref<16x512xf32, #tpu.memory_space<vmem>>, vector<16xf32>,
          %parallel_loop3A_1519 = arith.fptosi %parallel_loop3A_1518 : vector<16xf32> to vector<16xi32>
          %parallel_loop3A_1520 = arith.addi %mul3A_3, %parallel_loop3A_1519 : vector<16xi32>
          tpu.vector_store_idx %arg9[%parallel_loop3A_1520], %broadcast_in_dim3A_6 {add = true} : memref<4096xf32, #tpu.memory_space<vmem>>[vector<16xi32>], vector<16xf32>,
          %parallel_loop3A_1521 = arith.constant 24 : i32
          %parallel_loop3A_1522 = vector.broadcast %parallel_loop3A_1521 : i32 to vector<16xi32>
          %parallel_loop3A_1523 = arith.shli %parallel_loop3A_1519, %parallel_loop3A_1522 : vector<16xi32>
          %parallel_loop3A_1524 = arith.ori %parallel_loop3A_1513, %parallel_loop3A_1523 : vector<16xi32>
          %parallel_loop3A_1525 = arith.addi %mul3A_1476, %parallel_loop3A_1480 : i32
          %parallel_loop3A_1526 = arith.constant 2 : i32
          %parallel_loop3A_1527 = arith.shrsi %parallel_loop3A_1525, %parallel_loop3A_1526 : i32
          %parallel_loop3A_1528 = arith.index_cast %parallel_loop3A_1527 : i32 to index
          %parallel_loop3A_1529 = tpu.vector_load %arg8[%parallel_loop3A_1528] {strides = array<i32>} : memref<65536xi32, #tpu.memory_space<vmem>>, vector<16xi32>,
          tpu.vector_store %arg8[%parallel_loop3A_1528], %parallel_loop3A_1524 {strides = array<i32>} : memref<65536xi32, #tpu.memory_space<vmem>>, vector<16xi32>,
        } {sc.loop_unroll_factor = 2 : i64, sc.parallel_access}
      }
      %scan3A_28 = arith.constant 16 : i32
      %get3A = arith.constant 0 : index
      %get3A_29 = tpu.vector_load %arg9[%get3A] {strides = array<i32>} : memref<4096xf32, #tpu.memory_space<vmem>>, vector<16xf32>,
      %get3A_30 = arith.constant 256 : index
      %get3A_31 = tpu.vector_load %arg9[%get3A_30] {strides = array<i32>} : memref<4096xf32, #tpu.memory_space<vmem>>, vector<16xf32>,
      %add3A_32 = arith.addf %get3A_29, %get3A_31 : vector<16xf32>
      %get3A_33 = arith.constant 512 : index
      %get3A_34 = tpu.vector_load %arg9[%get3A_33] {strides = array<i32>} : memref<4096xf32, #tpu.memory_space<vmem>>, vector<16xf32>,
      %add3A_35 = arith.addf %add3A_32, %get3A_34 : vector<16xf32>
      %get3A_36 = arith.constant 768 : index
      %get3A_37 = tpu.vector_load %arg9[%get3A_36] {strides = array<i32>} : memref<4096xf32, #tpu.memory_space<vmem>>, vector<16xf32>,
      %add3A_38 = arith.addf %add3A_35, %get3A_37 : vector<16xf32>
      %get3A_39 = arith.constant 1024 : index
      %get3A_40 = tpu.vector_load %arg9[%get3A_39] {strides = array<i32>} : memref<4096xf32, #tpu.memory_space<vmem>>, vector<16xf32>,
      %add3A_41 = arith.addf %add3A_38, %get3A_40 : vector<16xf32>
      %get3A_42 = arith.constant 1280 : index
      %get3A_43 = tpu.vector_load %arg9[%get3A_42] {strides = array<i32>} : memref<4096xf32, #tpu.memory_space<vmem>>, vector<16xf32>,
      %add3A_44 = arith.addf %add3A_41, %get3A_43 : vector<16xf32>
      %get3A_45 = arith.constant 1536 : index
      %get3A_46 = tpu.vector_load %arg9[%get3A_45] {strides = array<i32>} : memref<4096xf32, #tpu.memory_space<vmem>>, vector<16xf32>,
      %add3A_47 = arith.addf %add3A_44, %get3A_46 : vector<16xf32>
      %get3A_48 = arith.constant 1792 : index
      %get3A_49 = tpu.vector_load %arg9[%get3A_48] {strides = array<i32>} : memref<4096xf32, #tpu.memory_space<vmem>>, vector<16xf32>,
      %add3A_50 = arith.addf %add3A_47, %get3A_49 : vector<16xf32>
      %get3A_51 = arith.constant 2048 : index
      %get3A_52 = tpu.vector_load %arg9[%get3A_51] {strides = array<i32>} : memref<4096xf32, #tpu.memory_space<vmem>>, vector<16xf32>,
      %add3A_53 = arith.addf %add3A_50, %get3A_52 : vector<16xf32>
      %get3A_54 = arith.constant 2304 : index
      %get3A_55 = tpu.vector_load %arg9[%get3A_54] {strides = array<i32>} : memref<4096xf32, #tpu.memory_space<vmem>>, vector<16xf32>,
      %add3A_56 = arith.addf %add3A_53, %get3A_55 : vector<16xf32>
      %get3A_57 = arith.constant 2560 : index
      %get3A_58 = tpu.vector_load %arg9[%get3A_57] {strides = array<i32>} : memref<4096xf32, #tpu.memory_space<vmem>>, vector<16xf32>,
      %add3A_59 = arith.addf %add3A_56, %get3A_58 : vector<16xf32>
      %get3A_60 = arith.constant 2816 : index
      %get3A_61 = tpu.vector_load %arg9[%get3A_60] {strides = array<i32>} : memref<4096xf32, #tpu.memory_space<vmem>>, vector<16xf32>,
      %add3A_62 = arith.addf %add3A_59, %get3A_61 : vector<16xf32>
      %get3A_63 = arith.constant 3072 : index
      %get3A_64 = tpu.vector_load %arg9[%get3A_63] {strides = array<i32>} : memref<4096xf32, #tpu.memory_space<vmem>>, vector<16xf32>,
      %add3A_65 = arith.addf %add3A_62, %get3A_64 : vector<16xf32>
      %get3A_66 = arith.constant 3328 : index
      %get3A_67 = tpu.vector_load %arg9[%get3A_66] {strides = array<i32>} : memref<4096xf32, #tpu.memory_space<vmem>>, vector<16xf32>,
      %add3A_68 = arith.addf %add3A_65, %get3A_67 : vector<16xf32>
      %get3A_69 = arith.constant 3584 : index
      %get3A_70 = tpu.vector_load %arg9[%get3A_69] {strides = array<i32>} : memref<4096xf32, #tpu.memory_space<vmem>>, vector<16xf32>,
      %add3A_71 = arith.addf %add3A_68, %get3A_70 : vector<16xf32>
      %get3A_72 = arith.constant 3840 : index
      %get3A_73 = tpu.vector_load %arg9[%get3A_72] {strides = array<i32>} : memref<4096xf32, #tpu.memory_space<vmem>>, vector<16xf32>,
      %add3A_74 = arith.addf %add3A_71, %get3A_73 : vector<16xf32>
      %broadcast_in_dim3A_75 = arith.constant true
      %broadcast_in_dim3A_76 = vector.broadcast %broadcast_in_dim3A_75 : i1 to vector<16xi1>
      %masked_cumsum3A = tpu.scan <sum>, %add3A_74 masked %broadcast_in_dim3A_76 : vector<16xf32>, vector<16xi1> -> vector<16xf32>
      %add3A_77 = arith.constant 0.000000e+00 : f32
      %add3A_78 = vector.broadcast %add3A_77 : f32 to vector<16xf32>
      %add3A_79 = arith.addf %masked_cumsum3A, %add3A_78 : vector<16xf32>
      %swap3A = arith.constant 0 : index
      %swap3A_80 = tpu.vector_load %arg10[%swap3A] {strides = array<i32>} : memref<256xf32, #tpu.memory_space<vmem>>, vector<16xf32>,
      tpu.vector_store %arg10[%swap3A], %add3A_79 {strides = array<i32>} : memref<256xf32, #tpu.memory_space<vmem>>, vector<16xf32>,
      %slice3A = vector.extract_strided_slice %add3A_79 {offsets = [15], sizes = [1], strides = [1]} : vector<16xf32> to vector<1xf32>
      %squeeze3A = vector.extract %slice3A[0] : f32 from vector<1xf32>
      %get3A_81 = arith.constant 16 : index
      %get3A_82 = tpu.vector_load %arg9[%get3A_81] {strides = array<i32>} : memref<4096xf32, #tpu.memory_space<vmem>>, vector<16xf32>,
      %get3A_83 = arith.constant 272 : index
      %get3A_84 = tpu.vector_load %arg9[%get3A_83] {strides = array<i32>} : memref<4096xf32, #tpu.memory_space<vmem>>, vector<16xf32>,
      %add3A_85 = arith.addf %get3A_82, %get3A_84 : vector<16xf32>
      %get3A_86 = arith.constant 528 : index
      %get3A_87 = tpu.vector_load %arg9[%get3A_86] {strides = array<i32>} : memref<4096xf32, #tpu.memory_space<vmem>>, vector<16xf32>,
      %add3A_88 = arith.addf %add3A_85, %get3A_87 : vector<16xf32>
      %get3A_89 = arith.constant 784 : index
      %get3A_90 = tpu.vector_load %arg9[%get3A_89] {strides = array<i32>} : memref<4096xf32, #tpu.memory_space<vmem>>, vector<16xf32>,
      %add3A_91 = arith.addf %add3A_88, %get3A_90 : vector<16xf32>
      %get3A_92 = arith.constant 1040 : index
      %get3A_93 = tpu.vector_load %arg9[%get3A_92] {strides = array<i32>} : memref<4096xf32, #tpu.memory_space<vmem>>, vector<16xf32>,
      %add3A_94 = arith.addf %add3A_91, %get3A_93 : vector<16xf32>
      %get3A_95 = arith.constant 1296 : index
      %get3A_96 = tpu.vector_load %arg9[%get3A_95] {strides = array<i32>} : memref<4096xf32, #tpu.memory_space<vmem>>, vector<16xf32>,
      %add3A_97 = arith.addf %add3A_94, %get3A_96 : vector<16xf32>
      %get3A_98 = arith.constant 1552 : index
      %get3A_99 = tpu.vector_load %arg9[%get3A_98] {strides = array<i32>} : memref<4096xf32, #tpu.memory_space<vmem>>, vector<16xf32>,
      %add3A_100 = arith.addf %add3A_97, %get3A_99 : vector<16xf32>
      %get3A_101 = arith.constant 1808 : index
      %get3A_102 = tpu.vector_load %arg9[%get3A_101] {strides = array<i32>} : memref<4096xf32, #tpu.memory_space<vmem>>, vector<16xf32>,
      %add3A_103 = arith.addf %add3A_100, %get3A_102 : vector<16xf32>
      %get3A_104 = arith.constant 2064 : index
      %get3A_105 = tpu.vector_load %arg9[%get3A_104] {strides = array<i32>} : memref<4096xf32, #tpu.memory_space<vmem>>, vector<16xf32>,
      %add3A_106 = arith.addf %add3A_103, %get3A_105 : vector<16xf32>
      %get3A_107 = arith.constant 2320 : index
      %get3A_108 = tpu.vector_load %arg9[%get3A_107] {strides = array<i32>} : memref<4096xf32, #tpu.memory_space<vmem>>, vector<16xf32>,
      %add3A_109 = arith.addf %add3A_106, %get3A_108 : vector<16xf32>
      %get3A_110 = arith.constant 2576 : index
      %get3A_111 = tpu.vector_load %arg9[%get3A_110] {strides = array<i32>} : memref<4096xf32, #tpu.memory_space<vmem>>, vector<16xf32>,
      %add3A_112 = arith.addf %add3A_109, %get3A_111 : vector<16xf32>
      %get3A_113 = arith.constant 2832 : index
      %get3A_114 = tpu.vector_load %arg9[%get3A_113] {strides = array<i32>} : memref<4096xf32, #tpu.memory_space<vmem>>, vector<16xf32>,
      %add3A_115 = arith.addf %add3A_112, %get3A_114 : vector<16xf32>
      %get3A_116 = arith.constant 3088 : index
      %get3A_117 = tpu.vector_load %arg9[%get3A_116] {strides = array<i32>} : memref<4096xf32, #tpu.memory_space<vmem>>, vector<16xf32>,
      %add3A_118 = arith.addf %add3A_115, %get3A_117 : vector<16xf32>
      %get3A_119 = arith.constant 3344 : index
      %get3A_120 = tpu.vector_load %arg9[%get3A_119] {strides = array<i32>} : memref<4096xf32, #tpu.memory_space<vmem>>, vector<16xf32>,
      %add3A_121 = arith.addf %add3A_118, %get3A_120 : vector<16xf32>
      %get3A_122 = arith.constant 3600 : index
      %get3A_123 = tpu.vector_load %arg9[%get3A_122] {strides = array<i32>} : memref<4096xf32, #tpu.memory_space<vmem>>, vector<16xf32>,
      %add3A_124 = arith.addf %add3A_121, %get3A_123 : vector<16xf32>
      %get3A_125 = arith.constant 3856 : index
      %get3A_126 = tpu.vector_load %arg9[%get3A_125] {strides = array<i32>} : memref<4096xf32, #tpu.memory_space<vmem>>, vector<16xf32>,
      %add3A_127 = arith.addf %add3A_124, %get3A_126 : vector<16xf32>
      %broadcast_in_dim3A_128 = arith.constant true
      %broadcast_in_dim3A_129 = vector.broadcast %broadcast_in_dim3A_128 : i1 to vector<16xi1>
      %masked_cumsum3A_130 = tpu.scan <sum>, %add3A_127 masked %broadcast_in_dim3A_129 : vector<16xf32>, vector<16xi1> -> vector<16xf32>
      %add3A_131 = vector.broadcast %squeeze3A : f32 to vector<16xf32>
      %add3A_132 = arith.addf %masked_cumsum3A_130, %add3A_131 : vector<16xf32>
      %swap3A_133 = arith.constant 16 : index
      %swap3A_134 = tpu.vector_load %arg10[%swap3A_133] {strides = array<i32>} : memref<256xf32, #tpu.memory_space<vmem>>, vector<16xf32>,
      tpu.vector_store %arg10[%swap3A_133], %add3A_132 {strides = array<i32>} : memref<256xf32, #tpu.memory_space<vmem>>, vector<16xf32>,
      %slice3A_135 = vector.extract_strided_slice %add3A_132 {offsets = [15], sizes = [1], strides = [1]} : vector<16xf32> to vector<1xf32>
      %squeeze3A_136 = vector.extract %slice3A_135[0] : f32 from vector<1xf32>
      %get3A_137 = arith.constant 32 : index
      %get3A_138 = tpu.vector_load %arg9[%get3A_137] {strides = array<i32>} : memref<4096xf32, #tpu.memory_space<vmem>>, vector<16xf32>,
      %get3A_139 = arith.constant 288 : index
      %get3A_140 = tpu.vector_load %arg9[%get3A_139] {strides = array<i32>} : memref<4096xf32, #tpu.memory_space<vmem>>, vector<16xf32>,
      %add3A_141 = arith.addf %get3A_138, %get3A_140 : vector<16xf32>
      %get3A_142 = arith.constant 544 : index
      %get3A_143 = tpu.vector_load %arg9[%get3A_142] {strides = array<i32>} : memref<4096xf32, #tpu.memory_space<vmem>>, vector<16xf32>,
      %add3A_144 = arith.addf %add3A_141, %get3A_143 : vector<16xf32>
      %get3A_145 = arith.constant 800 : index
      %get3A_146 = tpu.vector_load %arg9[%get3A_145] {strides = array<i32>} : memref<4096xf32, #tpu.memory_space<vmem>>, vector<16xf32>,
      %add3A_147 = arith.addf %add3A_144, %get3A_146 : vector<16xf32>
      %get3A_148 = arith.constant 1056 : index
      %get3A_149 = tpu.vector_load %arg9[%get3A_148] {strides = array<i32>} : memref<4096xf32, #tpu.memory_space<vmem>>, vector<16xf32>,
      %add3A_150 = arith.addf %add3A_147, %get3A_149 : vector<16xf32>
      %get3A_151 = arith.constant 1312 : index
      %get3A_152 = tpu.vector_load %arg9[%get3A_151] {strides = array<i32>} : memref<4096xf32, #tpu.memory_space<vmem>>, vector<16xf32>,
      %add3A_153 = arith.addf %add3A_150, %get3A_152 : vector<16xf32>
      %get3A_154 = arith.constant 1568 : index
      %get3A_155 = tpu.vector_load %arg9[%get3A_154] {strides = array<i32>} : memref<4096xf32, #tpu.memory_space<vmem>>, vector<16xf32>,
      %add3A_156 = arith.addf %add3A_153, %get3A_155 : vector<16xf32>
      %get3A_157 = arith.constant 1824 : index
      %get3A_158 = tpu.vector_load %arg9[%get3A_157] {strides = array<i32>} : memref<4096xf32, #tpu.memory_space<vmem>>, vector<16xf32>,
      %add3A_159 = arith.addf %add3A_156, %get3A_158 : vector<16xf32>
      %get3A_160 = arith.constant 2080 : index
      %get3A_161 = tpu.vector_load %arg9[%get3A_160] {strides = array<i32>} : memref<4096xf32, #tpu.memory_space<vmem>>, vector<16xf32>,
      %add3A_162 = arith.addf %add3A_159, %get3A_161 : vector<16xf32>
      %get3A_163 = arith.constant 2336 : index
      %get3A_164 = tpu.vector_load %arg9[%get3A_163] {strides = array<i32>} : memref<4096xf32, #tpu.memory_space<vmem>>, vector<16xf32>,
      %add3A_165 = arith.addf %add3A_162, %get3A_164 : vector<16xf32>
      %get3A_166 = arith.constant 2592 : index
      %get3A_167 = tpu.vector_load %arg9[%get3A_166] {strides = array<i32>} : memref<4096xf32, #tpu.memory_space<vmem>>, vector<16xf32>,
      %add3A_168 = arith.addf %add3A_165, %get3A_167 : vector<16xf32>
      %get3A_169 = arith.constant 2848 : index
      %get3A_170 = tpu.vector_load %arg9[%get3A_169] {strides = array<i32>} : memref<4096xf32, #tpu.memory_space<vmem>>, vector<16xf32>,
      %add3A_171 = arith.addf %add3A_168, %get3A_170 : vector<16xf32>
      %get3A_172 = arith.constant 3104 : index
      %get3A_173 = tpu.vector_load %arg9[%get3A_172] {strides = array<i32>} : memref<4096xf32, #tpu.memory_space<vmem>>, vector<16xf32>,
      %add3A_174 = arith.addf %add3A_171, %get3A_173 : vector<16xf32>
      %get3A_175 = arith.constant 3360 : index
      %get3A_176 = tpu.vector_load %arg9[%get3A_175] {strides = array<i32>} : memref<4096xf32, #tpu.memory_space<vmem>>, vector<16xf32>,
      %add3A_177 = arith.addf %add3A_174, %get3A_176 : vector<16xf32>
      %get3A_178 = arith.constant 3616 : index
      %get3A_179 = tpu.vector_load %arg9[%get3A_178] {strides = array<i32>} : memref<4096xf32, #tpu.memory_space<vmem>>, vector<16xf32>,
      %add3A_180 = arith.addf %add3A_177, %get3A_179 : vector<16xf32>
      %get3A_181 = arith.constant 3872 : index
      %get3A_182 = tpu.vector_load %arg9[%get3A_181] {strides = array<i32>} : memref<4096xf32, #tpu.memory_space<vmem>>, vector<16xf32>,
      %add3A_183 = arith.addf %add3A_180, %get3A_182 : vector<16xf32>
      %broadcast_in_dim3A_184 = arith.constant true
      %broadcast_in_dim3A_185 = vector.broadcast %broadcast_in_dim3A_184 : i1 to vector<16xi1>
      %masked_cumsum3A_186 = tpu.scan <sum>, %add3A_183 masked %broadcast_in_dim3A_185 : vector<16xf32>, vector<16xi1> -> vector<16xf32>
      %add3A_187 = vector.broadcast %squeeze3A_136 : f32 to vector<16xf32>
      %add3A_188 = arith.addf %masked_cumsum3A_186, %add3A_187 : vector<16xf32>
      %swap3A_189 = arith.constant 32 : index
      %swap3A_190 = tpu.vector_load %arg10[%swap3A_189] {strides = array<i32>} : memref<256xf32, #tpu.memory_space<vmem>>, vector<16xf32>,
      tpu.vector_store %arg10[%swap3A_189], %add3A_188 {strides = array<i32>} : memref<256xf32, #tpu.memory_space<vmem>>, vector<16xf32>,
      %slice3A_191 = vector.extract_strided_slice %add3A_188 {offsets = [15], sizes = [1], strides = [1]} : vector<16xf32> to vector<1xf32>
      %squeeze3A_192 = vector.extract %slice3A_191[0] : f32 from vector<1xf32>
      %get3A_193 = arith.constant 48 : index
      %get3A_194 = tpu.vector_load %arg9[%get3A_193] {strides = array<i32>} : memref<4096xf32, #tpu.memory_space<vmem>>, vector<16xf32>,
      %get3A_195 = arith.constant 304 : index
      %get3A_196 = tpu.vector_load %arg9[%get3A_195] {strides = array<i32>} : memref<4096xf32, #tpu.memory_space<vmem>>, vector<16xf32>,
      %add3A_197 = arith.addf %get3A_194, %get3A_196 : vector<16xf32>
      %get3A_198 = arith.constant 560 : index
      %get3A_199 = tpu.vector_load %arg9[%get3A_198] {strides = array<i32>} : memref<4096xf32, #tpu.memory_space<vmem>>, vector<16xf32>,
      %add3A_200 = arith.addf %add3A_197, %get3A_199 : vector<16xf32>
      %get3A_201 = arith.constant 816 : index
      %get3A_202 = tpu.vector_load %arg9[%get3A_201] {strides = array<i32>} : memref<4096xf32, #tpu.memory_space<vmem>>, vector<16xf32>,
      %add3A_203 = arith.addf %add3A_200, %get3A_202 : vector<16xf32>
      %get3A_204 = arith.constant 1072 : index
      %get3A_205 = tpu.vector_load %arg9[%get3A_204] {strides = array<i32>} : memref<4096xf32, #tpu.memory_space<vmem>>, vector<16xf32>,
      %add3A_206 = arith.addf %add3A_203, %get3A_205 : vector<16xf32>
      %get3A_207 = arith.constant 1328 : index
      %get3A_208 = tpu.vector_load %arg9[%get3A_207] {strides = array<i32>} : memref<4096xf32, #tpu.memory_space<vmem>>, vector<16xf32>,
      %add3A_209 = arith.addf %add3A_206, %get3A_208 : vector<16xf32>
      %get3A_210 = arith.constant 1584 : index
      %get3A_211 = tpu.vector_load %arg9[%get3A_210] {strides = array<i32>} : memref<4096xf32, #tpu.memory_space<vmem>>, vector<16xf32>,
      %add3A_212 = arith.addf %add3A_209, %get3A_211 : vector<16xf32>
      %get3A_213 = arith.constant 1840 : index
      %get3A_214 = tpu.vector_load %arg9[%get3A_213] {strides = array<i32>} : memref<4096xf32, #tpu.memory_space<vmem>>, vector<16xf32>,
      %add3A_215 = arith.addf %add3A_212, %get3A_214 : vector<16xf32>
      %get3A_216 = arith.constant 2096 : index
      %get3A_217 = tpu.vector_load %arg9[%get3A_216] {strides = array<i32>} : memref<4096xf32, #tpu.memory_space<vmem>>, vector<16xf32>,
      %add3A_218 = arith.addf %add3A_215, %get3A_217 : vector<16xf32>
      %get3A_219 = arith.constant 2352 : index
      %get3A_220 = tpu.vector_load %arg9[%get3A_219] {strides = array<i32>} : memref<4096xf32, #tpu.memory_space<vmem>>, vector<16xf32>,
      %add3A_221 = arith.addf %add3A_218, %get3A_220 : vector<16xf32>
      %get3A_222 = arith.constant 2608 : index
      %get3A_223 = tpu.vector_load %arg9[%get3A_222] {strides = array<i32>} : memref<4096xf32, #tpu.memory_space<vmem>>, vector<16xf32>,
      %add3A_224 = arith.addf %add3A_221, %get3A_223 : vector<16xf32>
      %get3A_225 = arith.constant 2864 : index
      %get3A_226 = tpu.vector_load %arg9[%get3A_225] {strides = array<i32>} : memref<4096xf32, #tpu.memory_space<vmem>>, vector<16xf32>,
      %add3A_227 = arith.addf %add3A_224, %get3A_226 : vector<16xf32>
      %get3A_228 = arith.constant 3120 : index
      %get3A_229 = tpu.vector_load %arg9[%get3A_228] {strides = array<i32>} : memref<4096xf32, #tpu.memory_space<vmem>>, vector<16xf32>,
      %add3A_230 = arith.addf %add3A_227, %get3A_229 : vector<16xf32>
      %get3A_231 = arith.constant 3376 : index
      %get3A_232 = tpu.vector_load %arg9[%get3A_231] {strides = array<i32>} : memref<4096xf32, #tpu.memory_space<vmem>>, vector<16xf32>,
      %add3A_233 = arith.addf %add3A_230, %get3A_232 : vector<16xf32>
      %get3A_234 = arith.constant 3632 : index
      %get3A_235 = tpu.vector_load %arg9[%get3A_234] {strides = array<i32>} : memref<4096xf32, #tpu.memory_space<vmem>>, vector<16xf32>,
      %add3A_236 = arith.addf %add3A_233, %get3A_235 : vector<16xf32>
      %get3A_237 = arith.constant 3888 : index
      %get3A_238 = tpu.vector_load %arg9[%get3A_237] {strides = array<i32>} : memref<4096xf32, #tpu.memory_space<vmem>>, vector<16xf32>,
      %add3A_239 = arith.addf %add3A_236, %get3A_238 : vector<16xf32>
      %broadcast_in_dim3A_240 = arith.constant true
      %broadcast_in_dim3A_241 = vector.broadcast %broadcast_in_dim3A_240 : i1 to vector<16xi1>
      %masked_cumsum3A_242 = tpu.scan <sum>, %add3A_239 masked %broadcast_in_dim3A_241 : vector<16xf32>, vector<16xi1> -> vector<16xf32>
      %add3A_243 = vector.broadcast %squeeze3A_192 : f32 to vector<16xf32>
      %add3A_244 = arith.addf %masked_cumsum3A_242, %add3A_243 : vector<16xf32>
      %swap3A_245 = arith.constant 48 : index
      %swap3A_246 = tpu.vector_load %arg10[%swap3A_245] {strides = array<i32>} : memref<256xf32, #tpu.memory_space<vmem>>, vector<16xf32>,
      tpu.vector_store %arg10[%swap3A_245], %add3A_244 {strides = array<i32>} : memref<256xf32, #tpu.memory_space<vmem>>, vector<16xf32>,
      %slice3A_247 = vector.extract_strided_slice %add3A_244 {offsets = [15], sizes = [1], strides = [1]} : vector<16xf32> to vector<1xf32>
      %squeeze3A_248 = vector.extract %slice3A_247[0] : f32 from vector<1xf32>
      %get3A_249 = arith.constant 64 : index
      %get3A_250 = tpu.vector_load %arg9[%get3A_249] {strides = array<i32>} : memref<4096xf32, #tpu.memory_space<vmem>>, vector<16xf32>,
      %get3A_251 = arith.constant 320 : index
      %get3A_252 = tpu.vector_load %arg9[%get3A_251] {strides = array<i32>} : memref<4096xf32, #tpu.memory_space<vmem>>, vector<16xf32>,
      %add3A_253 = arith.addf %get3A_250, %get3A_252 : vector<16xf32>
      %get3A_254 = arith.constant 576 : index
      %get3A_255 = tpu.vector_load %arg9[%get3A_254] {strides = array<i32>} : memref<4096xf32, #tpu.memory_space<vmem>>, vector<16xf32>,
      %add3A_256 = arith.addf %add3A_253, %get3A_255 : vector<16xf32>
      %get3A_257 = arith.constant 832 : index
      %get3A_258 = tpu.vector_load %arg9[%get3A_257] {strides = array<i32>} : memref<4096xf32, #tpu.memory_space<vmem>>, vector<16xf32>,
      %add3A_259 = arith.addf %add3A_256, %get3A_258 : vector<16xf32>
      %get3A_260 = arith.constant 1088 : index
      %get3A_261 = tpu.vector_load %arg9[%get3A_260] {strides = array<i32>} : memref<4096xf32, #tpu.memory_space<vmem>>, vector<16xf32>,
      %add3A_262 = arith.addf %add3A_259, %get3A_261 : vector<16xf32>
      %get3A_263 = arith.constant 1344 : index
      %get3A_264 = tpu.vector_load %arg9[%get3A_263] {strides = array<i32>} : memref<4096xf32, #tpu.memory_space<vmem>>, vector<16xf32>,
      %add3A_265 = arith.addf %add3A_262, %get3A_264 : vector<16xf32>
      %get3A_266 = arith.constant 1600 : index
      %get3A_267 = tpu.vector_load %arg9[%get3A_266] {strides = array<i32>} : memref<4096xf32, #tpu.memory_space<vmem>>, vector<16xf32>,
      %add3A_268 = arith.addf %add3A_265, %get3A_267 : vector<16xf32>
      %get3A_269 = arith.constant 1856 : index
      %get3A_270 = tpu.vector_load %arg9[%get3A_269] {strides = array<i32>} : memref<4096xf32, #tpu.memory_space<vmem>>, vector<16xf32>,
      %add3A_271 = arith.addf %add3A_268, %get3A_270 : vector<16xf32>
      %get3A_272 = arith.constant 2112 : index
      %get3A_273 = tpu.vector_load %arg9[%get3A_272] {strides = array<i32>} : memref<4096xf32, #tpu.memory_space<vmem>>, vector<16xf32>,
      %add3A_274 = arith.addf %add3A_271, %get3A_273 : vector<16xf32>
      %get3A_275 = arith.constant 2368 : index
      %get3A_276 = tpu.vector_load %arg9[%get3A_275] {strides = array<i32>} : memref<4096xf32, #tpu.memory_space<vmem>>, vector<16xf32>,
      %add3A_277 = arith.addf %add3A_274, %get3A_276 : vector<16xf32>
      %get3A_278 = arith.constant 2624 : index
      %get3A_279 = tpu.vector_load %arg9[%get3A_278] {strides = array<i32>} : memref<4096xf32, #tpu.memory_space<vmem>>, vector<16xf32>,
      %add3A_280 = arith.addf %add3A_277, %get3A_279 : vector<16xf32>
      %get3A_281 = arith.constant 2880 : index
      %get3A_282 = tpu.vector_load %arg9[%get3A_281] {strides = array<i32>} : memref<4096xf32, #tpu.memory_space<vmem>>, vector<16xf32>,
      %add3A_283 = arith.addf %add3A_280, %get3A_282 : vector<16xf32>
      %get3A_284 = arith.constant 3136 : index
      %get3A_285 = tpu.vector_load %arg9[%get3A_284] {strides = array<i32>} : memref<4096xf32, #tpu.memory_space<vmem>>, vector<16xf32>,
      %add3A_286 = arith.addf %add3A_283, %get3A_285 : vector<16xf32>
      %get3A_287 = arith.constant 3392 : index
      %get3A_288 = tpu.vector_load %arg9[%get3A_287] {strides = array<i32>} : memref<4096xf32, #tpu.memory_space<vmem>>, vector<16xf32>,
      %add3A_289 = arith.addf %add3A_286, %get3A_288 : vector<16xf32>
      %get3A_290 = arith.constant 3648 : index
      %get3A_291 = tpu.vector_load %arg9[%get3A_290] {strides = array<i32>} : memref<4096xf32, #tpu.memory_space<vmem>>, vector<16xf32>,
      %add3A_292 = arith.addf %add3A_289, %get3A_291 : vector<16xf32>
      %get3A_293 = arith.constant 3904 : index
      %get3A_294 = tpu.vector_load %arg9[%get3A_293] {strides = array<i32>} : memref<4096xf32, #tpu.memory_space<vmem>>, vector<16xf32>,
      %add3A_295 = arith.addf %add3A_292, %get3A_294 : vector<16xf32>
      %broadcast_in_dim3A_296 = arith.constant true
      %broadcast_in_dim3A_297 = vector.broadcast %broadcast_in_dim3A_296 : i1 to vector<16xi1>
      %masked_cumsum3A_298 = tpu.scan <sum>, %add3A_295 masked %broadcast_in_dim3A_297 : vector<16xf32>, vector<16xi1> -> vector<16xf32>
      %add3A_299 = vector.broadcast %squeeze3A_248 : f32 to vector<16xf32>
      %add3A_300 = arith.addf %masked_cumsum3A_298, %add3A_299 : vector<16xf32>
      %swap3A_301 = arith.constant 64 : index
      %swap3A_302 = tpu.vector_load %arg10[%swap3A_301] {strides = array<i32>} : memref<256xf32, #tpu.memory_space<vmem>>, vector<16xf32>,
      tpu.vector_store %arg10[%swap3A_301], %add3A_300 {strides = array<i32>} : memref<256xf32, #tpu.memory_space<vmem>>, vector<16xf32>,
      %slice3A_303 = vector.extract_strided_slice %add3A_300 {offsets = [15], sizes = [1], strides = [1]} : vector<16xf32> to vector<1xf32>
      %squeeze3A_304 = vector.extract %slice3A_303[0] : f32 from vector<1xf32>
      %get3A_305 = arith.constant 80 : index
      %get3A_306 = tpu.vector_load %arg9[%get3A_305] {strides = array<i32>} : memref<4096xf32, #tpu.memory_space<vmem>>, vector<16xf32>,
      %get3A_307 = arith.constant 336 : index
      %get3A_308 = tpu.vector_load %arg9[%get3A_307] {strides = array<i32>} : memref<4096xf32, #tpu.memory_space<vmem>>, vector<16xf32>,
      %add3A_309 = arith.addf %get3A_306, %get3A_308 : vector<16xf32>
      %get3A_310 = arith.constant 592 : index
      %get3A_311 = tpu.vector_load %arg9[%get3A_310] {strides = array<i32>} : memref<4096xf32, #tpu.memory_space<vmem>>, vector<16xf32>,
      %add3A_312 = arith.addf %add3A_309, %get3A_311 : vector<16xf32>
      %get3A_313 = arith.constant 848 : index
      %get3A_314 = tpu.vector_load %arg9[%get3A_313] {strides = array<i32>} : memref<4096xf32, #tpu.memory_space<vmem>>, vector<16xf32>,
      %add3A_315 = arith.addf %add3A_312, %get3A_314 : vector<16xf32>
      %get3A_316 = arith.constant 1104 : index
      %get3A_317 = tpu.vector_load %arg9[%get3A_316] {strides = array<i32>} : memref<4096xf32, #tpu.memory_space<vmem>>, vector<16xf32>,
      %add3A_318 = arith.addf %add3A_315, %get3A_317 : vector<16xf32>
      %get3A_319 = arith.constant 1360 : index
      %get3A_320 = tpu.vector_load %arg9[%get3A_319] {strides = array<i32>} : memref<4096xf32, #tpu.memory_space<vmem>>, vector<16xf32>,
      %add3A_321 = arith.addf %add3A_318, %get3A_320 : vector<16xf32>
      %get3A_322 = arith.constant 1616 : index
      %get3A_323 = tpu.vector_load %arg9[%get3A_322] {strides = array<i32>} : memref<4096xf32, #tpu.memory_space<vmem>>, vector<16xf32>,
      %add3A_324 = arith.addf %add3A_321, %get3A_323 : vector<16xf32>
      %get3A_325 = arith.constant 1872 : index
      %get3A_326 = tpu.vector_load %arg9[%get3A_325] {strides = array<i32>} : memref<4096xf32, #tpu.memory_space<vmem>>, vector<16xf32>,
      %add3A_327 = arith.addf %add3A_324, %get3A_326 : vector<16xf32>
      %get3A_328 = arith.constant 2128 : index
      %get3A_329 = tpu.vector_load %arg9[%get3A_328] {strides = array<i32>} : memref<4096xf32, #tpu.memory_space<vmem>>, vector<16xf32>,
      %add3A_330 = arith.addf %add3A_327, %get3A_329 : vector<16xf32>
      %get3A_331 = arith.constant 2384 : index
      %get3A_332 = tpu.vector_load %arg9[%get3A_331] {strides = array<i32>} : memref<4096xf32, #tpu.memory_space<vmem>>, vector<16xf32>,
      %add3A_333 = arith.addf %add3A_330, %get3A_332 : vector<16xf32>
      %get3A_334 = arith.constant 2640 : index
      %get3A_335 = tpu.vector_load %arg9[%get3A_334] {strides = array<i32>} : memref<4096xf32, #tpu.memory_space<vmem>>, vector<16xf32>,
      %add3A_336 = arith.addf %add3A_333, %get3A_335 : vector<16xf32>
      %get3A_337 = arith.constant 2896 : index
      %get3A_338 = tpu.vector_load %arg9[%get3A_337] {strides = array<i32>} : memref<4096xf32, #tpu.memory_space<vmem>>, vector<16xf32>,
      %add3A_339 = arith.addf %add3A_336, %get3A_338 : vector<16xf32>
      %get3A_340 = arith.constant 3152 : index
      %get3A_341 = tpu.vector_load %arg9[%get3A_340] {strides = array<i32>} : memref<4096xf32, #tpu.memory_space<vmem>>, vector<16xf32>,
      %add3A_342 = arith.addf %add3A_339, %get3A_341 : vector<16xf32>
      %get3A_343 = arith.constant 3408 : index
      %get3A_344 = tpu.vector_load %arg9[%get3A_343] {strides = array<i32>} : memref<4096xf32, #tpu.memory_space<vmem>>, vector<16xf32>,
      %add3A_345 = arith.addf %add3A_342, %get3A_344 : vector<16xf32>
      %get3A_346 = arith.constant 3664 : index
      %get3A_347 = tpu.vector_load %arg9[%get3A_346] {strides = array<i32>} : memref<4096xf32, #tpu.memory_space<vmem>>, vector<16xf32>,
      %add3A_348 = arith.addf %add3A_345, %get3A_347 : vector<16xf32>
      %get3A_349 = arith.constant 3920 : index
      %get3A_350 = tpu.vector_load %arg9[%get3A_349] {strides = array<i32>} : memref<4096xf32, #tpu.memory_space<vmem>>, vector<16xf32>,
      %add3A_351 = arith.addf %add3A_348, %get3A_350 : vector<16xf32>
      %broadcast_in_dim3A_352 = arith.constant true
      %broadcast_in_dim3A_353 = vector.broadcast %broadcast_in_dim3A_352 : i1 to vector<16xi1>
      %masked_cumsum3A_354 = tpu.scan <sum>, %add3A_351 masked %broadcast_in_dim3A_353 : vector<16xf32>, vector<16xi1> -> vector<16xf32>
      %add3A_355 = vector.broadcast %squeeze3A_304 : f32 to vector<16xf32>
      %add3A_356 = arith.addf %masked_cumsum3A_354, %add3A_355 : vector<16xf32>
      %swap3A_357 = arith.constant 80 : index
      %swap3A_358 = tpu.vector_load %arg10[%swap3A_357] {strides = array<i32>} : memref<256xf32, #tpu.memory_space<vmem>>, vector<16xf32>,
      tpu.vector_store %arg10[%swap3A_357], %add3A_356 {strides = array<i32>} : memref<256xf32, #tpu.memory_space<vmem>>, vector<16xf32>,
      %slice3A_359 = vector.extract_strided_slice %add3A_356 {offsets = [15], sizes = [1], strides = [1]} : vector<16xf32> to vector<1xf32>
      %squeeze3A_360 = vector.extract %slice3A_359[0] : f32 from vector<1xf32>
      %get3A_361 = arith.constant 96 : index
      %get3A_362 = tpu.vector_load %arg9[%get3A_361] {strides = array<i32>} : memref<4096xf32, #tpu.memory_space<vmem>>, vector<16xf32>,
      %get3A_363 = arith.constant 352 : index
      %get3A_364 = tpu.vector_load %arg9[%get3A_363] {strides = array<i32>} : memref<4096xf32, #tpu.memory_space<vmem>>, vector<16xf32>,
      %add3A_365 = arith.addf %get3A_362, %get3A_364 : vector<16xf32>
      %get3A_366 = arith.constant 608 : index
      %get3A_367 = tpu.vector_load %arg9[%get3A_366] {strides = array<i32>} : memref<4096xf32, #tpu.memory_space<vmem>>, vector<16xf32>,
      %add3A_368 = arith.addf %add3A_365, %get3A_367 : vector<16xf32>
      %get3A_369 = arith.constant 864 : index
      %get3A_370 = tpu.vector_load %arg9[%get3A_369] {strides = array<i32>} : memref<4096xf32, #tpu.memory_space<vmem>>, vector<16xf32>,
      %add3A_371 = arith.addf %add3A_368, %get3A_370 : vector<16xf32>
      %get3A_372 = arith.constant 1120 : index
      %get3A_373 = tpu.vector_load %arg9[%get3A_372] {strides = array<i32>} : memref<4096xf32, #tpu.memory_space<vmem>>, vector<16xf32>,
      %add3A_374 = arith.addf %add3A_371, %get3A_373 : vector<16xf32>
      %get3A_375 = arith.constant 1376 : index
      %get3A_376 = tpu.vector_load %arg9[%get3A_375] {strides = array<i32>} : memref<4096xf32, #tpu.memory_space<vmem>>, vector<16xf32>,
      %add3A_377 = arith.addf %add3A_374, %get3A_376 : vector<16xf32>
      %get3A_378 = arith.constant 1632 : index
      %get3A_379 = tpu.vector_load %arg9[%get3A_378] {strides = array<i32>} : memref<4096xf32, #tpu.memory_space<vmem>>, vector<16xf32>,
      %add3A_380 = arith.addf %add3A_377, %get3A_379 : vector<16xf32>
      %get3A_381 = arith.constant 1888 : index
      %get3A_382 = tpu.vector_load %arg9[%get3A_381] {strides = array<i32>} : memref<4096xf32, #tpu.memory_space<vmem>>, vector<16xf32>,
      %add3A_383 = arith.addf %add3A_380, %get3A_382 : vector<16xf32>
      %get3A_384 = arith.constant 2144 : index
      %get3A_385 = tpu.vector_load %arg9[%get3A_384] {strides = array<i32>} : memref<4096xf32, #tpu.memory_space<vmem>>, vector<16xf32>,
      %add3A_386 = arith.addf %add3A_383, %get3A_385 : vector<16xf32>
      %get3A_387 = arith.constant 2400 : index
      %get3A_388 = tpu.vector_load %arg9[%get3A_387] {strides = array<i32>} : memref<4096xf32, #tpu.memory_space<vmem>>, vector<16xf32>,
      %add3A_389 = arith.addf %add3A_386, %get3A_388 : vector<16xf32>
      %get3A_390 = arith.constant 2656 : index
      %get3A_391 = tpu.vector_load %arg9[%get3A_390] {strides = array<i32>} : memref<4096xf32, #tpu.memory_space<vmem>>, vector<16xf32>,
      %add3A_392 = arith.addf %add3A_389, %get3A_391 : vector<16xf32>
      %get3A_393 = arith.constant 2912 : index
      %get3A_394 = tpu.vector_load %arg9[%get3A_393] {strides = array<i32>} : memref<4096xf32, #tpu.memory_space<vmem>>, vector<16xf32>,
      %add3A_395 = arith.addf %add3A_392, %get3A_394 : vector<16xf32>
      %get3A_396 = arith.constant 3168 : index
      %get3A_397 = tpu.vector_load %arg9[%get3A_396] {strides = array<i32>} : memref<4096xf32, #tpu.memory_space<vmem>>, vector<16xf32>,
      %add3A_398 = arith.addf %add3A_395, %get3A_397 : vector<16xf32>
      %get3A_399 = arith.constant 3424 : index
      %get3A_400 = tpu.vector_load %arg9[%get3A_399] {strides = array<i32>} : memref<4096xf32, #tpu.memory_space<vmem>>, vector<16xf32>,
      %add3A_401 = arith.addf %add3A_398, %get3A_400 : vector<16xf32>
      %get3A_402 = arith.constant 3680 : index
      %get3A_403 = tpu.vector_load %arg9[%get3A_402] {strides = array<i32>} : memref<4096xf32, #tpu.memory_space<vmem>>, vector<16xf32>,
      %add3A_404 = arith.addf %add3A_401, %get3A_403 : vector<16xf32>
      %get3A_405 = arith.constant 3936 : index
      %get3A_406 = tpu.vector_load %arg9[%get3A_405] {strides = array<i32>} : memref<4096xf32, #tpu.memory_space<vmem>>, vector<16xf32>,
      %add3A_407 = arith.addf %add3A_404, %get3A_406 : vector<16xf32>
      %broadcast_in_dim3A_408 = arith.constant true
      %broadcast_in_dim3A_409 = vector.broadcast %broadcast_in_dim3A_408 : i1 to vector<16xi1>
      %masked_cumsum3A_410 = tpu.scan <sum>, %add3A_407 masked %broadcast_in_dim3A_409 : vector<16xf32>, vector<16xi1> -> vector<16xf32>
      %add3A_411 = vector.broadcast %squeeze3A_360 : f32 to vector<16xf32>
      %add3A_412 = arith.addf %masked_cumsum3A_410, %add3A_411 : vector<16xf32>
      %swap3A_413 = arith.constant 96 : index
      %swap3A_414 = tpu.vector_load %arg10[%swap3A_413] {strides = array<i32>} : memref<256xf32, #tpu.memory_space<vmem>>, vector<16xf32>,
      tpu.vector_store %arg10[%swap3A_413], %add3A_412 {strides = array<i32>} : memref<256xf32, #tpu.memory_space<vmem>>, vector<16xf32>,
      %slice3A_415 = vector.extract_strided_slice %add3A_412 {offsets = [15], sizes = [1], strides = [1]} : vector<16xf32> to vector<1xf32>
      %squeeze3A_416 = vector.extract %slice3A_415[0] : f32 from vector<1xf32>
      %get3A_417 = arith.constant 112 : index
      %get3A_418 = tpu.vector_load %arg9[%get3A_417] {strides = array<i32>} : memref<4096xf32, #tpu.memory_space<vmem>>, vector<16xf32>,
      %get3A_419 = arith.constant 368 : index
      %get3A_420 = tpu.vector_load %arg9[%get3A_419] {strides = array<i32>} : memref<4096xf32, #tpu.memory_space<vmem>>, vector<16xf32>,
      %add3A_421 = arith.addf %get3A_418, %get3A_420 : vector<16xf32>
      %get3A_422 = arith.constant 624 : index
      %get3A_423 = tpu.vector_load %arg9[%get3A_422] {strides = array<i32>} : memref<4096xf32, #tpu.memory_space<vmem>>, vector<16xf32>,
      %add3A_424 = arith.addf %add3A_421, %get3A_423 : vector<16xf32>
      %get3A_425 = arith.constant 880 : index
      %get3A_426 = tpu.vector_load %arg9[%get3A_425] {strides = array<i32>} : memref<4096xf32, #tpu.memory_space<vmem>>, vector<16xf32>,
      %add3A_427 = arith.addf %add3A_424, %get3A_426 : vector<16xf32>
      %get3A_428 = arith.constant 1136 : index
      %get3A_429 = tpu.vector_load %arg9[%get3A_428] {strides = array<i32>} : memref<4096xf32, #tpu.memory_space<vmem>>, vector<16xf32>,
      %add3A_430 = arith.addf %add3A_427, %get3A_429 : vector<16xf32>
      %get3A_431 = arith.constant 1392 : index
      %get3A_432 = tpu.vector_load %arg9[%get3A_431] {strides = array<i32>} : memref<4096xf32, #tpu.memory_space<vmem>>, vector<16xf32>,
      %add3A_433 = arith.addf %add3A_430, %get3A_432 : vector<16xf32>
      %get3A_434 = arith.constant 1648 : index
      %get3A_435 = tpu.vector_load %arg9[%get3A_434] {strides = array<i32>} : memref<4096xf32, #tpu.memory_space<vmem>>, vector<16xf32>,
      %add3A_436 = arith.addf %add3A_433, %get3A_435 : vector<16xf32>
      %get3A_437 = arith.constant 1904 : index
      %get3A_438 = tpu.vector_load %arg9[%get3A_437] {strides = array<i32>} : memref<4096xf32, #tpu.memory_space<vmem>>, vector<16xf32>,
      %add3A_439 = arith.addf %add3A_436, %get3A_438 : vector<16xf32>
      %get3A_440 = arith.constant 2160 : index
      %get3A_441 = tpu.vector_load %arg9[%get3A_440] {strides = array<i32>} : memref<4096xf32, #tpu.memory_space<vmem>>, vector<16xf32>,
      %add3A_442 = arith.addf %add3A_439, %get3A_441 : vector<16xf32>
      %get3A_443 = arith.constant 2416 : index
      %get3A_444 = tpu.vector_load %arg9[%get3A_443] {strides = array<i32>} : memref<4096xf32, #tpu.memory_space<vmem>>, vector<16xf32>,
      %add3A_445 = arith.addf %add3A_442, %get3A_444 : vector<16xf32>
      %get3A_446 = arith.constant 2672 : index
      %get3A_447 = tpu.vector_load %arg9[%get3A_446] {strides = array<i32>} : memref<4096xf32, #tpu.memory_space<vmem>>, vector<16xf32>,
      %add3A_448 = arith.addf %add3A_445, %get3A_447 : vector<16xf32>
      %get3A_449 = arith.constant 2928 : index
      %get3A_450 = tpu.vector_load %arg9[%get3A_449] {strides = array<i32>} : memref<4096xf32, #tpu.memory_space<vmem>>, vector<16xf32>,
      %add3A_451 = arith.addf %add3A_448, %get3A_450 : vector<16xf32>
      %get3A_452 = arith.constant 3184 : index
      %get3A_453 = tpu.vector_load %arg9[%get3A_452] {strides = array<i32>} : memref<4096xf32, #tpu.memory_space<vmem>>, vector<16xf32>,
      %add3A_454 = arith.addf %add3A_451, %get3A_453 : vector<16xf32>
      %get3A_455 = arith.constant 3440 : index
      %get3A_456 = tpu.vector_load %arg9[%get3A_455] {strides = array<i32>} : memref<4096xf32, #tpu.memory_space<vmem>>, vector<16xf32>,
      %add3A_457 = arith.addf %add3A_454, %get3A_456 : vector<16xf32>
      %get3A_458 = arith.constant 3696 : index
      %get3A_459 = tpu.vector_load %arg9[%get3A_458] {strides = array<i32>} : memref<4096xf32, #tpu.memory_space<vmem>>, vector<16xf32>,
      %add3A_460 = arith.addf %add3A_457, %get3A_459 : vector<16xf32>
      %get3A_461 = arith.constant 3952 : index
      %get3A_462 = tpu.vector_load %arg9[%get3A_461] {strides = array<i32>} : memref<4096xf32, #tpu.memory_space<vmem>>, vector<16xf32>,
      %add3A_463 = arith.addf %add3A_460, %get3A_462 : vector<16xf32>
      %broadcast_in_dim3A_464 = arith.constant true
      %broadcast_in_dim3A_465 = vector.broadcast %broadcast_in_dim3A_464 : i1 to vector<16xi1>
      %masked_cumsum3A_466 = tpu.scan <sum>, %add3A_463 masked %broadcast_in_dim3A_465 : vector<16xf32>, vector<16xi1> -> vector<16xf32>
      %add3A_467 = vector.broadcast %squeeze3A_416 : f32 to vector<16xf32>
      %add3A_468 = arith.addf %masked_cumsum3A_466, %add3A_467 : vector<16xf32>
      %swap3A_469 = arith.constant 112 : index
      %swap3A_470 = tpu.vector_load %arg10[%swap3A_469] {strides = array<i32>} : memref<256xf32, #tpu.memory_space<vmem>>, vector<16xf32>,
      tpu.vector_store %arg10[%swap3A_469], %add3A_468 {strides = array<i32>} : memref<256xf32, #tpu.memory_space<vmem>>, vector<16xf32>,
      %slice3A_471 = vector.extract_strided_slice %add3A_468 {offsets = [15], sizes = [1], strides = [1]} : vector<16xf32> to vector<1xf32>
      %squeeze3A_472 = vector.extract %slice3A_471[0] : f32 from vector<1xf32>
      %get3A_473 = arith.constant 128 : index
      %get3A_474 = tpu.vector_load %arg9[%get3A_473] {strides = array<i32>} : memref<4096xf32, #tpu.memory_space<vmem>>, vector<16xf32>,
      %get3A_475 = arith.constant 384 : index
      %get3A_476 = tpu.vector_load %arg9[%get3A_475] {strides = array<i32>} : memref<4096xf32, #tpu.memory_space<vmem>>, vector<16xf32>,
      %add3A_477 = arith.addf %get3A_474, %get3A_476 : vector<16xf32>
      %get3A_478 = arith.constant 640 : index
      %get3A_479 = tpu.vector_load %arg9[%get3A_478] {strides = array<i32>} : memref<4096xf32, #tpu.memory_space<vmem>>, vector<16xf32>,
      %add3A_480 = arith.addf %add3A_477, %get3A_479 : vector<16xf32>
      %get3A_481 = arith.constant 896 : index
      %get3A_482 = tpu.vector_load %arg9[%get3A_481] {strides = array<i32>} : memref<4096xf32, #tpu.memory_space<vmem>>, vector<16xf32>,
      %add3A_483 = arith.addf %add3A_480, %get3A_482 : vector<16xf32>
      %get3A_484 = arith.constant 1152 : index
      %get3A_485 = tpu.vector_load %arg9[%get3A_484] {strides = array<i32>} : memref<4096xf32, #tpu.memory_space<vmem>>, vector<16xf32>,
      %add3A_486 = arith.addf %add3A_483, %get3A_485 : vector<16xf32>
      %get3A_487 = arith.constant 1408 : index
      %get3A_488 = tpu.vector_load %arg9[%get3A_487] {strides = array<i32>} : memref<4096xf32, #tpu.memory_space<vmem>>, vector<16xf32>,
      %add3A_489 = arith.addf %add3A_486, %get3A_488 : vector<16xf32>
      %get3A_490 = arith.constant 1664 : index
      %get3A_491 = tpu.vector_load %arg9[%get3A_490] {strides = array<i32>} : memref<4096xf32, #tpu.memory_space<vmem>>, vector<16xf32>,
      %add3A_492 = arith.addf %add3A_489, %get3A_491 : vector<16xf32>
      %get3A_493 = arith.constant 1920 : index
      %get3A_494 = tpu.vector_load %arg9[%get3A_493] {strides = array<i32>} : memref<4096xf32, #tpu.memory_space<vmem>>, vector<16xf32>,
      %add3A_495 = arith.addf %add3A_492, %get3A_494 : vector<16xf32>
      %get3A_496 = arith.constant 2176 : index
      %get3A_497 = tpu.vector_load %arg9[%get3A_496] {strides = array<i32>} : memref<4096xf32, #tpu.memory_space<vmem>>, vector<16xf32>,
      %add3A_498 = arith.addf %add3A_495, %get3A_497 : vector<16xf32>
      %get3A_499 = arith.constant 2432 : index
      %get3A_500 = tpu.vector_load %arg9[%get3A_499] {strides = array<i32>} : memref<4096xf32, #tpu.memory_space<vmem>>, vector<16xf32>,
      %add3A_501 = arith.addf %add3A_498, %get3A_500 : vector<16xf32>
      %get3A_502 = arith.constant 2688 : index
      %get3A_503 = tpu.vector_load %arg9[%get3A_502] {strides = array<i32>} : memref<4096xf32, #tpu.memory_space<vmem>>, vector<16xf32>,
      %add3A_504 = arith.addf %add3A_501, %get3A_503 : vector<16xf32>
      %get3A_505 = arith.constant 2944 : index
      %get3A_506 = tpu.vector_load %arg9[%get3A_505] {strides = array<i32>} : memref<4096xf32, #tpu.memory_space<vmem>>, vector<16xf32>,
      %add3A_507 = arith.addf %add3A_504, %get3A_506 : vector<16xf32>
      %get3A_508 = arith.constant 3200 : index
      %get3A_509 = tpu.vector_load %arg9[%get3A_508] {strides = array<i32>} : memref<4096xf32, #tpu.memory_space<vmem>>, vector<16xf32>,
      %add3A_510 = arith.addf %add3A_507, %get3A_509 : vector<16xf32>
      %get3A_511 = arith.constant 3456 : index
      %get3A_512 = tpu.vector_load %arg9[%get3A_511] {strides = array<i32>} : memref<4096xf32, #tpu.memory_space<vmem>>, vector<16xf32>,
      %add3A_513 = arith.addf %add3A_510, %get3A_512 : vector<16xf32>
      %get3A_514 = arith.constant 3712 : index
      %get3A_515 = tpu.vector_load %arg9[%get3A_514] {strides = array<i32>} : memref<4096xf32, #tpu.memory_space<vmem>>, vector<16xf32>,
      %add3A_516 = arith.addf %add3A_513, %get3A_515 : vector<16xf32>
      %get3A_517 = arith.constant 3968 : index
      %get3A_518 = tpu.vector_load %arg9[%get3A_517] {strides = array<i32>} : memref<4096xf32, #tpu.memory_space<vmem>>, vector<16xf32>,
      %add3A_519 = arith.addf %add3A_516, %get3A_518 : vector<16xf32>
      %broadcast_in_dim3A_520 = arith.constant true
      %broadcast_in_dim3A_521 = vector.broadcast %broadcast_in_dim3A_520 : i1 to vector<16xi1>
      %masked_cumsum3A_522 = tpu.scan <sum>, %add3A_519 masked %broadcast_in_dim3A_521 : vector<16xf32>, vector<16xi1> -> vector<16xf32>
      %add3A_523 = vector.broadcast %squeeze3A_472 : f32 to vector<16xf32>
      %add3A_524 = arith.addf %masked_cumsum3A_522, %add3A_523 : vector<16xf32>
      %swap3A_525 = arith.constant 128 : index
      %swap3A_526 = tpu.vector_load %arg10[%swap3A_525] {strides = array<i32>} : memref<256xf32, #tpu.memory_space<vmem>>, vector<16xf32>,
      tpu.vector_store %arg10[%swap3A_525], %add3A_524 {strides = array<i32>} : memref<256xf32, #tpu.memory_space<vmem>>, vector<16xf32>,
      %slice3A_527 = vector.extract_strided_slice %add3A_524 {offsets = [15], sizes = [1], strides = [1]} : vector<16xf32> to vector<1xf32>
      %squeeze3A_528 = vector.extract %slice3A_527[0] : f32 from vector<1xf32>
      %get3A_529 = arith.constant 144 : index
      %get3A_530 = tpu.vector_load %arg9[%get3A_529] {strides = array<i32>} : memref<4096xf32, #tpu.memory_space<vmem>>, vector<16xf32>,
      %get3A_531 = arith.constant 400 : index
      %get3A_532 = tpu.vector_load %arg9[%get3A_531] {strides = array<i32>} : memref<4096xf32, #tpu.memory_space<vmem>>, vector<16xf32>,
      %add3A_533 = arith.addf %get3A_530, %get3A_532 : vector<16xf32>
      %get3A_534 = arith.constant 656 : index
      %get3A_535 = tpu.vector_load %arg9[%get3A_534] {strides = array<i32>} : memref<4096xf32, #tpu.memory_space<vmem>>, vector<16xf32>,
      %add3A_536 = arith.addf %add3A_533, %get3A_535 : vector<16xf32>
      %get3A_537 = arith.constant 912 : index
      %get3A_538 = tpu.vector_load %arg9[%get3A_537] {strides = array<i32>} : memref<4096xf32, #tpu.memory_space<vmem>>, vector<16xf32>,
      %add3A_539 = arith.addf %add3A_536, %get3A_538 : vector<16xf32>
      %get3A_540 = arith.constant 1168 : index
      %get3A_541 = tpu.vector_load %arg9[%get3A_540] {strides = array<i32>} : memref<4096xf32, #tpu.memory_space<vmem>>, vector<16xf32>,
      %add3A_542 = arith.addf %add3A_539, %get3A_541 : vector<16xf32>
      %get3A_543 = arith.constant 1424 : index
      %get3A_544 = tpu.vector_load %arg9[%get3A_543] {strides = array<i32>} : memref<4096xf32, #tpu.memory_space<vmem>>, vector<16xf32>,
      %add3A_545 = arith.addf %add3A_542, %get3A_544 : vector<16xf32>
      %get3A_546 = arith.constant 1680 : index
      %get3A_547 = tpu.vector_load %arg9[%get3A_546] {strides = array<i32>} : memref<4096xf32, #tpu.memory_space<vmem>>, vector<16xf32>,
      %add3A_548 = arith.addf %add3A_545, %get3A_547 : vector<16xf32>
      %get3A_549 = arith.constant 1936 : index
      %get3A_550 = tpu.vector_load %arg9[%get3A_549] {strides = array<i32>} : memref<4096xf32, #tpu.memory_space<vmem>>, vector<16xf32>,
      %add3A_551 = arith.addf %add3A_548, %get3A_550 : vector<16xf32>
      %get3A_552 = arith.constant 2192 : index
      %get3A_553 = tpu.vector_load %arg9[%get3A_552] {strides = array<i32>} : memref<4096xf32, #tpu.memory_space<vmem>>, vector<16xf32>,
      %add3A_554 = arith.addf %add3A_551, %get3A_553 : vector<16xf32>
      %get3A_555 = arith.constant 2448 : index
      %get3A_556 = tpu.vector_load %arg9[%get3A_555] {strides = array<i32>} : memref<4096xf32, #tpu.memory_space<vmem>>, vector<16xf32>,
      %add3A_557 = arith.addf %add3A_554, %get3A_556 : vector<16xf32>
      %get3A_558 = arith.constant 2704 : index
      %get3A_559 = tpu.vector_load %arg9[%get3A_558] {strides = array<i32>} : memref<4096xf32, #tpu.memory_space<vmem>>, vector<16xf32>,
      %add3A_560 = arith.addf %add3A_557, %get3A_559 : vector<16xf32>
      %get3A_561 = arith.constant 2960 : index
      %get3A_562 = tpu.vector_load %arg9[%get3A_561] {strides = array<i32>} : memref<4096xf32, #tpu.memory_space<vmem>>, vector<16xf32>,
      %add3A_563 = arith.addf %add3A_560, %get3A_562 : vector<16xf32>
      %get3A_564 = arith.constant 3216 : index
      %get3A_565 = tpu.vector_load %arg9[%get3A_564] {strides = array<i32>} : memref<4096xf32, #tpu.memory_space<vmem>>, vector<16xf32>,
      %add3A_566 = arith.addf %add3A_563, %get3A_565 : vector<16xf32>
      %get3A_567 = arith.constant 3472 : index
      %get3A_568 = tpu.vector_load %arg9[%get3A_567] {strides = array<i32>} : memref<4096xf32, #tpu.memory_space<vmem>>, vector<16xf32>,
      %add3A_569 = arith.addf %add3A_566, %get3A_568 : vector<16xf32>
      %get3A_570 = arith.constant 3728 : index
      %get3A_571 = tpu.vector_load %arg9[%get3A_570] {strides = array<i32>} : memref<4096xf32, #tpu.memory_space<vmem>>, vector<16xf32>,
      %add3A_572 = arith.addf %add3A_569, %get3A_571 : vector<16xf32>
      %get3A_573 = arith.constant 3984 : index
      %get3A_574 = tpu.vector_load %arg9[%get3A_573] {strides = array<i32>} : memref<4096xf32, #tpu.memory_space<vmem>>, vector<16xf32>,
      %add3A_575 = arith.addf %add3A_572, %get3A_574 : vector<16xf32>
      %broadcast_in_dim3A_576 = arith.constant true
      %broadcast_in_dim3A_577 = vector.broadcast %broadcast_in_dim3A_576 : i1 to vector<16xi1>
      %masked_cumsum3A_578 = tpu.scan <sum>, %add3A_575 masked %broadcast_in_dim3A_577 : vector<16xf32>, vector<16xi1> -> vector<16xf32>
      %add3A_579 = vector.broadcast %squeeze3A_528 : f32 to vector<16xf32>
      %add3A_580 = arith.addf %masked_cumsum3A_578, %add3A_579 : vector<16xf32>
      %swap3A_581 = arith.constant 144 : index
      %swap3A_582 = tpu.vector_load %arg10[%swap3A_581] {strides = array<i32>} : memref<256xf32, #tpu.memory_space<vmem>>, vector<16xf32>,
      tpu.vector_store %arg10[%swap3A_581], %add3A_580 {strides = array<i32>} : memref<256xf32, #tpu.memory_space<vmem>>, vector<16xf32>,
      %slice3A_583 = vector.extract_strided_slice %add3A_580 {offsets = [15], sizes = [1], strides = [1]} : vector<16xf32> to vector<1xf32>
      %squeeze3A_584 = vector.extract %slice3A_583[0] : f32 from vector<1xf32>
      %get3A_585 = arith.constant 160 : index
      %get3A_586 = tpu.vector_load %arg9[%get3A_585] {strides = array<i32>} : memref<4096xf32, #tpu.memory_space<vmem>>, vector<16xf32>,
      %get3A_587 = arith.constant 416 : index
      %get3A_588 = tpu.vector_load %arg9[%get3A_587] {strides = array<i32>} : memref<4096xf32, #tpu.memory_space<vmem>>, vector<16xf32>,
      %add3A_589 = arith.addf %get3A_586, %get3A_588 : vector<16xf32>
      %get3A_590 = arith.constant 672 : index
      %get3A_591 = tpu.vector_load %arg9[%get3A_590] {strides = array<i32>} : memref<4096xf32, #tpu.memory_space<vmem>>, vector<16xf32>,
      %add3A_592 = arith.addf %add3A_589, %get3A_591 : vector<16xf32>
      %get3A_593 = arith.constant 928 : index
      %get3A_594 = tpu.vector_load %arg9[%get3A_593] {strides = array<i32>} : memref<4096xf32, #tpu.memory_space<vmem>>, vector<16xf32>,
      %add3A_595 = arith.addf %add3A_592, %get3A_594 : vector<16xf32>
      %get3A_596 = arith.constant 1184 : index
      %get3A_597 = tpu.vector_load %arg9[%get3A_596] {strides = array<i32>} : memref<4096xf32, #tpu.memory_space<vmem>>, vector<16xf32>,
      %add3A_598 = arith.addf %add3A_595, %get3A_597 : vector<16xf32>
      %get3A_599 = arith.constant 1440 : index
      %get3A_600 = tpu.vector_load %arg9[%get3A_599] {strides = array<i32>} : memref<4096xf32, #tpu.memory_space<vmem>>, vector<16xf32>,
      %add3A_601 = arith.addf %add3A_598, %get3A_600 : vector<16xf32>
      %get3A_602 = arith.constant 1696 : index
      %get3A_603 = tpu.vector_load %arg9[%get3A_602] {strides = array<i32>} : memref<4096xf32, #tpu.memory_space<vmem>>, vector<16xf32>,
      %add3A_604 = arith.addf %add3A_601, %get3A_603 : vector<16xf32>
      %get3A_605 = arith.constant 1952 : index
      %get3A_606 = tpu.vector_load %arg9[%get3A_605] {strides = array<i32>} : memref<4096xf32, #tpu.memory_space<vmem>>, vector<16xf32>,
      %add3A_607 = arith.addf %add3A_604, %get3A_606 : vector<16xf32>
      %get3A_608 = arith.constant 2208 : index
      %get3A_609 = tpu.vector_load %arg9[%get3A_608] {strides = array<i32>} : memref<4096xf32, #tpu.memory_space<vmem>>, vector<16xf32>,
      %add3A_610 = arith.addf %add3A_607, %get3A_609 : vector<16xf32>
      %get3A_611 = arith.constant 2464 : index
      %get3A_612 = tpu.vector_load %arg9[%get3A_611] {strides = array<i32>} : memref<4096xf32, #tpu.memory_space<vmem>>, vector<16xf32>,
      %add3A_613 = arith.addf %add3A_610, %get3A_612 : vector<16xf32>
      %get3A_614 = arith.constant 2720 : index
      %get3A_615 = tpu.vector_load %arg9[%get3A_614] {strides = array<i32>} : memref<4096xf32, #tpu.memory_space<vmem>>, vector<16xf32>,
      %add3A_616 = arith.addf %add3A_613, %get3A_615 : vector<16xf32>
      %get3A_617 = arith.constant 2976 : index
      %get3A_618 = tpu.vector_load %arg9[%get3A_617] {strides = array<i32>} : memref<4096xf32, #tpu.memory_space<vmem>>, vector<16xf32>,
      %add3A_619 = arith.addf %add3A_616, %get3A_618 : vector<16xf32>
      %get3A_620 = arith.constant 3232 : index
      %get3A_621 = tpu.vector_load %arg9[%get3A_620] {strides = array<i32>} : memref<4096xf32, #tpu.memory_space<vmem>>, vector<16xf32>,
      %add3A_622 = arith.addf %add3A_619, %get3A_621 : vector<16xf32>
      %get3A_623 = arith.constant 3488 : index
      %get3A_624 = tpu.vector_load %arg9[%get3A_623] {strides = array<i32>} : memref<4096xf32, #tpu.memory_space<vmem>>, vector<16xf32>,
      %add3A_625 = arith.addf %add3A_622, %get3A_624 : vector<16xf32>
      %get3A_626 = arith.constant 3744 : index
      %get3A_627 = tpu.vector_load %arg9[%get3A_626] {strides = array<i32>} : memref<4096xf32, #tpu.memory_space<vmem>>, vector<16xf32>,
      %add3A_628 = arith.addf %add3A_625, %get3A_627 : vector<16xf32>
      %get3A_629 = arith.constant 4000 : index
      %get3A_630 = tpu.vector_load %arg9[%get3A_629] {strides = array<i32>} : memref<4096xf32, #tpu.memory_space<vmem>>, vector<16xf32>,
      %add3A_631 = arith.addf %add3A_628, %get3A_630 : vector<16xf32>
      %broadcast_in_dim3A_632 = arith.constant true
      %broadcast_in_dim3A_633 = vector.broadcast %broadcast_in_dim3A_632 : i1 to vector<16xi1>
      %masked_cumsum3A_634 = tpu.scan <sum>, %add3A_631 masked %broadcast_in_dim3A_633 : vector<16xf32>, vector<16xi1> -> vector<16xf32>
      %add3A_635 = vector.broadcast %squeeze3A_584 : f32 to vector<16xf32>
      %add3A_636 = arith.addf %masked_cumsum3A_634, %add3A_635 : vector<16xf32>
      %swap3A_637 = arith.constant 160 : index
      %swap3A_638 = tpu.vector_load %arg10[%swap3A_637] {strides = array<i32>} : memref<256xf32, #tpu.memory_space<vmem>>, vector<16xf32>,
      tpu.vector_store %arg10[%swap3A_637], %add3A_636 {strides = array<i32>} : memref<256xf32, #tpu.memory_space<vmem>>, vector<16xf32>,
      %slice3A_639 = vector.extract_strided_slice %add3A_636 {offsets = [15], sizes = [1], strides = [1]} : vector<16xf32> to vector<1xf32>
      %squeeze3A_640 = vector.extract %slice3A_639[0] : f32 from vector<1xf32>
      %get3A_641 = arith.constant 176 : index
      %get3A_642 = tpu.vector_load %arg9[%get3A_641] {strides = array<i32>} : memref<4096xf32, #tpu.memory_space<vmem>>, vector<16xf32>,
      %get3A_643 = arith.constant 432 : index
      %get3A_644 = tpu.vector_load %arg9[%get3A_643] {strides = array<i32>} : memref<4096xf32, #tpu.memory_space<vmem>>, vector<16xf32>,
      %add3A_645 = arith.addf %get3A_642, %get3A_644 : vector<16xf32>
      %get3A_646 = arith.constant 688 : index
      %get3A_647 = tpu.vector_load %arg9[%get3A_646] {strides = array<i32>} : memref<4096xf32, #tpu.memory_space<vmem>>, vector<16xf32>,
      %add3A_648 = arith.addf %add3A_645, %get3A_647 : vector<16xf32>
      %get3A_649 = arith.constant 944 : index
      %get3A_650 = tpu.vector_load %arg9[%get3A_649] {strides = array<i32>} : memref<4096xf32, #tpu.memory_space<vmem>>, vector<16xf32>,
      %add3A_651 = arith.addf %add3A_648, %get3A_650 : vector<16xf32>
      %get3A_652 = arith.constant 1200 : index
      %get3A_653 = tpu.vector_load %arg9[%get3A_652] {strides = array<i32>} : memref<4096xf32, #tpu.memory_space<vmem>>, vector<16xf32>,
      %add3A_654 = arith.addf %add3A_651, %get3A_653 : vector<16xf32>
      %get3A_655 = arith.constant 1456 : index
      %get3A_656 = tpu.vector_load %arg9[%get3A_655] {strides = array<i32>} : memref<4096xf32, #tpu.memory_space<vmem>>, vector<16xf32>,
      %add3A_657 = arith.addf %add3A_654, %get3A_656 : vector<16xf32>
      %get3A_658 = arith.constant 1712 : index
      %get3A_659 = tpu.vector_load %arg9[%get3A_658] {strides = array<i32>} : memref<4096xf32, #tpu.memory_space<vmem>>, vector<16xf32>,
      %add3A_660 = arith.addf %add3A_657, %get3A_659 : vector<16xf32>
      %get3A_661 = arith.constant 1968 : index
      %get3A_662 = tpu.vector_load %arg9[%get3A_661] {strides = array<i32>} : memref<4096xf32, #tpu.memory_space<vmem>>, vector<16xf32>,
      %add3A_663 = arith.addf %add3A_660, %get3A_662 : vector<16xf32>
      %get3A_664 = arith.constant 2224 : index
      %get3A_665 = tpu.vector_load %arg9[%get3A_664] {strides = array<i32>} : memref<4096xf32, #tpu.memory_space<vmem>>, vector<16xf32>,
      %add3A_666 = arith.addf %add3A_663, %get3A_665 : vector<16xf32>
      %get3A_667 = arith.constant 2480 : index
      %get3A_668 = tpu.vector_load %arg9[%get3A_667] {strides = array<i32>} : memref<4096xf32, #tpu.memory_space<vmem>>, vector<16xf32>,
      %add3A_669 = arith.addf %add3A_666, %get3A_668 : vector<16xf32>
      %get3A_670 = arith.constant 2736 : index
      %get3A_671 = tpu.vector_load %arg9[%get3A_670] {strides = array<i32>} : memref<4096xf32, #tpu.memory_space<vmem>>, vector<16xf32>,
      %add3A_672 = arith.addf %add3A_669, %get3A_671 : vector<16xf32>
      %get3A_673 = arith.constant 2992 : index
      %get3A_674 = tpu.vector_load %arg9[%get3A_673] {strides = array<i32>} : memref<4096xf32, #tpu.memory_space<vmem>>, vector<16xf32>,
      %add3A_675 = arith.addf %add3A_672, %get3A_674 : vector<16xf32>
      %get3A_676 = arith.constant 3248 : index
      %get3A_677 = tpu.vector_load %arg9[%get3A_676] {strides = array<i32>} : memref<4096xf32, #tpu.memory_space<vmem>>, vector<16xf32>,
      %add3A_678 = arith.addf %add3A_675, %get3A_677 : vector<16xf32>
      %get3A_679 = arith.constant 3504 : index
      %get3A_680 = tpu.vector_load %arg9[%get3A_679] {strides = array<i32>} : memref<4096xf32, #tpu.memory_space<vmem>>, vector<16xf32>,
      %add3A_681 = arith.addf %add3A_678, %get3A_680 : vector<16xf32>
      %get3A_682 = arith.constant 3760 : index
      %get3A_683 = tpu.vector_load %arg9[%get3A_682] {strides = array<i32>} : memref<4096xf32, #tpu.memory_space<vmem>>, vector<16xf32>,
      %add3A_684 = arith.addf %add3A_681, %get3A_683 : vector<16xf32>
      %get3A_685 = arith.constant 4016 : index
      %get3A_686 = tpu.vector_load %arg9[%get3A_685] {strides = array<i32>} : memref<4096xf32, #tpu.memory_space<vmem>>, vector<16xf32>,
      %add3A_687 = arith.addf %add3A_684, %get3A_686 : vector<16xf32>
      %broadcast_in_dim3A_688 = arith.constant true
      %broadcast_in_dim3A_689 = vector.broadcast %broadcast_in_dim3A_688 : i1 to vector<16xi1>
      %masked_cumsum3A_690 = tpu.scan <sum>, %add3A_687 masked %broadcast_in_dim3A_689 : vector<16xf32>, vector<16xi1> -> vector<16xf32>
      %add3A_691 = vector.broadcast %squeeze3A_640 : f32 to vector<16xf32>
      %add3A_692 = arith.addf %masked_cumsum3A_690, %add3A_691 : vector<16xf32>
      %swap3A_693 = arith.constant 176 : index
      %swap3A_694 = tpu.vector_load %arg10[%swap3A_693] {strides = array<i32>} : memref<256xf32, #tpu.memory_space<vmem>>, vector<16xf32>,
      tpu.vector_store %arg10[%swap3A_693], %add3A_692 {strides = array<i32>} : memref<256xf32, #tpu.memory_space<vmem>>, vector<16xf32>,
      %slice3A_695 = vector.extract_strided_slice %add3A_692 {offsets = [15], sizes = [1], strides = [1]} : vector<16xf32> to vector<1xf32>
      %squeeze3A_696 = vector.extract %slice3A_695[0] : f32 from vector<1xf32>
      %get3A_697 = arith.constant 192 : index
      %get3A_698 = tpu.vector_load %arg9[%get3A_697] {strides = array<i32>} : memref<4096xf32, #tpu.memory_space<vmem>>, vector<16xf32>,
      %get3A_699 = arith.constant 448 : index
      %get3A_700 = tpu.vector_load %arg9[%get3A_699] {strides = array<i32>} : memref<4096xf32, #tpu.memory_space<vmem>>, vector<16xf32>,
      %add3A_701 = arith.addf %get3A_698, %get3A_700 : vector<16xf32>
      %get3A_702 = arith.constant 704 : index
      %get3A_703 = tpu.vector_load %arg9[%get3A_702] {strides = array<i32>} : memref<4096xf32, #tpu.memory_space<vmem>>, vector<16xf32>,
      %add3A_704 = arith.addf %add3A_701, %get3A_703 : vector<16xf32>
      %get3A_705 = arith.constant 960 : index
      %get3A_706 = tpu.vector_load %arg9[%get3A_705] {strides = array<i32>} : memref<4096xf32, #tpu.memory_space<vmem>>, vector<16xf32>,
      %add3A_707 = arith.addf %add3A_704, %get3A_706 : vector<16xf32>
      %get3A_708 = arith.constant 1216 : index
      %get3A_709 = tpu.vector_load %arg9[%get3A_708] {strides = array<i32>} : memref<4096xf32, #tpu.memory_space<vmem>>, vector<16xf32>,
      %add3A_710 = arith.addf %add3A_707, %get3A_709 : vector<16xf32>
      %get3A_711 = arith.constant 1472 : index
      %get3A_712 = tpu.vector_load %arg9[%get3A_711] {strides = array<i32>} : memref<4096xf32, #tpu.memory_space<vmem>>, vector<16xf32>,
      %add3A_713 = arith.addf %add3A_710, %get3A_712 : vector<16xf32>
      %get3A_714 = arith.constant 1728 : index
      %get3A_715 = tpu.vector_load %arg9[%get3A_714] {strides = array<i32>} : memref<4096xf32, #tpu.memory_space<vmem>>, vector<16xf32>,
      %add3A_716 = arith.addf %add3A_713, %get3A_715 : vector<16xf32>
      %get3A_717 = arith.constant 1984 : index
      %get3A_718 = tpu.vector_load %arg9[%get3A_717] {strides = array<i32>} : memref<4096xf32, #tpu.memory_space<vmem>>, vector<16xf32>,
      %add3A_719 = arith.addf %add3A_716, %get3A_718 : vector<16xf32>
      %get3A_720 = arith.constant 2240 : index
      %get3A_721 = tpu.vector_load %arg9[%get3A_720] {strides = array<i32>} : memref<4096xf32, #tpu.memory_space<vmem>>, vector<16xf32>,
      %add3A_722 = arith.addf %add3A_719, %get3A_721 : vector<16xf32>
      %get3A_723 = arith.constant 2496 : index
      %get3A_724 = tpu.vector_load %arg9[%get3A_723] {strides = array<i32>} : memref<4096xf32, #tpu.memory_space<vmem>>, vector<16xf32>,
      %add3A_725 = arith.addf %add3A_722, %get3A_724 : vector<16xf32>
      %get3A_726 = arith.constant 2752 : index
      %get3A_727 = tpu.vector_load %arg9[%get3A_726] {strides = array<i32>} : memref<4096xf32, #tpu.memory_space<vmem>>, vector<16xf32>,
      %add3A_728 = arith.addf %add3A_725, %get3A_727 : vector<16xf32>
      %get3A_729 = arith.constant 3008 : index
      %get3A_730 = tpu.vector_load %arg9[%get3A_729] {strides = array<i32>} : memref<4096xf32, #tpu.memory_space<vmem>>, vector<16xf32>,
      %add3A_731 = arith.addf %add3A_728, %get3A_730 : vector<16xf32>
      %get3A_732 = arith.constant 3264 : index
      %get3A_733 = tpu.vector_load %arg9[%get3A_732] {strides = array<i32>} : memref<4096xf32, #tpu.memory_space<vmem>>, vector<16xf32>,
      %add3A_734 = arith.addf %add3A_731, %get3A_733 : vector<16xf32>
      %get3A_735 = arith.constant 3520 : index
      %get3A_736 = tpu.vector_load %arg9[%get3A_735] {strides = array<i32>} : memref<4096xf32, #tpu.memory_space<vmem>>, vector<16xf32>,
      %add3A_737 = arith.addf %add3A_734, %get3A_736 : vector<16xf32>
      %get3A_738 = arith.constant 3776 : index
      %get3A_739 = tpu.vector_load %arg9[%get3A_738] {strides = array<i32>} : memref<4096xf32, #tpu.memory_space<vmem>>, vector<16xf32>,
      %add3A_740 = arith.addf %add3A_737, %get3A_739 : vector<16xf32>
      %get3A_741 = arith.constant 4032 : index
      %get3A_742 = tpu.vector_load %arg9[%get3A_741] {strides = array<i32>} : memref<4096xf32, #tpu.memory_space<vmem>>, vector<16xf32>,
      %add3A_743 = arith.addf %add3A_740, %get3A_742 : vector<16xf32>
      %broadcast_in_dim3A_744 = arith.constant true
      %broadcast_in_dim3A_745 = vector.broadcast %broadcast_in_dim3A_744 : i1 to vector<16xi1>
      %masked_cumsum3A_746 = tpu.scan <sum>, %add3A_743 masked %broadcast_in_dim3A_745 : vector<16xf32>, vector<16xi1> -> vector<16xf32>
      %add3A_747 = vector.broadcast %squeeze3A_696 : f32 to vector<16xf32>
      %add3A_748 = arith.addf %masked_cumsum3A_746, %add3A_747 : vector<16xf32>
      %swap3A_749 = arith.constant 192 : index
      %swap3A_750 = tpu.vector_load %arg10[%swap3A_749] {strides = array<i32>} : memref<256xf32, #tpu.memory_space<vmem>>, vector<16xf32>,
      tpu.vector_store %arg10[%swap3A_749], %add3A_748 {strides = array<i32>} : memref<256xf32, #tpu.memory_space<vmem>>, vector<16xf32>,
      %slice3A_751 = vector.extract_strided_slice %add3A_748 {offsets = [15], sizes = [1], strides = [1]} : vector<16xf32> to vector<1xf32>
      %squeeze3A_752 = vector.extract %slice3A_751[0] : f32 from vector<1xf32>
      %get3A_753 = arith.constant 208 : index
      %get3A_754 = tpu.vector_load %arg9[%get3A_753] {strides = array<i32>} : memref<4096xf32, #tpu.memory_space<vmem>>, vector<16xf32>,
      %get3A_755 = arith.constant 464 : index
      %get3A_756 = tpu.vector_load %arg9[%get3A_755] {strides = array<i32>} : memref<4096xf32, #tpu.memory_space<vmem>>, vector<16xf32>,
      %add3A_757 = arith.addf %get3A_754, %get3A_756 : vector<16xf32>
      %get3A_758 = arith.constant 720 : index
      %get3A_759 = tpu.vector_load %arg9[%get3A_758] {strides = array<i32>} : memref<4096xf32, #tpu.memory_space<vmem>>, vector<16xf32>,
      %add3A_760 = arith.addf %add3A_757, %get3A_759 : vector<16xf32>
      %get3A_761 = arith.constant 976 : index
      %get3A_762 = tpu.vector_load %arg9[%get3A_761] {strides = array<i32>} : memref<4096xf32, #tpu.memory_space<vmem>>, vector<16xf32>,
      %add3A_763 = arith.addf %add3A_760, %get3A_762 : vector<16xf32>
      %get3A_764 = arith.constant 1232 : index
      %get3A_765 = tpu.vector_load %arg9[%get3A_764] {strides = array<i32>} : memref<4096xf32, #tpu.memory_space<vmem>>, vector<16xf32>,
      %add3A_766 = arith.addf %add3A_763, %get3A_765 : vector<16xf32>
      %get3A_767 = arith.constant 1488 : index
      %get3A_768 = tpu.vector_load %arg9[%get3A_767] {strides = array<i32>} : memref<4096xf32, #tpu.memory_space<vmem>>, vector<16xf32>,
      %add3A_769 = arith.addf %add3A_766, %get3A_768 : vector<16xf32>
      %get3A_770 = arith.constant 1744 : index
      %get3A_771 = tpu.vector_load %arg9[%get3A_770] {strides = array<i32>} : memref<4096xf32, #tpu.memory_space<vmem>>, vector<16xf32>,
      %add3A_772 = arith.addf %add3A_769, %get3A_771 : vector<16xf32>
      %get3A_773 = arith.constant 2000 : index
      %get3A_774 = tpu.vector_load %arg9[%get3A_773] {strides = array<i32>} : memref<4096xf32, #tpu.memory_space<vmem>>, vector<16xf32>,
      %add3A_775 = arith.addf %add3A_772, %get3A_774 : vector<16xf32>
      %get3A_776 = arith.constant 2256 : index
      %get3A_777 = tpu.vector_load %arg9[%get3A_776] {strides = array<i32>} : memref<4096xf32, #tpu.memory_space<vmem>>, vector<16xf32>,
      %add3A_778 = arith.addf %add3A_775, %get3A_777 : vector<16xf32>
      %get3A_779 = arith.constant 2512 : index
      %get3A_780 = tpu.vector_load %arg9[%get3A_779] {strides = array<i32>} : memref<4096xf32, #tpu.memory_space<vmem>>, vector<16xf32>,
      %add3A_781 = arith.addf %add3A_778, %get3A_780 : vector<16xf32>
      %get3A_782 = arith.constant 2768 : index
      %get3A_783 = tpu.vector_load %arg9[%get3A_782] {strides = array<i32>} : memref<4096xf32, #tpu.memory_space<vmem>>, vector<16xf32>,
      %add3A_784 = arith.addf %add3A_781, %get3A_783 : vector<16xf32>
      %get3A_785 = arith.constant 3024 : index
      %get3A_786 = tpu.vector_load %arg9[%get3A_785] {strides = array<i32>} : memref<4096xf32, #tpu.memory_space<vmem>>, vector<16xf32>,
      %add3A_787 = arith.addf %add3A_784, %get3A_786 : vector<16xf32>
      %get3A_788 = arith.constant 3280 : index
      %get3A_789 = tpu.vector_load %arg9[%get3A_788] {strides = array<i32>} : memref<4096xf32, #tpu.memory_space<vmem>>, vector<16xf32>,
      %add3A_790 = arith.addf %add3A_787, %get3A_789 : vector<16xf32>
      %get3A_791 = arith.constant 3536 : index
      %get3A_792 = tpu.vector_load %arg9[%get3A_791] {strides = array<i32>} : memref<4096xf32, #tpu.memory_space<vmem>>, vector<16xf32>,
      %add3A_793 = arith.addf %add3A_790, %get3A_792 : vector<16xf32>
      %get3A_794 = arith.constant 3792 : index
      %get3A_795 = tpu.vector_load %arg9[%get3A_794] {strides = array<i32>} : memref<4096xf32, #tpu.memory_space<vmem>>, vector<16xf32>,
      %add3A_796 = arith.addf %add3A_793, %get3A_795 : vector<16xf32>
      %get3A_797 = arith.constant 4048 : index
      %get3A_798 = tpu.vector_load %arg9[%get3A_797] {strides = array<i32>} : memref<4096xf32, #tpu.memory_space<vmem>>, vector<16xf32>,
      %add3A_799 = arith.addf %add3A_796, %get3A_798 : vector<16xf32>
      %broadcast_in_dim3A_800 = arith.constant true
      %broadcast_in_dim3A_801 = vector.broadcast %broadcast_in_dim3A_800 : i1 to vector<16xi1>
      %masked_cumsum3A_802 = tpu.scan <sum>, %add3A_799 masked %broadcast_in_dim3A_801 : vector<16xf32>, vector<16xi1> -> vector<16xf32>
      %add3A_803 = vector.broadcast %squeeze3A_752 : f32 to vector<16xf32>
      %add3A_804 = arith.addf %masked_cumsum3A_802, %add3A_803 : vector<16xf32>
      %swap3A_805 = arith.constant 208 : index
      %swap3A_806 = tpu.vector_load %arg10[%swap3A_805] {strides = array<i32>} : memref<256xf32, #tpu.memory_space<vmem>>, vector<16xf32>,
      tpu.vector_store %arg10[%swap3A_805], %add3A_804 {strides = array<i32>} : memref<256xf32, #tpu.memory_space<vmem>>, vector<16xf32>,
      %slice3A_807 = vector.extract_strided_slice %add3A_804 {offsets = [15], sizes = [1], strides = [1]} : vector<16xf32> to vector<1xf32>
      %squeeze3A_808 = vector.extract %slice3A_807[0] : f32 from vector<1xf32>
      %get3A_809 = arith.constant 224 : index
      %get3A_810 = tpu.vector_load %arg9[%get3A_809] {strides = array<i32>} : memref<4096xf32, #tpu.memory_space<vmem>>, vector<16xf32>,
      %get3A_811 = arith.constant 480 : index
      %get3A_812 = tpu.vector_load %arg9[%get3A_811] {strides = array<i32>} : memref<4096xf32, #tpu.memory_space<vmem>>, vector<16xf32>,
      %add3A_813 = arith.addf %get3A_810, %get3A_812 : vector<16xf32>
      %get3A_814 = arith.constant 736 : index
      %get3A_815 = tpu.vector_load %arg9[%get3A_814] {strides = array<i32>} : memref<4096xf32, #tpu.memory_space<vmem>>, vector<16xf32>,
      %add3A_816 = arith.addf %add3A_813, %get3A_815 : vector<16xf32>
      %get3A_817 = arith.constant 992 : index
      %get3A_818 = tpu.vector_load %arg9[%get3A_817] {strides = array<i32>} : memref<4096xf32, #tpu.memory_space<vmem>>, vector<16xf32>,
      %add3A_819 = arith.addf %add3A_816, %get3A_818 : vector<16xf32>
      %get3A_820 = arith.constant 1248 : index
      %get3A_821 = tpu.vector_load %arg9[%get3A_820] {strides = array<i32>} : memref<4096xf32, #tpu.memory_space<vmem>>, vector<16xf32>,
      %add3A_822 = arith.addf %add3A_819, %get3A_821 : vector<16xf32>
      %get3A_823 = arith.constant 1504 : index
      %get3A_824 = tpu.vector_load %arg9[%get3A_823] {strides = array<i32>} : memref<4096xf32, #tpu.memory_space<vmem>>, vector<16xf32>,
      %add3A_825 = arith.addf %add3A_822, %get3A_824 : vector<16xf32>
      %get3A_826 = arith.constant 1760 : index
      %get3A_827 = tpu.vector_load %arg9[%get3A_826] {strides = array<i32>} : memref<4096xf32, #tpu.memory_space<vmem>>, vector<16xf32>,
      %add3A_828 = arith.addf %add3A_825, %get3A_827 : vector<16xf32>
      %get3A_829 = arith.constant 2016 : index
      %get3A_830 = tpu.vector_load %arg9[%get3A_829] {strides = array<i32>} : memref<4096xf32, #tpu.memory_space<vmem>>, vector<16xf32>,
      %add3A_831 = arith.addf %add3A_828, %get3A_830 : vector<16xf32>
      %get3A_832 = arith.constant 2272 : index
      %get3A_833 = tpu.vector_load %arg9[%get3A_832] {strides = array<i32>} : memref<4096xf32, #tpu.memory_space<vmem>>, vector<16xf32>,
      %add3A_834 = arith.addf %add3A_831, %get3A_833 : vector<16xf32>
      %get3A_835 = arith.constant 2528 : index
      %get3A_836 = tpu.vector_load %arg9[%get3A_835] {strides = array<i32>} : memref<4096xf32, #tpu.memory_space<vmem>>, vector<16xf32>,
      %add3A_837 = arith.addf %add3A_834, %get3A_836 : vector<16xf32>
      %get3A_838 = arith.constant 2784 : index
      %get3A_839 = tpu.vector_load %arg9[%get3A_838] {strides = array<i32>} : memref<4096xf32, #tpu.memory_space<vmem>>, vector<16xf32>,
      %add3A_840 = arith.addf %add3A_837, %get3A_839 : vector<16xf32>
      %get3A_841 = arith.constant 3040 : index
      %get3A_842 = tpu.vector_load %arg9[%get3A_841] {strides = array<i32>} : memref<4096xf32, #tpu.memory_space<vmem>>, vector<16xf32>,
      %add3A_843 = arith.addf %add3A_840, %get3A_842 : vector<16xf32>
      %get3A_844 = arith.constant 3296 : index
      %get3A_845 = tpu.vector_load %arg9[%get3A_844] {strides = array<i32>} : memref<4096xf32, #tpu.memory_space<vmem>>, vector<16xf32>,
      %add3A_846 = arith.addf %add3A_843, %get3A_845 : vector<16xf32>
      %get3A_847 = arith.constant 3552 : index
      %get3A_848 = tpu.vector_load %arg9[%get3A_847] {strides = array<i32>} : memref<4096xf32, #tpu.memory_space<vmem>>, vector<16xf32>,
      %add3A_849 = arith.addf %add3A_846, %get3A_848 : vector<16xf32>
      %get3A_850 = arith.constant 3808 : index
      %get3A_851 = tpu.vector_load %arg9[%get3A_850] {strides = array<i32>} : memref<4096xf32, #tpu.memory_space<vmem>>, vector<16xf32>,
      %add3A_852 = arith.addf %add3A_849, %get3A_851 : vector<16xf32>
      %get3A_853 = arith.constant 4064 : index
      %get3A_854 = tpu.vector_load %arg9[%get3A_853] {strides = array<i32>} : memref<4096xf32, #tpu.memory_space<vmem>>, vector<16xf32>,
      %add3A_855 = arith.addf %add3A_852, %get3A_854 : vector<16xf32>
      %broadcast_in_dim3A_856 = arith.constant true
      %broadcast_in_dim3A_857 = vector.broadcast %broadcast_in_dim3A_856 : i1 to vector<16xi1>
      %masked_cumsum3A_858 = tpu.scan <sum>, %add3A_855 masked %broadcast_in_dim3A_857 : vector<16xf32>, vector<16xi1> -> vector<16xf32>
      %add3A_859 = vector.broadcast %squeeze3A_808 : f32 to vector<16xf32>
      %add3A_860 = arith.addf %masked_cumsum3A_858, %add3A_859 : vector<16xf32>
      %swap3A_861 = arith.constant 224 : index
      %swap3A_862 = tpu.vector_load %arg10[%swap3A_861] {strides = array<i32>} : memref<256xf32, #tpu.memory_space<vmem>>, vector<16xf32>,
      tpu.vector_store %arg10[%swap3A_861], %add3A_860 {strides = array<i32>} : memref<256xf32, #tpu.memory_space<vmem>>, vector<16xf32>,
      %slice3A_863 = vector.extract_strided_slice %add3A_860 {offsets = [15], sizes = [1], strides = [1]} : vector<16xf32> to vector<1xf32>
      %squeeze3A_864 = vector.extract %slice3A_863[0] : f32 from vector<1xf32>
      %get3A_865 = arith.constant 240 : index
      %get3A_866 = tpu.vector_load %arg9[%get3A_865] {strides = array<i32>} : memref<4096xf32, #tpu.memory_space<vmem>>, vector<16xf32>,
      %get3A_867 = arith.constant 496 : index
      %get3A_868 = tpu.vector_load %arg9[%get3A_867] {strides = array<i32>} : memref<4096xf32, #tpu.memory_space<vmem>>, vector<16xf32>,
      %add3A_869 = arith.addf %get3A_866, %get3A_868 : vector<16xf32>
      %get3A_870 = arith.constant 752 : index
      %get3A_871 = tpu.vector_load %arg9[%get3A_870] {strides = array<i32>} : memref<4096xf32, #tpu.memory_space<vmem>>, vector<16xf32>,
      %add3A_872 = arith.addf %add3A_869, %get3A_871 : vector<16xf32>
      %get3A_873 = arith.constant 1008 : index
      %get3A_874 = tpu.vector_load %arg9[%get3A_873] {strides = array<i32>} : memref<4096xf32, #tpu.memory_space<vmem>>, vector<16xf32>,
      %add3A_875 = arith.addf %add3A_872, %get3A_874 : vector<16xf32>
      %get3A_876 = arith.constant 1264 : index
      %get3A_877 = tpu.vector_load %arg9[%get3A_876] {strides = array<i32>} : memref<4096xf32, #tpu.memory_space<vmem>>, vector<16xf32>,
      %add3A_878 = arith.addf %add3A_875, %get3A_877 : vector<16xf32>
      %get3A_879 = arith.constant 1520 : index
      %get3A_880 = tpu.vector_load %arg9[%get3A_879] {strides = array<i32>} : memref<4096xf32, #tpu.memory_space<vmem>>, vector<16xf32>,
      %add3A_881 = arith.addf %add3A_878, %get3A_880 : vector<16xf32>
      %get3A_882 = arith.constant 1776 : index
      %get3A_883 = tpu.vector_load %arg9[%get3A_882] {strides = array<i32>} : memref<4096xf32, #tpu.memory_space<vmem>>, vector<16xf32>,
      %add3A_884 = arith.addf %add3A_881, %get3A_883 : vector<16xf32>
      %get3A_885 = arith.constant 2032 : index
      %get3A_886 = tpu.vector_load %arg9[%get3A_885] {strides = array<i32>} : memref<4096xf32, #tpu.memory_space<vmem>>, vector<16xf32>,
      %add3A_887 = arith.addf %add3A_884, %get3A_886 : vector<16xf32>
      %get3A_888 = arith.constant 2288 : index
      %get3A_889 = tpu.vector_load %arg9[%get3A_888] {strides = array<i32>} : memref<4096xf32, #tpu.memory_space<vmem>>, vector<16xf32>,
      %add3A_890 = arith.addf %add3A_887, %get3A_889 : vector<16xf32>
      %get3A_891 = arith.constant 2544 : index
      %get3A_892 = tpu.vector_load %arg9[%get3A_891] {strides = array<i32>} : memref<4096xf32, #tpu.memory_space<vmem>>, vector<16xf32>,
      %add3A_893 = arith.addf %add3A_890, %get3A_892 : vector<16xf32>
      %get3A_894 = arith.constant 2800 : index
      %get3A_895 = tpu.vector_load %arg9[%get3A_894] {strides = array<i32>} : memref<4096xf32, #tpu.memory_space<vmem>>, vector<16xf32>,
      %add3A_896 = arith.addf %add3A_893, %get3A_895 : vector<16xf32>
      %get3A_897 = arith.constant 3056 : index
      %get3A_898 = tpu.vector_load %arg9[%get3A_897] {strides = array<i32>} : memref<4096xf32, #tpu.memory_space<vmem>>, vector<16xf32>,
      %add3A_899 = arith.addf %add3A_896, %get3A_898 : vector<16xf32>
      %get3A_900 = arith.constant 3312 : index
      %get3A_901 = tpu.vector_load %arg9[%get3A_900] {strides = array<i32>} : memref<4096xf32, #tpu.memory_space<vmem>>, vector<16xf32>,
      %add3A_902 = arith.addf %add3A_899, %get3A_901 : vector<16xf32>
      %get3A_903 = arith.constant 3568 : index
      %get3A_904 = tpu.vector_load %arg9[%get3A_903] {strides = array<i32>} : memref<4096xf32, #tpu.memory_space<vmem>>, vector<16xf32>,
      %add3A_905 = arith.addf %add3A_902, %get3A_904 : vector<16xf32>
      %get3A_906 = arith.constant 3824 : index
      %get3A_907 = tpu.vector_load %arg9[%get3A_906] {strides = array<i32>} : memref<4096xf32, #tpu.memory_space<vmem>>, vector<16xf32>,
      %add3A_908 = arith.addf %add3A_905, %get3A_907 : vector<16xf32>
      %get3A_909 = arith.constant 4080 : index
      %get3A_910 = tpu.vector_load %arg9[%get3A_909] {strides = array<i32>} : memref<4096xf32, #tpu.memory_space<vmem>>, vector<16xf32>,
      %add3A_911 = arith.addf %add3A_908, %get3A_910 : vector<16xf32>
      %broadcast_in_dim3A_912 = arith.constant true
      %broadcast_in_dim3A_913 = vector.broadcast %broadcast_in_dim3A_912 : i1 to vector<16xi1>
      %masked_cumsum3A_914 = tpu.scan <sum>, %add3A_911 masked %broadcast_in_dim3A_913 : vector<16xf32>, vector<16xi1> -> vector<16xf32>
      %add3A_915 = vector.broadcast %squeeze3A_864 : f32 to vector<16xf32>
      %add3A_916 = arith.addf %masked_cumsum3A_914, %add3A_915 : vector<16xf32>
      %swap3A_917 = arith.constant 240 : index
      %swap3A_918 = tpu.vector_load %arg10[%swap3A_917] {strides = array<i32>} : memref<256xf32, #tpu.memory_space<vmem>>, vector<16xf32>,
      tpu.vector_store %arg10[%swap3A_917], %add3A_916 {strides = array<i32>} : memref<256xf32, #tpu.memory_space<vmem>>, vector<16xf32>,
      %slice3A_919 = vector.extract_strided_slice %add3A_916 {offsets = [15], sizes = [1], strides = [1]} : vector<16xf32> to vector<1xf32>
      %squeeze3A_920 = vector.extract %slice3A_919[0] : f32 from vector<1xf32>
      %get3A_921 = arith.constant 0 : index
      %get3A_922 = tpu.vector_load %arg10[%get3A_921] {strides = array<i32>} : memref<256xf32, #tpu.memory_space<vmem>>, vector<16xf32>,
      %lt3A = vector.broadcast %squeeze3A_920 : f32 to vector<16xf32>
      %lt3A_923 = arith.cmpf olt, %get3A_922, %lt3A : vector<16xf32>
      %jit3A = arith.constant 0.000000e+00 : f32
      %broadcast_in_dim3A_924 = vector.broadcast %jit3A : f32 to vector<16xf32>
      %select_n3A = arith.select %lt3A_923, %get3A_922, %broadcast_in_dim3A_924 : vector<16xi1>, vector<16xf32>
      %reduce_max3A = arith.constant true
      %reduce_max3A_925 = vector.broadcast %reduce_max3A : i1 to vector<16xi1>
      %reduce_max3A_926 = tpu.scan <max>, %select_n3A masked %reduce_max3A_925 : vector<16xf32>, vector<16xi1> -> vector<16xf32>
      %reduce_max3A_927 = vector.extract %reduce_max3A_926[15] : f32 from vector<16xf32>
      %max3A = arith.constant 0.000000e+00 : f32
      %max3A_928 = arith.maximumf %max3A, %reduce_max3A_927 : f32
      %get3A_929 = arith.constant 16 : index
      %get3A_930 = tpu.vector_load %arg10[%get3A_929] {strides = array<i32>} : memref<256xf32, #tpu.memory_space<vmem>>, vector<16xf32>,
      %lt3A_931 = vector.broadcast %squeeze3A_920 : f32 to vector<16xf32>
      %lt3A_932 = arith.cmpf olt, %get3A_930, %lt3A_931 : vector<16xf32>
      %jit3A_933 = arith.constant 0.000000e+00 : f32
      %broadcast_in_dim3A_934 = vector.broadcast %jit3A_933 : f32 to vector<16xf32>
      %select_n3A_935 = arith.select %lt3A_932, %get3A_930, %broadcast_in_dim3A_934 : vector<16xi1>, vector<16xf32>
      %reduce_max3A_936 = arith.constant true
      %reduce_max3A_937 = vector.broadcast %reduce_max3A_936 : i1 to vector<16xi1>
      %reduce_max3A_938 = tpu.scan <max>, %select_n3A_935 masked %reduce_max3A_937 : vector<16xf32>, vector<16xi1> -> vector<16xf32>
      %reduce_max3A_939 = vector.extract %reduce_max3A_938[15] : f32 from vector<16xf32>
      %max3A_940 = arith.maximumf %max3A_928, %reduce_max3A_939 : f32
      %get3A_941 = arith.constant 32 : index
      %get3A_942 = tpu.vector_load %arg10[%get3A_941] {strides = array<i32>} : memref<256xf32, #tpu.memory_space<vmem>>, vector<16xf32>,
      %lt3A_943 = vector.broadcast %squeeze3A_920 : f32 to vector<16xf32>
      %lt3A_944 = arith.cmpf olt, %get3A_942, %lt3A_943 : vector<16xf32>
      %jit3A_945 = arith.constant 0.000000e+00 : f32
      %broadcast_in_dim3A_946 = vector.broadcast %jit3A_945 : f32 to vector<16xf32>
      %select_n3A_947 = arith.select %lt3A_944, %get3A_942, %broadcast_in_dim3A_946 : vector<16xi1>, vector<16xf32>
      %reduce_max3A_948 = arith.constant true
      %reduce_max3A_949 = vector.broadcast %reduce_max3A_948 : i1 to vector<16xi1>
      %reduce_max3A_950 = tpu.scan <max>, %select_n3A_947 masked %reduce_max3A_949 : vector<16xf32>, vector<16xi1> -> vector<16xf32>
      %reduce_max3A_951 = vector.extract %reduce_max3A_950[15] : f32 from vector<16xf32>
      %max3A_952 = arith.maximumf %max3A_940, %reduce_max3A_951 : f32
      %get3A_953 = arith.constant 48 : index
      %get3A_954 = tpu.vector_load %arg10[%get3A_953] {strides = array<i32>} : memref<256xf32, #tpu.memory_space<vmem>>, vector<16xf32>,
      %lt3A_955 = vector.broadcast %squeeze3A_920 : f32 to vector<16xf32>
      %lt3A_956 = arith.cmpf olt, %get3A_954, %lt3A_955 : vector<16xf32>
      %jit3A_957 = arith.constant 0.000000e+00 : f32
      %broadcast_in_dim3A_958 = vector.broadcast %jit3A_957 : f32 to vector<16xf32>
      %select_n3A_959 = arith.select %lt3A_956, %get3A_954, %broadcast_in_dim3A_958 : vector<16xi1>, vector<16xf32>
      %reduce_max3A_960 = arith.constant true
      %reduce_max3A_961 = vector.broadcast %reduce_max3A_960 : i1 to vector<16xi1>
      %reduce_max3A_962 = tpu.scan <max>, %select_n3A_959 masked %reduce_max3A_961 : vector<16xf32>, vector<16xi1> -> vector<16xf32>
      %reduce_max3A_963 = vector.extract %reduce_max3A_962[15] : f32 from vector<16xf32>
      %max3A_964 = arith.maximumf %max3A_952, %reduce_max3A_963 : f32
      %get3A_965 = arith.constant 64 : index
      %get3A_966 = tpu.vector_load %arg10[%get3A_965] {strides = array<i32>} : memref<256xf32, #tpu.memory_space<vmem>>, vector<16xf32>,
      %lt3A_967 = vector.broadcast %squeeze3A_920 : f32 to vector<16xf32>
      %lt3A_968 = arith.cmpf olt, %get3A_966, %lt3A_967 : vector<16xf32>
      %jit3A_969 = arith.constant 0.000000e+00 : f32
      %broadcast_in_dim3A_970 = vector.broadcast %jit3A_969 : f32 to vector<16xf32>
      %select_n3A_971 = arith.select %lt3A_968, %get3A_966, %broadcast_in_dim3A_970 : vector<16xi1>, vector<16xf32>
      %reduce_max3A_972 = arith.constant true
      %reduce_max3A_973 = vector.broadcast %reduce_max3A_972 : i1 to vector<16xi1>
      %reduce_max3A_974 = tpu.scan <max>, %select_n3A_971 masked %reduce_max3A_973 : vector<16xf32>, vector<16xi1> -> vector<16xf32>
      %reduce_max3A_975 = vector.extract %reduce_max3A_974[15] : f32 from vector<16xf32>
      %max3A_976 = arith.maximumf %max3A_964, %reduce_max3A_975 : f32
      %get3A_977 = arith.constant 80 : index
      %get3A_978 = tpu.vector_load %arg10[%get3A_977] {strides = array<i32>} : memref<256xf32, #tpu.memory_space<vmem>>, vector<16xf32>,
      %lt3A_979 = vector.broadcast %squeeze3A_920 : f32 to vector<16xf32>
      %lt3A_980 = arith.cmpf olt, %get3A_978, %lt3A_979 : vector<16xf32>
      %jit3A_981 = arith.constant 0.000000e+00 : f32
      %broadcast_in_dim3A_982 = vector.broadcast %jit3A_981 : f32 to vector<16xf32>
      %select_n3A_983 = arith.select %lt3A_980, %get3A_978, %broadcast_in_dim3A_982 : vector<16xi1>, vector<16xf32>
      %reduce_max3A_984 = arith.constant true
      %reduce_max3A_985 = vector.broadcast %reduce_max3A_984 : i1 to vector<16xi1>
      %reduce_max3A_986 = tpu.scan <max>, %select_n3A_983 masked %reduce_max3A_985 : vector<16xf32>, vector<16xi1> -> vector<16xf32>
      %reduce_max3A_987 = vector.extract %reduce_max3A_986[15] : f32 from vector<16xf32>
      %max3A_988 = arith.maximumf %max3A_976, %reduce_max3A_987 : f32
      %get3A_989 = arith.constant 96 : index
      %get3A_990 = tpu.vector_load %arg10[%get3A_989] {strides = array<i32>} : memref<256xf32, #tpu.memory_space<vmem>>, vector<16xf32>,
      %lt3A_991 = vector.broadcast %squeeze3A_920 : f32 to vector<16xf32>
      %lt3A_992 = arith.cmpf olt, %get3A_990, %lt3A_991 : vector<16xf32>
      %jit3A_993 = arith.constant 0.000000e+00 : f32
      %broadcast_in_dim3A_994 = vector.broadcast %jit3A_993 : f32 to vector<16xf32>
      %select_n3A_995 = arith.select %lt3A_992, %get3A_990, %broadcast_in_dim3A_994 : vector<16xi1>, vector<16xf32>
      %reduce_max3A_996 = arith.constant true
      %reduce_max3A_997 = vector.broadcast %reduce_max3A_996 : i1 to vector<16xi1>
      %reduce_max3A_998 = tpu.scan <max>, %select_n3A_995 masked %reduce_max3A_997 : vector<16xf32>, vector<16xi1> -> vector<16xf32>
      %reduce_max3A_999 = vector.extract %reduce_max3A_998[15] : f32 from vector<16xf32>
      %max3A_1000 = arith.maximumf %max3A_988, %reduce_max3A_999 : f32
      %get3A_1001 = arith.constant 112 : index
      %get3A_1002 = tpu.vector_load %arg10[%get3A_1001] {strides = array<i32>} : memref<256xf32, #tpu.memory_space<vmem>>, vector<16xf32>,
      %lt3A_1003 = vector.broadcast %squeeze3A_920 : f32 to vector<16xf32>
      %lt3A_1004 = arith.cmpf olt, %get3A_1002, %lt3A_1003 : vector<16xf32>
      %jit3A_1005 = arith.constant 0.000000e+00 : f32
      %broadcast_in_dim3A_1006 = vector.broadcast %jit3A_1005 : f32 to vector<16xf32>
      %select_n3A_1007 = arith.select %lt3A_1004, %get3A_1002, %broadcast_in_dim3A_1006 : vector<16xi1>, vector<16xf32>
      %reduce_max3A_1008 = arith.constant true
      %reduce_max3A_1009 = vector.broadcast %reduce_max3A_1008 : i1 to vector<16xi1>
      %reduce_max3A_1010 = tpu.scan <max>, %select_n3A_1007 masked %reduce_max3A_1009 : vector<16xf32>, vector<16xi1> -> vector<16xf32>
      %reduce_max3A_1011 = vector.extract %reduce_max3A_1010[15] : f32 from vector<16xf32>
      %max3A_1012 = arith.maximumf %max3A_1000, %reduce_max3A_1011 : f32
      %get3A_1013 = arith.constant 128 : index
      %get3A_1014 = tpu.vector_load %arg10[%get3A_1013] {strides = array<i32>} : memref<256xf32, #tpu.memory_space<vmem>>, vector<16xf32>,
      %lt3A_1015 = vector.broadcast %squeeze3A_920 : f32 to vector<16xf32>
      %lt3A_1016 = arith.cmpf olt, %get3A_1014, %lt3A_1015 : vector<16xf32>
      %jit3A_1017 = arith.constant 0.000000e+00 : f32
      %broadcast_in_dim3A_1018 = vector.broadcast %jit3A_1017 : f32 to vector<16xf32>
      %select_n3A_1019 = arith.select %lt3A_1016, %get3A_1014, %broadcast_in_dim3A_1018 : vector<16xi1>, vector<16xf32>
      %reduce_max3A_1020 = arith.constant true
      %reduce_max3A_1021 = vector.broadcast %reduce_max3A_1020 : i1 to vector<16xi1>
      %reduce_max3A_1022 = tpu.scan <max>, %select_n3A_1019 masked %reduce_max3A_1021 : vector<16xf32>, vector<16xi1> -> vector<16xf32>
      %reduce_max3A_1023 = vector.extract %reduce_max3A_1022[15] : f32 from vector<16xf32>
      %max3A_1024 = arith.maximumf %max3A_1012, %reduce_max3A_1023 : f32
      %get3A_1025 = arith.constant 144 : index
      %get3A_1026 = tpu.vector_load %arg10[%get3A_1025] {strides = array<i32>} : memref<256xf32, #tpu.memory_space<vmem>>, vector<16xf32>,
      %lt3A_1027 = vector.broadcast %squeeze3A_920 : f32 to vector<16xf32>
      %lt3A_1028 = arith.cmpf olt, %get3A_1026, %lt3A_1027 : vector<16xf32>
      %jit3A_1029 = arith.constant 0.000000e+00 : f32
      %broadcast_in_dim3A_1030 = vector.broadcast %jit3A_1029 : f32 to vector<16xf32>
      %select_n3A_1031 = arith.select %lt3A_1028, %get3A_1026, %broadcast_in_dim3A_1030 : vector<16xi1>, vector<16xf32>
      %reduce_max3A_1032 = arith.constant true
      %reduce_max3A_1033 = vector.broadcast %reduce_max3A_1032 : i1 to vector<16xi1>
      %reduce_max3A_1034 = tpu.scan <max>, %select_n3A_1031 masked %reduce_max3A_1033 : vector<16xf32>, vector<16xi1> -> vector<16xf32>
      %reduce_max3A_1035 = vector.extract %reduce_max3A_1034[15] : f32 from vector<16xf32>
      %max3A_1036 = arith.maximumf %max3A_1024, %reduce_max3A_1035 : f32
      %get3A_1037 = arith.constant 160 : index
      %get3A_1038 = tpu.vector_load %arg10[%get3A_1037] {strides = array<i32>} : memref<256xf32, #tpu.memory_space<vmem>>, vector<16xf32>,
      %lt3A_1039 = vector.broadcast %squeeze3A_920 : f32 to vector<16xf32>
      %lt3A_1040 = arith.cmpf olt, %get3A_1038, %lt3A_1039 : vector<16xf32>
      %jit3A_1041 = arith.constant 0.000000e+00 : f32
      %broadcast_in_dim3A_1042 = vector.broadcast %jit3A_1041 : f32 to vector<16xf32>
      %select_n3A_1043 = arith.select %lt3A_1040, %get3A_1038, %broadcast_in_dim3A_1042 : vector<16xi1>, vector<16xf32>
      %reduce_max3A_1044 = arith.constant true
      %reduce_max3A_1045 = vector.broadcast %reduce_max3A_1044 : i1 to vector<16xi1>
      %reduce_max3A_1046 = tpu.scan <max>, %select_n3A_1043 masked %reduce_max3A_1045 : vector<16xf32>, vector<16xi1> -> vector<16xf32>
      %reduce_max3A_1047 = vector.extract %reduce_max3A_1046[15] : f32 from vector<16xf32>
      %max3A_1048 = arith.maximumf %max3A_1036, %reduce_max3A_1047 : f32
      %get3A_1049 = arith.constant 176 : index
      %get3A_1050 = tpu.vector_load %arg10[%get3A_1049] {strides = array<i32>} : memref<256xf32, #tpu.memory_space<vmem>>, vector<16xf32>,
      %lt3A_1051 = vector.broadcast %squeeze3A_920 : f32 to vector<16xf32>
      %lt3A_1052 = arith.cmpf olt, %get3A_1050, %lt3A_1051 : vector<16xf32>
      %jit3A_1053 = arith.constant 0.000000e+00 : f32
      %broadcast_in_dim3A_1054 = vector.broadcast %jit3A_1053 : f32 to vector<16xf32>
      %select_n3A_1055 = arith.select %lt3A_1052, %get3A_1050, %broadcast_in_dim3A_1054 : vector<16xi1>, vector<16xf32>
      %reduce_max3A_1056 = arith.constant true
      %reduce_max3A_1057 = vector.broadcast %reduce_max3A_1056 : i1 to vector<16xi1>
      %reduce_max3A_1058 = tpu.scan <max>, %select_n3A_1055 masked %reduce_max3A_1057 : vector<16xf32>, vector<16xi1> -> vector<16xf32>
      %reduce_max3A_1059 = vector.extract %reduce_max3A_1058[15] : f32 from vector<16xf32>
      %max3A_1060 = arith.maximumf %max3A_1048, %reduce_max3A_1059 : f32
      %get3A_1061 = arith.constant 192 : index
      %get3A_1062 = tpu.vector_load %arg10[%get3A_1061] {strides = array<i32>} : memref<256xf32, #tpu.memory_space<vmem>>, vector<16xf32>,
      %lt3A_1063 = vector.broadcast %squeeze3A_920 : f32 to vector<16xf32>
      %lt3A_1064 = arith.cmpf olt, %get3A_1062, %lt3A_1063 : vector<16xf32>
      %jit3A_1065 = arith.constant 0.000000e+00 : f32
      %broadcast_in_dim3A_1066 = vector.broadcast %jit3A_1065 : f32 to vector<16xf32>
      %select_n3A_1067 = arith.select %lt3A_1064, %get3A_1062, %broadcast_in_dim3A_1066 : vector<16xi1>, vector<16xf32>
      %reduce_max3A_1068 = arith.constant true
      %reduce_max3A_1069 = vector.broadcast %reduce_max3A_1068 : i1 to vector<16xi1>
      %reduce_max3A_1070 = tpu.scan <max>, %select_n3A_1067 masked %reduce_max3A_1069 : vector<16xf32>, vector<16xi1> -> vector<16xf32>
      %reduce_max3A_1071 = vector.extract %reduce_max3A_1070[15] : f32 from vector<16xf32>
      %max3A_1072 = arith.maximumf %max3A_1060, %reduce_max3A_1071 : f32
      %get3A_1073 = arith.constant 208 : index
      %get3A_1074 = tpu.vector_load %arg10[%get3A_1073] {strides = array<i32>} : memref<256xf32, #tpu.memory_space<vmem>>, vector<16xf32>,
      %lt3A_1075 = vector.broadcast %squeeze3A_920 : f32 to vector<16xf32>
      %lt3A_1076 = arith.cmpf olt, %get3A_1074, %lt3A_1075 : vector<16xf32>
      %jit3A_1077 = arith.constant 0.000000e+00 : f32
      %broadcast_in_dim3A_1078 = vector.broadcast %jit3A_1077 : f32 to vector<16xf32>
      %select_n3A_1079 = arith.select %lt3A_1076, %get3A_1074, %broadcast_in_dim3A_1078 : vector<16xi1>, vector<16xf32>
      %reduce_max3A_1080 = arith.constant true
      %reduce_max3A_1081 = vector.broadcast %reduce_max3A_1080 : i1 to vector<16xi1>
      %reduce_max3A_1082 = tpu.scan <max>, %select_n3A_1079 masked %reduce_max3A_1081 : vector<16xf32>, vector<16xi1> -> vector<16xf32>
      %reduce_max3A_1083 = vector.extract %reduce_max3A_1082[15] : f32 from vector<16xf32>
      %max3A_1084 = arith.maximumf %max3A_1072, %reduce_max3A_1083 : f32
      %get3A_1085 = arith.constant 224 : index
      %get3A_1086 = tpu.vector_load %arg10[%get3A_1085] {strides = array<i32>} : memref<256xf32, #tpu.memory_space<vmem>>, vector<16xf32>,
      %lt3A_1087 = vector.broadcast %squeeze3A_920 : f32 to vector<16xf32>
      %lt3A_1088 = arith.cmpf olt, %get3A_1086, %lt3A_1087 : vector<16xf32>
      %jit3A_1089 = arith.constant 0.000000e+00 : f32
      %broadcast_in_dim3A_1090 = vector.broadcast %jit3A_1089 : f32 to vector<16xf32>
      %select_n3A_1091 = arith.select %lt3A_1088, %get3A_1086, %broadcast_in_dim3A_1090 : vector<16xi1>, vector<16xf32>
      %reduce_max3A_1092 = arith.constant true
      %reduce_max3A_1093 = vector.broadcast %reduce_max3A_1092 : i1 to vector<16xi1>
      %reduce_max3A_1094 = tpu.scan <max>, %select_n3A_1091 masked %reduce_max3A_1093 : vector<16xf32>, vector<16xi1> -> vector<16xf32>
      %reduce_max3A_1095 = vector.extract %reduce_max3A_1094[15] : f32 from vector<16xf32>
      %max3A_1096 = arith.maximumf %max3A_1084, %reduce_max3A_1095 : f32
      %get3A_1097 = arith.constant 240 : index
      %get3A_1098 = tpu.vector_load %arg10[%get3A_1097] {strides = array<i32>} : memref<256xf32, #tpu.memory_space<vmem>>, vector<16xf32>,
      %lt3A_1099 = vector.broadcast %squeeze3A_920 : f32 to vector<16xf32>
      %lt3A_1100 = arith.cmpf olt, %get3A_1098, %lt3A_1099 : vector<16xf32>
      %jit3A_1101 = arith.constant 0.000000e+00 : f32
      %broadcast_in_dim3A_1102 = vector.broadcast %jit3A_1101 : f32 to vector<16xf32>
      %select_n3A_1103 = arith.select %lt3A_1100, %get3A_1098, %broadcast_in_dim3A_1102 : vector<16xi1>, vector<16xf32>
      %reduce_max3A_1104 = arith.constant true
      %reduce_max3A_1105 = vector.broadcast %reduce_max3A_1104 : i1 to vector<16xi1>
      %reduce_max3A_1106 = tpu.scan <max>, %select_n3A_1103 masked %reduce_max3A_1105 : vector<16xf32>, vector<16xi1> -> vector<16xf32>
      %reduce_max3A_1107 = vector.extract %reduce_max3A_1106[15] : f32 from vector<16xf32>
      %max3A_1108 = arith.maximumf %max3A_1096, %reduce_max3A_1107 : f32
      %broadcast_in_dim3A_1109 = vector.broadcast %max3A_1108 : f32 to vector<16xf32>
      %div3A = arith.constant 2.550000e+02 : f32
      %div3A_1110 = vector.broadcast %div3A : f32 to vector<16xf32>
      %div3A_1111 = arith.divf %broadcast_in_dim3A_1109, %div3A_1110 : vector<16xf32>
      %convert_element_type3A_1112 = arith.fptosi %div3A_1111 : vector<16xf32> to vector<16xi32>
      %convert_element_type3A_1113 = arith.sitofp %convert_element_type3A_1112 : vector<16xi32> to vector<16xf32>
      %mul3A_1114 = arith.constant 5.000000e-01 : f32
      %mul3A_1115 = vector.broadcast %mul3A_1114 : f32 to vector<16xf32>
      %mul3A_1116 = arith.mulf %convert_element_type3A_1113, %mul3A_1115 : vector<16xf32>
      %convert_element_type3A_1117 = arith.fptosi %mul3A_1116 : vector<16xf32> to vector<16xi32>
      %convert_element_type3A_1118 = arith.sitofp %convert_element_type3A_1117 : vector<16xi32> to vector<16xf32>
      %max3A_1119 = arith.constant 1.000000e+00 : f32
      %max3A_1120 = vector.broadcast %max3A_1119 : f32 to vector<16xf32>
      %max3A_1121 = arith.maximumf %convert_element_type3A_1113, %max3A_1120 : vector<16xf32>
      %eq3A = arith.constant 0.000000e+00 : f32
      %eq3A_1122 = vector.broadcast %eq3A : f32 to vector<16xf32>
      %eq3A_1123 = arith.cmpf oeq, %convert_element_type3A_1113, %eq3A_1122 : vector<16xf32>
      %swap3A_1124 = arith.constant 0 : index
      %swap3A_1125 = tpu.vector_load %arg11[%swap3A_1124] {strides = array<i32>} : memref<272xf32, #tpu.memory_space<vmem>>, vector<16xf32>,
      tpu.vector_store %arg11[%swap3A_1124], %broadcast_in_dim3A_4 {strides = array<i32>} : memref<272xf32, #tpu.memory_space<vmem>>, vector<16xf32>,
      %get3A_1126 = arith.constant 0 : index
      %get3A_1127 = tpu.vector_load %arg10[%get3A_1126] {strides = array<i32>} : memref<256xf32, #tpu.memory_space<vmem>>, vector<16xf32>,
      %add3A_1128 = arith.addf %get3A_1127, %convert_element_type3A_1118 : vector<16xf32>
      %div3A_1129 = arith.divf %add3A_1128, %max3A_1121 : vector<16xf32>
      %convert_element_type3A_1130 = arith.fptosi %div3A_1129 : vector<16xf32> to vector<16xi32>
      %convert_element_type3A_1131 = arith.sitofp %convert_element_type3A_1130 : vector<16xi32> to vector<16xf32>
      %jit3A_1132 = arith.constant 0.000000e+00 : f32
      %jit3A_1133 = arith.constant 2.550000e+02 : f32
      %max3A_1134 = vector.broadcast %jit3A_1132 : f32 to vector<16xf32>
      %max3A_1135 = arith.maximumf %max3A_1134, %convert_element_type3A_1131 : vector<16xf32>
      %min3A = vector.broadcast %jit3A_1133 : f32 to vector<16xf32>
      %min3A_1136 = arith.minimumf %min3A, %max3A_1135 : vector<16xf32>
      %add3A_1137 = arith.constant 1.000000e+00 : f32
      %add3A_1138 = vector.broadcast %add3A_1137 : f32 to vector<16xf32>
      %add3A_1139 = arith.addf %convert_element_type3A, %add3A_1138 : vector<16xf32>
      %select_n3A_1140 = arith.select %eq3A_1123, %add3A_1139, %min3A_1136 : vector<16xi1>, vector<16xf32>
      %add3A_1141 = arith.constant 1 : i32
      %add3A_1142 = vector.broadcast %add3A_1141 : i32 to vector<16xi32>
      %add3A_1143 = arith.addi %iota3A, %add3A_1142 : vector<16xi32>
      tpu.vector_store_idx %arg11[%add3A_1143], %select_n3A_1140 : memref<272xf32, #tpu.memory_space<vmem>>[vector<16xi32>], vector<16xf32>,
      %get3A_1144 = arith.constant 16 : index
      %get3A_1145 = tpu.vector_load %arg10[%get3A_1144] {strides = array<i32>} : memref<256xf32, #tpu.memory_space<vmem>>, vector<16xf32>,
      %add3A_1146 = arith.addf %get3A_1145, %convert_element_type3A_1118 : vector<16xf32>
      %div3A_1147 = arith.divf %add3A_1146, %max3A_1121 : vector<16xf32>
      %convert_element_type3A_1148 = arith.fptosi %div3A_1147 : vector<16xf32> to vector<16xi32>
      %convert_element_type3A_1149 = arith.sitofp %convert_element_type3A_1148 : vector<16xi32> to vector<16xf32>
      %jit3A_1150 = arith.constant 0.000000e+00 : f32
      %jit3A_1151 = arith.constant 2.550000e+02 : f32
      %max3A_1152 = vector.broadcast %jit3A_1150 : f32 to vector<16xf32>
      %max3A_1153 = arith.maximumf %max3A_1152, %convert_element_type3A_1149 : vector<16xf32>
      %min3A_1154 = vector.broadcast %jit3A_1151 : f32 to vector<16xf32>
      %min3A_1155 = arith.minimumf %min3A_1154, %max3A_1153 : vector<16xf32>
      %add3A_1156 = arith.constant 1.700000e+01 : f32
      %add3A_1157 = vector.broadcast %add3A_1156 : f32 to vector<16xf32>
      %add3A_1158 = arith.addf %convert_element_type3A, %add3A_1157 : vector<16xf32>
      %select_n3A_1159 = arith.select %eq3A_1123, %add3A_1158, %min3A_1155 : vector<16xi1>, vector<16xf32>
      %add3A_1160 = arith.constant 17 : i32
      %add3A_1161 = vector.broadcast %add3A_1160 : i32 to vector<16xi32>
      %add3A_1162 = arith.addi %iota3A, %add3A_1161 : vector<16xi32>
      tpu.vector_store_idx %arg11[%add3A_1162], %select_n3A_1159 : memref<272xf32, #tpu.memory_space<vmem>>[vector<16xi32>], vector<16xf32>,
      %get3A_1163 = arith.constant 32 : index
      %get3A_1164 = tpu.vector_load %arg10[%get3A_1163] {strides = array<i32>} : memref<256xf32, #tpu.memory_space<vmem>>, vector<16xf32>,
      %add3A_1165 = arith.addf %get3A_1164, %convert_element_type3A_1118 : vector<16xf32>
      %div3A_1166 = arith.divf %add3A_1165, %max3A_1121 : vector<16xf32>
      %convert_element_type3A_1167 = arith.fptosi %div3A_1166 : vector<16xf32> to vector<16xi32>
      %convert_element_type3A_1168 = arith.sitofp %convert_element_type3A_1167 : vector<16xi32> to vector<16xf32>
      %jit3A_1169 = arith.constant 0.000000e+00 : f32
      %jit3A_1170 = arith.constant 2.550000e+02 : f32
      %max3A_1171 = vector.broadcast %jit3A_1169 : f32 to vector<16xf32>
      %max3A_1172 = arith.maximumf %max3A_1171, %convert_element_type3A_1168 : vector<16xf32>
      %min3A_1173 = vector.broadcast %jit3A_1170 : f32 to vector<16xf32>
      %min3A_1174 = arith.minimumf %min3A_1173, %max3A_1172 : vector<16xf32>
      %add3A_1175 = arith.constant 3.300000e+01 : f32
      %add3A_1176 = vector.broadcast %add3A_1175 : f32 to vector<16xf32>
      %add3A_1177 = arith.addf %convert_element_type3A, %add3A_1176 : vector<16xf32>
      %select_n3A_1178 = arith.select %eq3A_1123, %add3A_1177, %min3A_1174 : vector<16xi1>, vector<16xf32>
      %add3A_1179 = arith.constant 33 : i32
      %add3A_1180 = vector.broadcast %add3A_1179 : i32 to vector<16xi32>
      %add3A_1181 = arith.addi %iota3A, %add3A_1180 : vector<16xi32>
      tpu.vector_store_idx %arg11[%add3A_1181], %select_n3A_1178 : memref<272xf32, #tpu.memory_space<vmem>>[vector<16xi32>], vector<16xf32>,
      %get3A_1182 = arith.constant 48 : index
      %get3A_1183 = tpu.vector_load %arg10[%get3A_1182] {strides = array<i32>} : memref<256xf32, #tpu.memory_space<vmem>>, vector<16xf32>,
      %add3A_1184 = arith.addf %get3A_1183, %convert_element_type3A_1118 : vector<16xf32>
      %div3A_1185 = arith.divf %add3A_1184, %max3A_1121 : vector<16xf32>
      %convert_element_type3A_1186 = arith.fptosi %div3A_1185 : vector<16xf32> to vector<16xi32>
      %convert_element_type3A_1187 = arith.sitofp %convert_element_type3A_1186 : vector<16xi32> to vector<16xf32>
      %jit3A_1188 = arith.constant 0.000000e+00 : f32
      %jit3A_1189 = arith.constant 2.550000e+02 : f32
      %max3A_1190 = vector.broadcast %jit3A_1188 : f32 to vector<16xf32>
      %max3A_1191 = arith.maximumf %max3A_1190, %convert_element_type3A_1187 : vector<16xf32>
      %min3A_1192 = vector.broadcast %jit3A_1189 : f32 to vector<16xf32>
      %min3A_1193 = arith.minimumf %min3A_1192, %max3A_1191 : vector<16xf32>
      %add3A_1194 = arith.constant 4.900000e+01 : f32
      %add3A_1195 = vector.broadcast %add3A_1194 : f32 to vector<16xf32>
      %add3A_1196 = arith.addf %convert_element_type3A, %add3A_1195 : vector<16xf32>
      %select_n3A_1197 = arith.select %eq3A_1123, %add3A_1196, %min3A_1193 : vector<16xi1>, vector<16xf32>
      %add3A_1198 = arith.constant 49 : i32
      %add3A_1199 = vector.broadcast %add3A_1198 : i32 to vector<16xi32>
      %add3A_1200 = arith.addi %iota3A, %add3A_1199 : vector<16xi32>
      tpu.vector_store_idx %arg11[%add3A_1200], %select_n3A_1197 : memref<272xf32, #tpu.memory_space<vmem>>[vector<16xi32>], vector<16xf32>,
      %get3A_1201 = arith.constant 64 : index
      %get3A_1202 = tpu.vector_load %arg10[%get3A_1201] {strides = array<i32>} : memref<256xf32, #tpu.memory_space<vmem>>, vector<16xf32>,
      %add3A_1203 = arith.addf %get3A_1202, %convert_element_type3A_1118 : vector<16xf32>
      %div3A_1204 = arith.divf %add3A_1203, %max3A_1121 : vector<16xf32>
      %convert_element_type3A_1205 = arith.fptosi %div3A_1204 : vector<16xf32> to vector<16xi32>
      %convert_element_type3A_1206 = arith.sitofp %convert_element_type3A_1205 : vector<16xi32> to vector<16xf32>
      %jit3A_1207 = arith.constant 0.000000e+00 : f32
      %jit3A_1208 = arith.constant 2.550000e+02 : f32
      %max3A_1209 = vector.broadcast %jit3A_1207 : f32 to vector<16xf32>
      %max3A_1210 = arith.maximumf %max3A_1209, %convert_element_type3A_1206 : vector<16xf32>
      %min3A_1211 = vector.broadcast %jit3A_1208 : f32 to vector<16xf32>
      %min3A_1212 = arith.minimumf %min3A_1211, %max3A_1210 : vector<16xf32>
      %add3A_1213 = arith.constant 6.500000e+01 : f32
      %add3A_1214 = vector.broadcast %add3A_1213 : f32 to vector<16xf32>
      %add3A_1215 = arith.addf %convert_element_type3A, %add3A_1214 : vector<16xf32>
      %select_n3A_1216 = arith.select %eq3A_1123, %add3A_1215, %min3A_1212 : vector<16xi1>, vector<16xf32>
      %add3A_1217 = arith.constant 65 : i32
      %add3A_1218 = vector.broadcast %add3A_1217 : i32 to vector<16xi32>
      %add3A_1219 = arith.addi %iota3A, %add3A_1218 : vector<16xi32>
      tpu.vector_store_idx %arg11[%add3A_1219], %select_n3A_1216 : memref<272xf32, #tpu.memory_space<vmem>>[vector<16xi32>], vector<16xf32>,
      %get3A_1220 = arith.constant 80 : index
      %get3A_1221 = tpu.vector_load %arg10[%get3A_1220] {strides = array<i32>} : memref<256xf32, #tpu.memory_space<vmem>>, vector<16xf32>,
      %add3A_1222 = arith.addf %get3A_1221, %convert_element_type3A_1118 : vector<16xf32>
      %div3A_1223 = arith.divf %add3A_1222, %max3A_1121 : vector<16xf32>
      %convert_element_type3A_1224 = arith.fptosi %div3A_1223 : vector<16xf32> to vector<16xi32>
      %convert_element_type3A_1225 = arith.sitofp %convert_element_type3A_1224 : vector<16xi32> to vector<16xf32>
      %jit3A_1226 = arith.constant 0.000000e+00 : f32
      %jit3A_1227 = arith.constant 2.550000e+02 : f32
      %max3A_1228 = vector.broadcast %jit3A_1226 : f32 to vector<16xf32>
      %max3A_1229 = arith.maximumf %max3A_1228, %convert_element_type3A_1225 : vector<16xf32>
      %min3A_1230 = vector.broadcast %jit3A_1227 : f32 to vector<16xf32>
      %min3A_1231 = arith.minimumf %min3A_1230, %max3A_1229 : vector<16xf32>
      %add3A_1232 = arith.constant 8.100000e+01 : f32
      %add3A_1233 = vector.broadcast %add3A_1232 : f32 to vector<16xf32>
      %add3A_1234 = arith.addf %convert_element_type3A, %add3A_1233 : vector<16xf32>
      %select_n3A_1235 = arith.select %eq3A_1123, %add3A_1234, %min3A_1231 : vector<16xi1>, vector<16xf32>
      %add3A_1236 = arith.constant 81 : i32
      %add3A_1237 = vector.broadcast %add3A_1236 : i32 to vector<16xi32>
      %add3A_1238 = arith.addi %iota3A, %add3A_1237 : vector<16xi32>
      tpu.vector_store_idx %arg11[%add3A_1238], %select_n3A_1235 : memref<272xf32, #tpu.memory_space<vmem>>[vector<16xi32>], vector<16xf32>,
      %get3A_1239 = arith.constant 96 : index
      %get3A_1240 = tpu.vector_load %arg10[%get3A_1239] {strides = array<i32>} : memref<256xf32, #tpu.memory_space<vmem>>, vector<16xf32>,
      %add3A_1241 = arith.addf %get3A_1240, %convert_element_type3A_1118 : vector<16xf32>
      %div3A_1242 = arith.divf %add3A_1241, %max3A_1121 : vector<16xf32>
      %convert_element_type3A_1243 = arith.fptosi %div3A_1242 : vector<16xf32> to vector<16xi32>
      %convert_element_type3A_1244 = arith.sitofp %convert_element_type3A_1243 : vector<16xi32> to vector<16xf32>
      %jit3A_1245 = arith.constant 0.000000e+00 : f32
      %jit3A_1246 = arith.constant 2.550000e+02 : f32
      %max3A_1247 = vector.broadcast %jit3A_1245 : f32 to vector<16xf32>
      %max3A_1248 = arith.maximumf %max3A_1247, %convert_element_type3A_1244 : vector<16xf32>
      %min3A_1249 = vector.broadcast %jit3A_1246 : f32 to vector<16xf32>
      %min3A_1250 = arith.minimumf %min3A_1249, %max3A_1248 : vector<16xf32>
      %add3A_1251 = arith.constant 9.700000e+01 : f32
      %add3A_1252 = vector.broadcast %add3A_1251 : f32 to vector<16xf32>
      %add3A_1253 = arith.addf %convert_element_type3A, %add3A_1252 : vector<16xf32>
      %select_n3A_1254 = arith.select %eq3A_1123, %add3A_1253, %min3A_1250 : vector<16xi1>, vector<16xf32>
      %add3A_1255 = arith.constant 97 : i32
      %add3A_1256 = vector.broadcast %add3A_1255 : i32 to vector<16xi32>
      %add3A_1257 = arith.addi %iota3A, %add3A_1256 : vector<16xi32>
      tpu.vector_store_idx %arg11[%add3A_1257], %select_n3A_1254 : memref<272xf32, #tpu.memory_space<vmem>>[vector<16xi32>], vector<16xf32>,
      %get3A_1258 = arith.constant 112 : index
      %get3A_1259 = tpu.vector_load %arg10[%get3A_1258] {strides = array<i32>} : memref<256xf32, #tpu.memory_space<vmem>>, vector<16xf32>,
      %add3A_1260 = arith.addf %get3A_1259, %convert_element_type3A_1118 : vector<16xf32>
      %div3A_1261 = arith.divf %add3A_1260, %max3A_1121 : vector<16xf32>
      %convert_element_type3A_1262 = arith.fptosi %div3A_1261 : vector<16xf32> to vector<16xi32>
      %convert_element_type3A_1263 = arith.sitofp %convert_element_type3A_1262 : vector<16xi32> to vector<16xf32>
      %jit3A_1264 = arith.constant 0.000000e+00 : f32
      %jit3A_1265 = arith.constant 2.550000e+02 : f32
      %max3A_1266 = vector.broadcast %jit3A_1264 : f32 to vector<16xf32>
      %max3A_1267 = arith.maximumf %max3A_1266, %convert_element_type3A_1263 : vector<16xf32>
      %min3A_1268 = vector.broadcast %jit3A_1265 : f32 to vector<16xf32>
      %min3A_1269 = arith.minimumf %min3A_1268, %max3A_1267 : vector<16xf32>
      %add3A_1270 = arith.constant 1.130000e+02 : f32
      %add3A_1271 = vector.broadcast %add3A_1270 : f32 to vector<16xf32>
      %add3A_1272 = arith.addf %convert_element_type3A, %add3A_1271 : vector<16xf32>
      %select_n3A_1273 = arith.select %eq3A_1123, %add3A_1272, %min3A_1269 : vector<16xi1>, vector<16xf32>
      %add3A_1274 = arith.constant 113 : i32
      %add3A_1275 = vector.broadcast %add3A_1274 : i32 to vector<16xi32>
      %add3A_1276 = arith.addi %iota3A, %add3A_1275 : vector<16xi32>
      tpu.vector_store_idx %arg11[%add3A_1276], %select_n3A_1273 : memref<272xf32, #tpu.memory_space<vmem>>[vector<16xi32>], vector<16xf32>,
      %get3A_1277 = arith.constant 128 : index
      %get3A_1278 = tpu.vector_load %arg10[%get3A_1277] {strides = array<i32>} : memref<256xf32, #tpu.memory_space<vmem>>, vector<16xf32>,
      %add3A_1279 = arith.addf %get3A_1278, %convert_element_type3A_1118 : vector<16xf32>
      %div3A_1280 = arith.divf %add3A_1279, %max3A_1121 : vector<16xf32>
      %convert_element_type3A_1281 = arith.fptosi %div3A_1280 : vector<16xf32> to vector<16xi32>
      %convert_element_type3A_1282 = arith.sitofp %convert_element_type3A_1281 : vector<16xi32> to vector<16xf32>
      %jit3A_1283 = arith.constant 0.000000e+00 : f32
      %jit3A_1284 = arith.constant 2.550000e+02 : f32
      %max3A_1285 = vector.broadcast %jit3A_1283 : f32 to vector<16xf32>
      %max3A_1286 = arith.maximumf %max3A_1285, %convert_element_type3A_1282 : vector<16xf32>
      %min3A_1287 = vector.broadcast %jit3A_1284 : f32 to vector<16xf32>
      %min3A_1288 = arith.minimumf %min3A_1287, %max3A_1286 : vector<16xf32>
      %add3A_1289 = arith.constant 1.290000e+02 : f32
      %add3A_1290 = vector.broadcast %add3A_1289 : f32 to vector<16xf32>
      %add3A_1291 = arith.addf %convert_element_type3A, %add3A_1290 : vector<16xf32>
      %select_n3A_1292 = arith.select %eq3A_1123, %add3A_1291, %min3A_1288 : vector<16xi1>, vector<16xf32>
      %add3A_1293 = arith.constant 129 : i32
      %add3A_1294 = vector.broadcast %add3A_1293 : i32 to vector<16xi32>
      %add3A_1295 = arith.addi %iota3A, %add3A_1294 : vector<16xi32>
      tpu.vector_store_idx %arg11[%add3A_1295], %select_n3A_1292 : memref<272xf32, #tpu.memory_space<vmem>>[vector<16xi32>], vector<16xf32>,
      %get3A_1296 = arith.constant 144 : index
      %get3A_1297 = tpu.vector_load %arg10[%get3A_1296] {strides = array<i32>} : memref<256xf32, #tpu.memory_space<vmem>>, vector<16xf32>,
      %add3A_1298 = arith.addf %get3A_1297, %convert_element_type3A_1118 : vector<16xf32>
      %div3A_1299 = arith.divf %add3A_1298, %max3A_1121 : vector<16xf32>
      %convert_element_type3A_1300 = arith.fptosi %div3A_1299 : vector<16xf32> to vector<16xi32>
      %convert_element_type3A_1301 = arith.sitofp %convert_element_type3A_1300 : vector<16xi32> to vector<16xf32>
      %jit3A_1302 = arith.constant 0.000000e+00 : f32
      %jit3A_1303 = arith.constant 2.550000e+02 : f32
      %max3A_1304 = vector.broadcast %jit3A_1302 : f32 to vector<16xf32>
      %max3A_1305 = arith.maximumf %max3A_1304, %convert_element_type3A_1301 : vector<16xf32>
      %min3A_1306 = vector.broadcast %jit3A_1303 : f32 to vector<16xf32>
      %min3A_1307 = arith.minimumf %min3A_1306, %max3A_1305 : vector<16xf32>
      %add3A_1308 = arith.constant 1.450000e+02 : f32
      %add3A_1309 = vector.broadcast %add3A_1308 : f32 to vector<16xf32>
      %add3A_1310 = arith.addf %convert_element_type3A, %add3A_1309 : vector<16xf32>
      %select_n3A_1311 = arith.select %eq3A_1123, %add3A_1310, %min3A_1307 : vector<16xi1>, vector<16xf32>
      %add3A_1312 = arith.constant 145 : i32
      %add3A_1313 = vector.broadcast %add3A_1312 : i32 to vector<16xi32>
      %add3A_1314 = arith.addi %iota3A, %add3A_1313 : vector<16xi32>
      tpu.vector_store_idx %arg11[%add3A_1314], %select_n3A_1311 : memref<272xf32, #tpu.memory_space<vmem>>[vector<16xi32>], vector<16xf32>,
      %get3A_1315 = arith.constant 160 : index
      %get3A_1316 = tpu.vector_load %arg10[%get3A_1315] {strides = array<i32>} : memref<256xf32, #tpu.memory_space<vmem>>, vector<16xf32>,
      %add3A_1317 = arith.addf %get3A_1316, %convert_element_type3A_1118 : vector<16xf32>
      %div3A_1318 = arith.divf %add3A_1317, %max3A_1121 : vector<16xf32>
      %convert_element_type3A_1319 = arith.fptosi %div3A_1318 : vector<16xf32> to vector<16xi32>
      %convert_element_type3A_1320 = arith.sitofp %convert_element_type3A_1319 : vector<16xi32> to vector<16xf32>
      %jit3A_1321 = arith.constant 0.000000e+00 : f32
      %jit3A_1322 = arith.constant 2.550000e+02 : f32
      %max3A_1323 = vector.broadcast %jit3A_1321 : f32 to vector<16xf32>
      %max3A_1324 = arith.maximumf %max3A_1323, %convert_element_type3A_1320 : vector<16xf32>
      %min3A_1325 = vector.broadcast %jit3A_1322 : f32 to vector<16xf32>
      %min3A_1326 = arith.minimumf %min3A_1325, %max3A_1324 : vector<16xf32>
      %add3A_1327 = arith.constant 1.610000e+02 : f32
      %add3A_1328 = vector.broadcast %add3A_1327 : f32 to vector<16xf32>
      %add3A_1329 = arith.addf %convert_element_type3A, %add3A_1328 : vector<16xf32>
      %select_n3A_1330 = arith.select %eq3A_1123, %add3A_1329, %min3A_1326 : vector<16xi1>, vector<16xf32>
      %add3A_1331 = arith.constant 161 : i32
      %add3A_1332 = vector.broadcast %add3A_1331 : i32 to vector<16xi32>
      %add3A_1333 = arith.addi %iota3A, %add3A_1332 : vector<16xi32>
      tpu.vector_store_idx %arg11[%add3A_1333], %select_n3A_1330 : memref<272xf32, #tpu.memory_space<vmem>>[vector<16xi32>], vector<16xf32>,
      %get3A_1334 = arith.constant 176 : index
      %get3A_1335 = tpu.vector_load %arg10[%get3A_1334] {strides = array<i32>} : memref<256xf32, #tpu.memory_space<vmem>>, vector<16xf32>,
      %add3A_1336 = arith.addf %get3A_1335, %convert_element_type3A_1118 : vector<16xf32>
      %div3A_1337 = arith.divf %add3A_1336, %max3A_1121 : vector<16xf32>
      %convert_element_type3A_1338 = arith.fptosi %div3A_1337 : vector<16xf32> to vector<16xi32>
      %convert_element_type3A_1339 = arith.sitofp %convert_element_type3A_1338 : vector<16xi32> to vector<16xf32>
      %jit3A_1340 = arith.constant 0.000000e+00 : f32
      %jit3A_1341 = arith.constant 2.550000e+02 : f32
      %max3A_1342 = vector.broadcast %jit3A_1340 : f32 to vector<16xf32>
      %max3A_1343 = arith.maximumf %max3A_1342, %convert_element_type3A_1339 : vector<16xf32>
      %min3A_1344 = vector.broadcast %jit3A_1341 : f32 to vector<16xf32>
      %min3A_1345 = arith.minimumf %min3A_1344, %max3A_1343 : vector<16xf32>
      %add3A_1346 = arith.constant 1.770000e+02 : f32
      %add3A_1347 = vector.broadcast %add3A_1346 : f32 to vector<16xf32>
      %add3A_1348 = arith.addf %convert_element_type3A, %add3A_1347 : vector<16xf32>
      %select_n3A_1349 = arith.select %eq3A_1123, %add3A_1348, %min3A_1345 : vector<16xi1>, vector<16xf32>
      %add3A_1350 = arith.constant 177 : i32
      %add3A_1351 = vector.broadcast %add3A_1350 : i32 to vector<16xi32>
      %add3A_1352 = arith.addi %iota3A, %add3A_1351 : vector<16xi32>
      tpu.vector_store_idx %arg11[%add3A_1352], %select_n3A_1349 : memref<272xf32, #tpu.memory_space<vmem>>[vector<16xi32>], vector<16xf32>,
      %get3A_1353 = arith.constant 192 : index
      %get3A_1354 = tpu.vector_load %arg10[%get3A_1353] {strides = array<i32>} : memref<256xf32, #tpu.memory_space<vmem>>, vector<16xf32>,
      %add3A_1355 = arith.addf %get3A_1354, %convert_element_type3A_1118 : vector<16xf32>
      %div3A_1356 = arith.divf %add3A_1355, %max3A_1121 : vector<16xf32>
      %convert_element_type3A_1357 = arith.fptosi %div3A_1356 : vector<16xf32> to vector<16xi32>
      %convert_element_type3A_1358 = arith.sitofp %convert_element_type3A_1357 : vector<16xi32> to vector<16xf32>
      %jit3A_1359 = arith.constant 0.000000e+00 : f32
      %jit3A_1360 = arith.constant 2.550000e+02 : f32
      %max3A_1361 = vector.broadcast %jit3A_1359 : f32 to vector<16xf32>
      %max3A_1362 = arith.maximumf %max3A_1361, %convert_element_type3A_1358 : vector<16xf32>
      %min3A_1363 = vector.broadcast %jit3A_1360 : f32 to vector<16xf32>
      %min3A_1364 = arith.minimumf %min3A_1363, %max3A_1362 : vector<16xf32>
      %add3A_1365 = arith.constant 1.930000e+02 : f32
      %add3A_1366 = vector.broadcast %add3A_1365 : f32 to vector<16xf32>
      %add3A_1367 = arith.addf %convert_element_type3A, %add3A_1366 : vector<16xf32>
      %select_n3A_1368 = arith.select %eq3A_1123, %add3A_1367, %min3A_1364 : vector<16xi1>, vector<16xf32>
      %add3A_1369 = arith.constant 193 : i32
      %add3A_1370 = vector.broadcast %add3A_1369 : i32 to vector<16xi32>
      %add3A_1371 = arith.addi %iota3A, %add3A_1370 : vector<16xi32>
      tpu.vector_store_idx %arg11[%add3A_1371], %select_n3A_1368 : memref<272xf32, #tpu.memory_space<vmem>>[vector<16xi32>], vector<16xf32>,
      %get3A_1372 = arith.constant 208 : index
      %get3A_1373 = tpu.vector_load %arg10[%get3A_1372] {strides = array<i32>} : memref<256xf32, #tpu.memory_space<vmem>>, vector<16xf32>,
      %add3A_1374 = arith.addf %get3A_1373, %convert_element_type3A_1118 : vector<16xf32>
      %div3A_1375 = arith.divf %add3A_1374, %max3A_1121 : vector<16xf32>
      %convert_element_type3A_1376 = arith.fptosi %div3A_1375 : vector<16xf32> to vector<16xi32>
      %convert_element_type3A_1377 = arith.sitofp %convert_element_type3A_1376 : vector<16xi32> to vector<16xf32>
      %jit3A_1378 = arith.constant 0.000000e+00 : f32
      %jit3A_1379 = arith.constant 2.550000e+02 : f32
      %max3A_1380 = vector.broadcast %jit3A_1378 : f32 to vector<16xf32>
      %max3A_1381 = arith.maximumf %max3A_1380, %convert_element_type3A_1377 : vector<16xf32>
      %min3A_1382 = vector.broadcast %jit3A_1379 : f32 to vector<16xf32>
      %min3A_1383 = arith.minimumf %min3A_1382, %max3A_1381 : vector<16xf32>
      %add3A_1384 = arith.constant 2.090000e+02 : f32
      %add3A_1385 = vector.broadcast %add3A_1384 : f32 to vector<16xf32>
      %add3A_1386 = arith.addf %convert_element_type3A, %add3A_1385 : vector<16xf32>
      %select_n3A_1387 = arith.select %eq3A_1123, %add3A_1386, %min3A_1383 : vector<16xi1>, vector<16xf32>
      %add3A_1388 = arith.constant 209 : i32
      %add3A_1389 = vector.broadcast %add3A_1388 : i32 to vector<16xi32>
      %add3A_1390 = arith.addi %iota3A, %add3A_1389 : vector<16xi32>
      tpu.vector_store_idx %arg11[%add3A_1390], %select_n3A_1387 : memref<272xf32, #tpu.memory_space<vmem>>[vector<16xi32>], vector<16xf32>,
      %get3A_1391 = arith.constant 224 : index
      %get3A_1392 = tpu.vector_load %arg10[%get3A_1391] {strides = array<i32>} : memref<256xf32, #tpu.memory_space<vmem>>, vector<16xf32>,
      %add3A_1393 = arith.addf %get3A_1392, %convert_element_type3A_1118 : vector<16xf32>
      %div3A_1394 = arith.divf %add3A_1393, %max3A_1121 : vector<16xf32>
      %convert_element_type3A_1395 = arith.fptosi %div3A_1394 : vector<16xf32> to vector<16xi32>
      %convert_element_type3A_1396 = arith.sitofp %convert_element_type3A_1395 : vector<16xi32> to vector<16xf32>
      %jit3A_1397 = arith.constant 0.000000e+00 : f32
      %jit3A_1398 = arith.constant 2.550000e+02 : f32
      %max3A_1399 = vector.broadcast %jit3A_1397 : f32 to vector<16xf32>
      %max3A_1400 = arith.maximumf %max3A_1399, %convert_element_type3A_1396 : vector<16xf32>
      %min3A_1401 = vector.broadcast %jit3A_1398 : f32 to vector<16xf32>
      %min3A_1402 = arith.minimumf %min3A_1401, %max3A_1400 : vector<16xf32>
      %add3A_1403 = arith.constant 2.250000e+02 : f32
      %add3A_1404 = vector.broadcast %add3A_1403 : f32 to vector<16xf32>
      %add3A_1405 = arith.addf %convert_element_type3A, %add3A_1404 : vector<16xf32>
      %select_n3A_1406 = arith.select %eq3A_1123, %add3A_1405, %min3A_1402 : vector<16xi1>, vector<16xf32>
      %add3A_1407 = arith.constant 225 : i32
      %add3A_1408 = vector.broadcast %add3A_1407 : i32 to vector<16xi32>
      %add3A_1409 = arith.addi %iota3A, %add3A_1408 : vector<16xi32>
      tpu.vector_store_idx %arg11[%add3A_1409], %select_n3A_1406 : memref<272xf32, #tpu.memory_space<vmem>>[vector<16xi32>], vector<16xf32>,
      %get3A_1410 = arith.constant 240 : index
      %get3A_1411 = tpu.vector_load %arg10[%get3A_1410] {strides = array<i32>} : memref<256xf32, #tpu.memory_space<vmem>>, vector<16xf32>,
      %add3A_1412 = arith.addf %get3A_1411, %convert_element_type3A_1118 : vector<16xf32>
      %div3A_1413 = arith.divf %add3A_1412, %max3A_1121 : vector<16xf32>
      %convert_element_type3A_1414 = arith.fptosi %div3A_1413 : vector<16xf32> to vector<16xi32>
      %convert_element_type3A_1415 = arith.sitofp %convert_element_type3A_1414 : vector<16xi32> to vector<16xf32>
      %jit3A_1416 = arith.constant 0.000000e+00 : f32
      %jit3A_1417 = arith.constant 2.550000e+02 : f32
      %max3A_1418 = vector.broadcast %jit3A_1416 : f32 to vector<16xf32>
      %max3A_1419 = arith.maximumf %max3A_1418, %convert_element_type3A_1415 : vector<16xf32>
      %min3A_1420 = vector.broadcast %jit3A_1417 : f32 to vector<16xf32>
      %min3A_1421 = arith.minimumf %min3A_1420, %max3A_1419 : vector<16xf32>
      %add3A_1422 = arith.constant 2.410000e+02 : f32
      %add3A_1423 = vector.broadcast %add3A_1422 : f32 to vector<16xf32>
      %add3A_1424 = arith.addf %convert_element_type3A, %add3A_1423 : vector<16xf32>
      %select_n3A_1425 = arith.select %eq3A_1123, %add3A_1424, %min3A_1421 : vector<16xi1>, vector<16xf32>
      %add3A_1426 = arith.constant 241 : i32
      %add3A_1427 = vector.broadcast %add3A_1426 : i32 to vector<16xi32>
      %add3A_1428 = arith.addi %iota3A, %add3A_1427 : vector<16xi32>
      tpu.vector_store_idx %arg11[%add3A_1428], %select_n3A_1425 : memref<272xf32, #tpu.memory_space<vmem>>[vector<16xi32>], vector<16xf32>,
      %scan3A_1429 = arith.constant 0 : i32
      %scan3A_1430 = arith.constant 0 : i32
      %scan3A_1431 = arith.constant 16 : i32
      %scan3A_1432 = arith.addi %scan3A_1430, %scan3A_1431 : i32
      %scan3A_1433 = arith.constant 1 : i32
      scf.for %scan3A_1442 = %scan3A_1430 to %scan3A_1432 step %scan3A_1433  : i32 {
        %mul3A_1443 = arith.constant 2 : i32
        %mul3A_1444 = arith.muli %scan3A_1442, %mul3A_1443 : i32
        %add3A_1445 = arith.constant 0 : i32
        %add3A_1446 = arith.addi %mul3A_1444, %add3A_1445 : i32
        %gt3A = arith.constant 0 : i32
        %gt3A_1447 = arith.cmpi sgt, %scan3A_1442, %gt3A : i32
        %convert_element_type3A_1448 = arith.extui %gt3A_1447 : i1 to i32
        %cond3A = arith.constant 0 : i32
        %cond3A_1449 = arith.cmpi ne, %convert_element_type3A_1448, %cond3A : i32
        scf.if %cond3A_1449 {
          %dma_wait3A_1481 = arith.constant 0 : i32
          %dma_wait3A_1482 = tpu.memref_slice %arg3[%mul3A_17, %dma_wait3A_1481] : memref<98304x512xf32, #tpu.memory_space<hbm>> -> memref<16x512xf32, #tpu.memory_space<hbm>>
          %dma_wait3A_1483 = arith.constant 0 : i32
          %dma_wait3A_1484 = tpu.memref_slice %arg3[%mul3A_17, %dma_wait3A_1483] : memref<98304x512xf32, #tpu.memory_space<hbm>> -> memref<16x512xf32, #tpu.memory_space<hbm>>
          tpu.wait_dma2 semaphore(%arg14 : memref<!tpu.dma_semaphore, #tpu.memory_space<semaphore_mem>>) src(%arg6 : memref<16x512xf32, #tpu.memory_space<vmem>>) dst(%dma_wait3A_1484 : memref<16x512xf32, #tpu.memory_space<hbm>>)
        } else {
        }
        %mul3A_1450 = arith.constant 8192 : i32
        %mul3A_1451 = arith.muli %add3A_1446, %mul3A_1450 : i32
        %parallel_loop3A_1452 = arith.constant 0 : i32
        %parallel_loop3A_1453 = arith.constant 8192 : i32
        %parallel_loop3A_1454 = arith.constant 64 : i32
        scf.for %parallel_loop3A_1481 = %parallel_loop3A_1452 to %parallel_loop3A_1453 step %parallel_loop3A_1454  : i32 {
          %parallel_loop3A_1482 = arith.constant 9 : i32
          %parallel_loop3A_1483 = arith.shrsi %parallel_loop3A_1481, %parallel_loop3A_1482 : i32
          %parallel_loop3A_1484 = arith.constant 511 : i32
          %parallel_loop3A_1485 = arith.andi %parallel_loop3A_1481, %parallel_loop3A_1484 : i32
          %parallel_loop3A_1486 = arith.addi %mul3A_1451, %parallel_loop3A_1481 : i32
          %parallel_loop3A_1487 = arith.constant 2 : i32
          %parallel_loop3A_1488 = arith.shrsi %parallel_loop3A_1486, %parallel_loop3A_1487 : i32
          %parallel_loop3A_1489 = arith.index_cast %parallel_loop3A_1488 : i32 to index
          %parallel_loop3A_1490 = tpu.vector_load %arg8[%parallel_loop3A_1489] {strides = array<i32>} : memref<65536xi32, #tpu.memory_space<vmem>>, vector<16xi32>,
          %parallel_loop3A_1491 = arith.constant 255 : i32
          %parallel_loop3A_1492 = vector.broadcast %parallel_loop3A_1491 : i32 to vector<16xi32>
          %parallel_loop3A_1493 = arith.andi %parallel_loop3A_1490, %parallel_loop3A_1492 : vector<16xi32>
          %parallel_loop3A_1494 = tpu.vector_load_idx %arg11[%parallel_loop3A_1493] : memref<272xf32, #tpu.memory_space<vmem>>[vector<16xi32>], vector<16xf32>,
          %parallel_loop3A_1495 = arith.constant 0 : i32
          %parallel_loop3A_1496 = arith.addi %parallel_loop3A_1485, %parallel_loop3A_1495 : i32
          %parallel_loop3A_1497 = arith.index_cast %parallel_loop3A_1483 : i32 to index
          %parallel_loop3A_1498 = arith.index_cast %parallel_loop3A_1496 : i32 to index
          %parallel_loop3A_1499 = tpu.vector_load %arg6[%parallel_loop3A_1497, %parallel_loop3A_1498] {strides = array<i32>} : memref<16x512xf32, #tpu.memory_space<vmem>>, vector<16xf32>,
          tpu.vector_store %arg6[%parallel_loop3A_1497, %parallel_loop3A_1498], %parallel_loop3A_1494 {strides = array<i32>} : memref<16x512xf32, #tpu.memory_space<vmem>>, vector<16xf32>,
          %parallel_loop3A_1500 = arith.constant 8 : i32
          %parallel_loop3A_1501 = vector.broadcast %parallel_loop3A_1500 : i32 to vector<16xi32>
          %parallel_loop3A_1502 = arith.shrui %parallel_loop3A_1490, %parallel_loop3A_1501 : vector<16xi32>
          %parallel_loop3A_1503 = arith.constant 255 : i32
          %parallel_loop3A_1504 = vector.broadcast %parallel_loop3A_1503 : i32 to vector<16xi32>
          %parallel_loop3A_1505 = arith.andi %parallel_loop3A_1502, %parallel_loop3A_1504 : vector<16xi32>
          %parallel_loop3A_1506 = tpu.vector_load_idx %arg11[%parallel_loop3A_1505] : memref<272xf32, #tpu.memory_space<vmem>>[vector<16xi32>], vector<16xf32>,
          %parallel_loop3A_1507 = arith.constant 16 : i32
          %parallel_loop3A_1508 = arith.addi %parallel_loop3A_1485, %parallel_loop3A_1507 : i32
          %parallel_loop3A_1509 = arith.index_cast %parallel_loop3A_1483 : i32 to index
          %parallel_loop3A_1510 = arith.index_cast %parallel_loop3A_1508 : i32 to index
          %parallel_loop3A_1511 = tpu.vector_load %arg6[%parallel_loop3A_1509, %parallel_loop3A_1510] {strides = array<i32>} : memref<16x512xf32, #tpu.memory_space<vmem>>, vector<16xf32>,
          tpu.vector_store %arg6[%parallel_loop3A_1509, %parallel_loop3A_1510], %parallel_loop3A_1506 {strides = array<i32>} : memref<16x512xf32, #tpu.memory_space<vmem>>, vector<16xf32>,
          %parallel_loop3A_1512 = arith.constant 16 : i32
          %parallel_loop3A_1513 = vector.broadcast %parallel_loop3A_1512 : i32 to vector<16xi32>
          %parallel_loop3A_1514 = arith.shrui %parallel_loop3A_1490, %parallel_loop3A_1513 : vector<16xi32>
          %parallel_loop3A_1515 = arith.constant 255 : i32
          %parallel_loop3A_1516 = vector.broadcast %parallel_loop3A_1515 : i32 to vector<16xi32>
          %parallel_loop3A_1517 = arith.andi %parallel_loop3A_1514, %parallel_loop3A_1516 : vector<16xi32>
          %parallel_loop3A_1518 = tpu.vector_load_idx %arg11[%parallel_loop3A_1517] : memref<272xf32, #tpu.memory_space<vmem>>[vector<16xi32>], vector<16xf32>,
          %parallel_loop3A_1519 = arith.constant 32 : i32
          %parallel_loop3A_1520 = arith.addi %parallel_loop3A_1485, %parallel_loop3A_1519 : i32
          %parallel_loop3A_1521 = arith.index_cast %parallel_loop3A_1483 : i32 to index
          %parallel_loop3A_1522 = arith.index_cast %parallel_loop3A_1520 : i32 to index
          %parallel_loop3A_1523 = tpu.vector_load %arg6[%parallel_loop3A_1521, %parallel_loop3A_1522] {strides = array<i32>} : memref<16x512xf32, #tpu.memory_space<vmem>>, vector<16xf32>,
          tpu.vector_store %arg6[%parallel_loop3A_1521, %parallel_loop3A_1522], %parallel_loop3A_1518 {strides = array<i32>} : memref<16x512xf32, #tpu.memory_space<vmem>>, vector<16xf32>,
          %parallel_loop3A_1524 = arith.constant 24 : i32
          %parallel_loop3A_1525 = vector.broadcast %parallel_loop3A_1524 : i32 to vector<16xi32>
          %parallel_loop3A_1526 = arith.shrui %parallel_loop3A_1490, %parallel_loop3A_1525 : vector<16xi32>
          %parallel_loop3A_1527 = tpu.vector_load_idx %arg11[%parallel_loop3A_1526] : memref<272xf32, #tpu.memory_space<vmem>>[vector<16xi32>], vector<16xf32>,
          %parallel_loop3A_1528 = arith.constant 48 : i32
          %parallel_loop3A_1529 = arith.addi %parallel_loop3A_1485, %parallel_loop3A_1528 : i32
          %parallel_loop3A_1530 = arith.index_cast %parallel_loop3A_1483 : i32 to index
          %parallel_loop3A_1531 = arith.index_cast %parallel_loop3A_1529 : i32 to index
          %parallel_loop3A_1532 = tpu.vector_load %arg6[%parallel_loop3A_1530, %parallel_loop3A_1531] {strides = array<i32>} : memref<16x512xf32, #tpu.memory_space<vmem>>, vector<16xf32>,
          tpu.vector_store %arg6[%parallel_loop3A_1530, %parallel_loop3A_1531], %parallel_loop3A_1527 {strides = array<i32>} : memref<16x512xf32, #tpu.memory_space<vmem>>, vector<16xf32>,
        } {sc.loop_unroll_factor = 2 : i64, sc.parallel_access}
        %mul3A_1455 = arith.constant 16 : i32
        %mul3A_1456 = arith.muli %add3A_1446, %mul3A_1455 : i32
        %add3A_1457 = arith.addi %mul3A_17, %mul3A_1456 : i32
        %dma_start3A_1458 = arith.constant 0 : i32
        %dma_start3A_1459 = tpu.memref_slice %arg3[%add3A_1457, %dma_start3A_1458] : memref<98304x512xf32, #tpu.memory_space<hbm>> -> memref<16x512xf32, #tpu.memory_space<hbm>>
        %dma_start3A_1460 = arith.constant 0 : i32
        %dma_start3A_1461 = tpu.memref_slice %arg3[%add3A_1457, %dma_start3A_1460] : memref<98304x512xf32, #tpu.memory_space<hbm>> -> memref<16x512xf32, #tpu.memory_space<hbm>>
        tpu.enqueue_dma source(%arg6 : memref<16x512xf32, #tpu.memory_space<vmem>>) target(%dma_start3A_1461 : memref<16x512xf32, #tpu.memory_space<hbm>>) target_semaphore(%arg14 : memref<!tpu.dma_semaphore, #tpu.memory_space<semaphore_mem>>)
        %add3A_1462 = arith.constant 1 : i32
        %add3A_1463 = arith.addi %mul3A_1444, %add3A_1462 : i32
        %gt3A_1464 = arith.constant 0 : i32
        %gt3A_1465 = arith.cmpi sgt, %scan3A_1442, %gt3A_1464 : i32
        %convert_element_type3A_1466 = arith.extui %gt3A_1465 : i1 to i32
        %cond3A_1467 = arith.constant 0 : i32
        %cond3A_1468 = arith.cmpi ne, %convert_element_type3A_1466, %cond3A_1467 : i32
        scf.if %cond3A_1468 {
          %dma_wait3A_1481 = arith.constant 0 : i32
          %dma_wait3A_1482 = tpu.memref_slice %arg3[%mul3A_17, %dma_wait3A_1481] : memref<98304x512xf32, #tpu.memory_space<hbm>> -> memref<16x512xf32, #tpu.memory_space<hbm>>
          %dma_wait3A_1483 = arith.constant 0 : i32
          %dma_wait3A_1484 = tpu.memref_slice %arg3[%mul3A_17, %dma_wait3A_1483] : memref<98304x512xf32, #tpu.memory_space<hbm>> -> memref<16x512xf32, #tpu.memory_space<hbm>>
          tpu.wait_dma2 semaphore(%arg15 : memref<!tpu.dma_semaphore, #tpu.memory_space<semaphore_mem>>) src(%arg7 : memref<16x512xf32, #tpu.memory_space<vmem>>) dst(%dma_wait3A_1484 : memref<16x512xf32, #tpu.memory_space<hbm>>)
        } else {
        }
        %mul3A_1469 = arith.constant 8192 : i32
        %mul3A_1470 = arith.muli %add3A_1463, %mul3A_1469 : i32
        %parallel_loop3A_1471 = arith.constant 0 : i32
        %parallel_loop3A_1472 = arith.constant 8192 : i32
        %parallel_loop3A_1473 = arith.constant 64 : i32
        scf.for %parallel_loop3A_1481 = %parallel_loop3A_1471 to %parallel_loop3A_1472 step %parallel_loop3A_1473  : i32 {
          %parallel_loop3A_1482 = arith.constant 9 : i32
          %parallel_loop3A_1483 = arith.shrsi %parallel_loop3A_1481, %parallel_loop3A_1482 : i32
          %parallel_loop3A_1484 = arith.constant 511 : i32
          %parallel_loop3A_1485 = arith.andi %parallel_loop3A_1481, %parallel_loop3A_1484 : i32
          %parallel_loop3A_1486 = arith.addi %mul3A_1470, %parallel_loop3A_1481 : i32
          %parallel_loop3A_1487 = arith.constant 2 : i32
          %parallel_loop3A_1488 = arith.shrsi %parallel_loop3A_1486, %parallel_loop3A_1487 : i32
          %parallel_loop3A_1489 = arith.index_cast %parallel_loop3A_1488 : i32 to index
          %parallel_loop3A_1490 = tpu.vector_load %arg8[%parallel_loop3A_1489] {strides = array<i32>} : memref<65536xi32, #tpu.memory_space<vmem>>, vector<16xi32>,
          %parallel_loop3A_1491 = arith.constant 255 : i32
          %parallel_loop3A_1492 = vector.broadcast %parallel_loop3A_1491 : i32 to vector<16xi32>
          %parallel_loop3A_1493 = arith.andi %parallel_loop3A_1490, %parallel_loop3A_1492 : vector<16xi32>
          %parallel_loop3A_1494 = tpu.vector_load_idx %arg11[%parallel_loop3A_1493] : memref<272xf32, #tpu.memory_space<vmem>>[vector<16xi32>], vector<16xf32>,
          %parallel_loop3A_1495 = arith.constant 0 : i32
          %parallel_loop3A_1496 = arith.addi %parallel_loop3A_1485, %parallel_loop3A_1495 : i32
          %parallel_loop3A_1497 = arith.index_cast %parallel_loop3A_1483 : i32 to index
          %parallel_loop3A_1498 = arith.index_cast %parallel_loop3A_1496 : i32 to index
          %parallel_loop3A_1499 = tpu.vector_load %arg7[%parallel_loop3A_1497, %parallel_loop3A_1498] {strides = array<i32>} : memref<16x512xf32, #tpu.memory_space<vmem>>, vector<16xf32>,
          tpu.vector_store %arg7[%parallel_loop3A_1497, %parallel_loop3A_1498], %parallel_loop3A_1494 {strides = array<i32>} : memref<16x512xf32, #tpu.memory_space<vmem>>, vector<16xf32>,
          %parallel_loop3A_1500 = arith.constant 8 : i32
          %parallel_loop3A_1501 = vector.broadcast %parallel_loop3A_1500 : i32 to vector<16xi32>
          %parallel_loop3A_1502 = arith.shrui %parallel_loop3A_1490, %parallel_loop3A_1501 : vector<16xi32>
          %parallel_loop3A_1503 = arith.constant 255 : i32
          %parallel_loop3A_1504 = vector.broadcast %parallel_loop3A_1503 : i32 to vector<16xi32>
          %parallel_loop3A_1505 = arith.andi %parallel_loop3A_1502, %parallel_loop3A_1504 : vector<16xi32>
          %parallel_loop3A_1506 = tpu.vector_load_idx %arg11[%parallel_loop3A_1505] : memref<272xf32, #tpu.memory_space<vmem>>[vector<16xi32>], vector<16xf32>,
          %parallel_loop3A_1507 = arith.constant 16 : i32
          %parallel_loop3A_1508 = arith.addi %parallel_loop3A_1485, %parallel_loop3A_1507 : i32
          %parallel_loop3A_1509 = arith.index_cast %parallel_loop3A_1483 : i32 to index
          %parallel_loop3A_1510 = arith.index_cast %parallel_loop3A_1508 : i32 to index
          %parallel_loop3A_1511 = tpu.vector_load %arg7[%parallel_loop3A_1509, %parallel_loop3A_1510] {strides = array<i32>} : memref<16x512xf32, #tpu.memory_space<vmem>>, vector<16xf32>,
          tpu.vector_store %arg7[%parallel_loop3A_1509, %parallel_loop3A_1510], %parallel_loop3A_1506 {strides = array<i32>} : memref<16x512xf32, #tpu.memory_space<vmem>>, vector<16xf32>,
          %parallel_loop3A_1512 = arith.constant 16 : i32
          %parallel_loop3A_1513 = vector.broadcast %parallel_loop3A_1512 : i32 to vector<16xi32>
          %parallel_loop3A_1514 = arith.shrui %parallel_loop3A_1490, %parallel_loop3A_1513 : vector<16xi32>
          %parallel_loop3A_1515 = arith.constant 255 : i32
          %parallel_loop3A_1516 = vector.broadcast %parallel_loop3A_1515 : i32 to vector<16xi32>
          %parallel_loop3A_1517 = arith.andi %parallel_loop3A_1514, %parallel_loop3A_1516 : vector<16xi32>
          %parallel_loop3A_1518 = tpu.vector_load_idx %arg11[%parallel_loop3A_1517] : memref<272xf32, #tpu.memory_space<vmem>>[vector<16xi32>], vector<16xf32>,
          %parallel_loop3A_1519 = arith.constant 32 : i32
          %parallel_loop3A_1520 = arith.addi %parallel_loop3A_1485, %parallel_loop3A_1519 : i32
          %parallel_loop3A_1521 = arith.index_cast %parallel_loop3A_1483 : i32 to index
          %parallel_loop3A_1522 = arith.index_cast %parallel_loop3A_1520 : i32 to index
          %parallel_loop3A_1523 = tpu.vector_load %arg7[%parallel_loop3A_1521, %parallel_loop3A_1522] {strides = array<i32>} : memref<16x512xf32, #tpu.memory_space<vmem>>, vector<16xf32>,
          tpu.vector_store %arg7[%parallel_loop3A_1521, %parallel_loop3A_1522], %parallel_loop3A_1518 {strides = array<i32>} : memref<16x512xf32, #tpu.memory_space<vmem>>, vector<16xf32>,
          %parallel_loop3A_1524 = arith.constant 24 : i32
          %parallel_loop3A_1525 = vector.broadcast %parallel_loop3A_1524 : i32 to vector<16xi32>
          %parallel_loop3A_1526 = arith.shrui %parallel_loop3A_1490, %parallel_loop3A_1525 : vector<16xi32>
          %parallel_loop3A_1527 = tpu.vector_load_idx %arg11[%parallel_loop3A_1526] : memref<272xf32, #tpu.memory_space<vmem>>[vector<16xi32>], vector<16xf32>,
          %parallel_loop3A_1528 = arith.constant 48 : i32
          %parallel_loop3A_1529 = arith.addi %parallel_loop3A_1485, %parallel_loop3A_1528 : i32
          %parallel_loop3A_1530 = arith.index_cast %parallel_loop3A_1483 : i32 to index
          %parallel_loop3A_1531 = arith.index_cast %parallel_loop3A_1529 : i32 to index
          %parallel_loop3A_1532 = tpu.vector_load %arg7[%parallel_loop3A_1530, %parallel_loop3A_1531] {strides = array<i32>} : memref<16x512xf32, #tpu.memory_space<vmem>>, vector<16xf32>,
          tpu.vector_store %arg7[%parallel_loop3A_1530, %parallel_loop3A_1531], %parallel_loop3A_1527 {strides = array<i32>} : memref<16x512xf32, #tpu.memory_space<vmem>>, vector<16xf32>,
        } {sc.loop_unroll_factor = 2 : i64, sc.parallel_access}
        %mul3A_1474 = arith.constant 16 : i32
        %mul3A_1475 = arith.muli %add3A_1463, %mul3A_1474 : i32
        %add3A_1476 = arith.addi %mul3A_17, %mul3A_1475 : i32
        %dma_start3A_1477 = arith.constant 0 : i32
        %dma_start3A_1478 = tpu.memref_slice %arg3[%add3A_1476, %dma_start3A_1477] : memref<98304x512xf32, #tpu.memory_space<hbm>> -> memref<16x512xf32, #tpu.memory_space<hbm>>
        %dma_start3A_1479 = arith.constant 0 : i32
        %dma_start3A_1480 = tpu.memref_slice %arg3[%add3A_1476, %dma_start3A_1479] : memref<98304x512xf32, #tpu.memory_space<hbm>> -> memref<16x512xf32, #tpu.memory_space<hbm>>
        tpu.enqueue_dma source(%arg7 : memref<16x512xf32, #tpu.memory_space<vmem>>) target(%dma_start3A_1480 : memref<16x512xf32, #tpu.memory_space<hbm>>) target_semaphore(%arg15 : memref<!tpu.dma_semaphore, #tpu.memory_space<semaphore_mem>>)
      }
      %scan3A_1434 = arith.constant 16 : i32
      %dma_wait3A = arith.constant 0 : i32
      %dma_wait3A_1435 = tpu.memref_slice %arg3[%mul3A_17, %dma_wait3A] : memref<98304x512xf32, #tpu.memory_space<hbm>> -> memref<16x512xf32, #tpu.memory_space<hbm>>
      %dma_wait3A_1436 = arith.constant 0 : i32
      %dma_wait3A_1437 = tpu.memref_slice %arg3[%mul3A_17, %dma_wait3A_1436] : memref<98304x512xf32, #tpu.memory_space<hbm>> -> memref<16x512xf32, #tpu.memory_space<hbm>>
      tpu.wait_dma2 semaphore(%arg14 : memref<!tpu.dma_semaphore, #tpu.memory_space<semaphore_mem>>) src(%arg6 : memref<16x512xf32, #tpu.memory_space<vmem>>) dst(%dma_wait3A_1437 : memref<16x512xf32, #tpu.memory_space<hbm>>)
      %dma_wait3A_1438 = arith.constant 0 : i32
      %dma_wait3A_1439 = tpu.memref_slice %arg3[%mul3A_17, %dma_wait3A_1438] : memref<98304x512xf32, #tpu.memory_space<hbm>> -> memref<16x512xf32, #tpu.memory_space<hbm>>
      %dma_wait3A_1440 = arith.constant 0 : i32
      %dma_wait3A_1441 = tpu.memref_slice %arg3[%mul3A_17, %dma_wait3A_1440] : memref<98304x512xf32, #tpu.memory_space<hbm>> -> memref<16x512xf32, #tpu.memory_space<hbm>>
      tpu.wait_dma2 semaphore(%arg15 : memref<!tpu.dma_semaphore, #tpu.memory_space<semaphore_mem>>) src(%arg7 : memref<16x512xf32, #tpu.memory_space<vmem>>) dst(%dma_wait3A_1441 : memref<16x512xf32, #tpu.memory_space<hbm>>)
    }
    %scan3A_11 = arith.constant 6 : i32
    return
  }
}

</mosaic_0001>

<sc_bundles>
// kernel: kernel.3.cloned.1.call-start
scs
__scs_entry_jumppad:
0x0: {  	(pc) =	sbr.rel $0x88, $3  }
0x1: {  	(tag) =	ssettag $0x0;
	lr =	simm.s32 $0x1  }
0x2: {  	[smem:$0x3FA0] =	sst lr;
	_ =	strace $0xD0000000  }
0x3: {  	_ = 	snop  }
0x4: {  	_ = 	snop  }
0x5: {  	_ = 	snop  }
0x6: {  	_ = 	snop  }
0x7: {  	_ = 	snop  }
__scs_overlays_trampoline_lowered:
0x8: {  	[smem:$0x3FAF] =	sst s0  }
0x9: {  	[smem:$0x3FB0] =	sst s1  }
0xa: {  	[smem:$0x3FB1] =	sst s2  }
0xb: {  	[smem:$0x3FB2] =	sst s3  }
0xc: {  	[smem:$0x3FB3] =	sst s4  }
0xd: {  	[smem:$0x3FB4] =	sst s5  }
0xe: {  	[smem:$0x3FB5] =	sst s6  }
0xf: {  	[smem:$0x3FB6] =	sst s7  }
0x10: {  	[smem:$0x3FB7] =	sst s8  }
0x11: {  	[smem:$0x3FB8] =	sst s9;
	s0 =	simm.s32 @!p0 $0x0  }
0x12: {  	s1 =	sld [smem:$0x3F9E];
	s0 =	simm.s32 @p0 $0x1  }
0x13: {  	[smem:$0x3FB9] =	sst s0;
	s0 =	simm.s32 @!p1 $0x0  }
0x14: {  	s2 =	sld [smem:$0x3F9D];
	s0 =	simm.s32 @p1 $0x1  }
0x15: {  	[smem:$0x3FBA] =	sst s0;
	s0 =	simm.s32 @!p2 $0x0  }
0x16: {  	s3 =	sld [smem:$0x3FDB];
	s0 =	simm.s32 @p2 $0x1  }
0x17: {  	s4 =	simm.s32 $0x1BF5;
	[smem:$0x3FBC] =	sst s0  }
0x18: {  	s0 =	sld [smem:$0x3F9F];
	_ =	swait.ge [sflag:s4], $0x0  }
0x19: {  	s7 =	sld [smem:$0x3FA0]  }
0x1a: {  	s8 =	sadd.s32 $0xFFFFE003, lr  }
0x1b: {  	s9 =	sadd.s32 $0xFFFFFEF7, lr;
	s5 =	simm.s32 $0xFFFFFFFF;
	p2 =	slt.u32 s8, $0xFFFFF086  }
0x1c: {  	p1 =	slt.u32 s9, $0xF7A;
	s5 =	simm.s32 @!p2 $0x0  }
0x1d: {  	s5 =	simm.s32 @p1 $0x1;
	p0 =	seq.s32 s7, s2  }
0x1e: {  	s7 =	smul.u32 @!p0 $0xF7A, s2;
	p2 =	seq.s32 @!p0 s5, $0x0  }
0x1f: {  	s9 =	smul.u32 $0xF7A, s1;
	s8 =	simm.s32 @!p0 $0x1BF5;
	p2 =	por !p2, p0  }
0x20: {  	[sflag:s8] =	ssyncset.s32 @!p0 $0xFFFFF086;
	s6 =	sadd.s32 @!p0 s3, s7;
	s7 =	simm.s32 @!p0 $0x108  }
0x21: {  	s3 =	sadd.s32 s3, s9;
	s6 =	sadd.s32 @!p0 $0x88, s6;
	s7 =	simm.s32 @p2 $0x1082  }
0x22: {  	[simem:s7], [sflag:s8] =	dma.local @!p0 [hbm:s6], $0xF7A  }
0x23: {  	s9 =	sor.u32 $0xD0000000, s2;
	s6 =	simm.s32 $0x108;
	_ =	swait.ge @!p0 [sflag:s8], $0x0  }
0x24: {  	s3 =	sadd.s32 $0x88, s3;
	s6 =	simm.s32 @!p1 $0x1082;
	[sflag:s4] =	ssyncset.s32 $0xFFFFF086  }
0x25: {  	[simem:s6], [sflag:s4] =	dma.local [hbm:s3], $0xF7A  }
0x26: {  	[smem:$0x3FA0] =	sst s1;
	(tag) =	ssettag s2;
	_ =	strace s9  }
0x27: {  	s1 =	sld [smem:$0x3FB0]  }
0x28: {  	s2 =	sld [smem:$0x3FB1]  }
0x29: {  	s4 =	sld [smem:$0x3FB3]  }
0x2a: {  	p0 =	seq.s32 s5, $0x0;
	s5 =	sld [smem:$0x3FB4]  }
0x2b: {  	s6 =	sld [smem:$0x3FB5]  }
0x2c: {  	s7 =	sld [smem:$0x3FB6]  }
0x2d: {  	s3 =	simm.s32 $0x108;
	s8 =	sld [smem:$0x3FB7]  }
0x2e: {  	s3 =	simm.s32 @!p0 $0x1082;
	s9 =	sld [smem:$0x3FB8]  }
0x2f: {  	lr =	sadd.s32 s0, s3;
	s0 =	sld [smem:$0x3FAF]  }
0x30: {  	s3 =	sld [smem:$0x3FB2]  }
0x31: {  	[smem:$0x3FBB] =	sst s10  }
0x32: {  	s10 =	sld [smem:$0x3FB9];
	_ =	sdelay $0x3  }
0x33: {  	p0 =	seq.s32 s10, $0x1;
	s10 =	sld [smem:$0x3FBB];
	_ =	sdelay $0x3  }
0x34: {  	[smem:$0x3FBB] =	sst s10  }
0x35: {  	s10 =	sld [smem:$0x3FBA];
	_ =	sdelay $0x3  }
0x36: {  	p1 =	seq.s32 s10, $0x1;
	s10 =	sld [smem:$0x3FBB];
	_ =	sdelay $0x3  }
0x37: {  	[smem:$0x3FBB] =	sst s10  }
0x38: {  	s10 =	sld [smem:$0x3FBC]  }
0x39: {  	_ = 	snop;
	(pc) =	sbr.ind lr, $3  }
0x3a: {  	_ = 	snop  }
0x3b: {  	_ = 	snop  }
0x3c: {  	p2 =	seq.s32 s10, $0x1;
	s10 =	sld [smem:$0x3FBB]  }
0x3d: {  	_ =	shalt  }
0x3e: {  	_ =	shalt  }
0x3f: {  	_ =	shalt  }
0x40: {  	_ =	shalt  }
0x41: {  	_ =	shalt  }
0x42: {  	_ =	shalt  }
0x43: {  	_ =	shalt  }
0x44: {  	_ =	shalt  }
0x45: {  	_ =	shalt  }
0x46: {  	_ =	shalt  }
0x47: {  	_ =	shalt  }
0x48: {  	_ =	shalt  }
0x49: {  	_ =	shalt  }
0x4a: {  	_ =	shalt  }
0x4b: {  	_ =	shalt  }
0x4c: {  	_ =	shalt  }
0x4d: {  	_ =	shalt  }
0x4e: {  	_ =	shalt  }
0x4f: {  	_ =	shalt  }
0x50: {  	_ =	shalt  }
0x51: {  	_ =	shalt  }
0x52: {  	_ =	shalt  }
0x53: {  	_ =	shalt  }
0x54: {  	_ =	shalt  }
0x55: {  	_ =	shalt  }
0x56: {  	_ =	shalt  }
0x57: {  	_ =	shalt  }
0x58: {  	_ =	shalt  }
0x59: {  	_ =	shalt  }
0x5a: {  	_ =	shalt  }
0x5b: {  	_ =	shalt  }
0x5c: {  	_ =	shalt  }
0x5d: {  	_ =	shalt  }
0x5e: {  	_ =	shalt  }
0x5f: {  	_ =	shalt  }
0x60: {  	_ =	shalt  }
0x61: {  	_ =	shalt  }
0x62: {  	_ =	shalt  }
0x63: {  	_ =	shalt  }
0x64: {  	_ =	shalt  }
0x65: {  	_ =	shalt  }
0x66: {  	_ =	shalt  }
0x67: {  	_ =	shalt  }
0x68: {  	_ =	shalt  }
0x69: {  	_ =	shalt  }
0x6a: {  	_ =	shalt  }
0x6b: {  	_ =	shalt  }
0x6c: {  	_ =	shalt  }
0x6d: {  	_ =	shalt  }
0x6e: {  	_ =	shalt  }
0x6f: {  	_ =	shalt  }
0x70: {  	_ =	shalt  }
0x71: {  	_ =	shalt  }
0x72: {  	_ =	shalt  }
0x73: {  	_ =	shalt  }
0x74: {  	_ =	shalt  }
0x75: {  	_ =	shalt  }
0x76: {  	_ =	shalt  }
0x77: {  	_ =	shalt  }
0x78: {  	_ =	shalt  }
0x79: {  	_ =	shalt  }
0x7a: {  	_ =	shalt  }
0x7b: {  	_ =	shalt  }
0x7c: {  	_ =	shalt  }
0x7d: {  	_ =	shalt  }
0x7e: {  	_ =	shalt  }
0x7f: {  	_ =	shalt  }
0x80: {  	_ =	shalt  }
0x81: {  	_ =	shalt  }
0x82: {  	_ =	shalt  }
0x83: {  	_ =	shalt  }
0x84: {  	_ =	shalt  }
0x85: {  	_ =	shalt  }
0x86: {  	_ =	shalt  }
0x87: {  	_ =	shalt  }
.Lfunc_end0:
.L_simem_size_0:
called_computation_lowered:
.L_overlay_start_0:
0x88: {  	s2 =	sld [smem:$0x3FD9]  }
0x89: {  	s3 =	sld [smem:$0x3FFE];
	_ =	sdelay $0x1  }
0x8a: {  	s1 =	srdreg.scid  }
0x8b: {  	s0 =	sand.u32 $0x1, s1  }
0x8c: {  	s18 =	sshll.u32 s0, $0xA;
	s2 =	sadd.s32 s3, s2  }
0x8d: {  	s2 =	sadd.s32 s2, s18  }
0x8e: {  	[smem:$0x3FC7] =	sst s2  }
0x8f: {  	_ = 	snop  }
0x90: {  	s2 =	sld [smem:$0x3FC9]  }
0x91: {  	s19 =	sld [smem:$0x3FD0];
	(tm) =	ssettm $0x1  }
0x92: {  	s4 =	sld [smem:$0x3FFB];
	_ =	sdelay $0x3  }
0x93: {  	_ =	strace s4  }
0x94: {  	s4 =	sld [smem:$0x3FFC];
	_ =	sdelay $0x3  }
0x95: {  	_ =	strace s4  }
0x96: {  	s4 =	sld [smem:$0x3FFD];
	_ =	sdelay $0x3  }
0x97: {  	_ =	strace s4  }
0x98: {  	_ =	strace $0x8FFFFFFF  }
0x99: {  	s20 =	sld [smem:$0x3FDB];
	_ =	sdelay $0x1  }
0x9a: {  	s5 =	simm.s32 $_scs_section_size  }
0x9b: {  	s6 =	simm.s32 $_size__tile_overlayer_lowered;
	s7 =	simm.s32 $_tile_overlayer_lowered  }
0x9c: {  	s23 =	simm.s32 $0x1BFF;
	s22 =	sshll.u32 s7, $0x1;
	s4 =	sadd.s32 s5, s20  }
0x9d: {  	s8 =	simm.s32 $0x0;
	s21 =	sshll.u32 s6, $0x1;
	s6 =	sadd.s32 s22, s4  }
0x9e: {  	[timem:s8], [sflag:s23] =	dma.local [hbm:s6], s21  }
0x9f: {  	_ =	swait.ge [sflag:s23], s21  }
0xa0: {  	s5 =	ssub.s32 $0x0, s21;
	[sflag:s23] =	ssyncset.done $0x0  }
0xa1: {  	[sflag:s23] =	ssyncadd.s32 s5;
	_ =	sdelay $0x1  }
0xa2: {  	s24 =	simm.s32 $0x1B8B  }
0xa3: {  	_ =	swait.ge [sflag:s24], $0x1  }
0xa4: {  	[sflag:s24] =	ssyncset.done $0x0  }
0xa5: {  	s25 =	simm.s32 $0x1B8E;
	[sflag:s24] =	ssyncadd.s32 $0xFFFFFFFF  }
0xa6: {  	s26 =	simm.s32 $execute0_lowered;
	[smem:$0x3FD2] =	sst s25  }
0xa7: {  	s5 =	sshll.u32 s26, $0x1;
	_ =	strace $0x80000046;
	[dreg:$0x1] =	wrdreg $0xFFFFFFFF  }
0xa8: {  	s28 =	simm.s32 $_size_execute0_lowered;
	s4 =	sadd.s32 s4, s5;
	[dreg:$0x0] =	wrdreg $0x0  }
0xa9: {  	s5 =	sshll.u32 s28, $0x1;
	[dreg:$0x2] =	wrdreg s4  }
0xaa: {  	[dreg:$0x3] =	wrdreg s5  }
0xab: {  	[dreg:$0x4] =	wrdreg $0xC0  }
0xac: {  	_ =	task [dreg:s8], $0x5FFFF  }
0xad: {  	[dreg:$0x1] =	wrdreg $0xFFFFFFFF  }
0xae: {  	[dreg:$0x0] =	wrdreg $0x60  }
0xaf: {  	[dreg:$0x2] =	wrdreg s2  }
0xb0: {  	[dreg:$0x3] =	wrdreg s19  }
0xb1: {  	[dreg:$0x4] =	wrdreg $0x9  }
0xb2: {  	_ =	task.clear_ibuf [dreg:s8], $0x5FFFF;
	_ =	strace $0x90000046  }
0xb3: {  	s29 =	simm.s32 $0x9;
	_ =	strace $0x80000048  }
0xb4: {  	_ =	swait.ge [sflag:s29], $0x1  }
0xb5: {  	[sflag:s29] =	ssyncadd.s32 $0xFFFFFFFF  }
0xb6: {  	_ =	strace $0x90000048  }
0xb7: {  	_ =	sfence  }
0xb8: {  	s30 =	sld [smem:$0x0];
	_ =	sdelay $0x2  }
0xb9: {  	s31 =	sshll.u32 s1, $0xD;
	s1 =	sshrl.u32 s1, $0x2  }
0xba: {  	s3 =	sand.u32 $0x4000, s31;
	s1 =	sadd.s32 s1, s30  }
0xbb: {  	s0 =	sor.u32 s3, s0;
	s1 =	sshll.u32 s1, $0x11  }
0xbc: {  	s0 =	sor.u32 s1, s0  }
0xbd: {  	s0 =	sadd.s32 $0x8F2B, s0  }
0xbe: {  	[sflag:s0] =	ssyncadd.remote.s32 $0x1  }
0xbf: {  	_ =	sfence.sel $0xFFFF  }
0xc0: {  	[dreg:$0x0] =	wrdreg $0xFFFFFFFF;
	(pc) =	sbr.abs _section_cstart, $3  }
0xc1: {  	[dreg:$0x1] =	wrdreg $0xFFFFFFFF  }
0xc2: {  	_ =	task.clear_ibuf [dreg:s8], $0x2FFFF;
	_ =	strace $0x9FFFFFFF  }
0xc3: {  	(tm) =	ssettm $0x7FFFFFFF  }
tec
execute0_lowered:
.L_overlay_start_1:
0x0: {  	(tag) =	ssettag $0x1  }
0x1: {  	v0 =	vimm.f32 $1.600000000e+01;
	vm14 =	vcmask $0x300  }
0x2: {  	vm13 =	vcmask $0x704;
	v0 =	vsel vm14, $0x3F800000, v0  }
0x3: {  	vm12 =	vcmask $0xB08;
	v0 =	vsel vm13, $0x40000000, v0  }
0x4: {  	vm11 =	vcmask $0xF0C;
	v0 =	vsel vm12, $0x40400000, v0  }
0x5: {  	vm10 =	vcmask $0x1310;
	v0 =	vsel vm11, $0x40800000, v0  }
0x6: {  	vm9 =	vcmask $0x1714;
	v0 =	vsel vm10, $0x40A00000, v0  }
0x7: {  	vm8 =	vcmask $0x1B18;
	v0 =	vsel vm9, $0x40C00000, v0  }
0x8: {  	vm7 =	vcmask $0x1F1C;
	v0 =	vsel vm8, $0x40E00000, v0  }
0x9: {  	s0 =	simm.s32 $0x0;
	vm6 =	vcmask $0x2320;
	v0 =	vsel vm7, $0x41000000, v0  }
0xa: {  	vm5 =	vcmask $0x2724;
	[smem:$0x7FF] =	sst s0;
	v0 =	vsel vm6, $0x41100000, v0  }
0xb: {  	s3 =	rddreg [dreg:$0x0];
	v1 =	vimm.f32 $2.550000000e+02;
	vm4 =	vcmask $0x2B28;
	_ =	strace $0x80000047;
	v0 =	vsel vm5, $0x41200000, v0  }
0xc: {  	vm3 =	vcmask $0x2F2C;
	(erf) = vrcp.f32 v1;
	v1 =	vsel vm4, $0x41300000, v0  }
0xd: {  	vm2 =	vcmask $0x3330;
	v1 =	vsel vm3, $0x41400000, v1  }
0xe: {  	vm1 =	vcmask $0x3734;
	v2 =	vsel vm2, $0x41500000, v1  }
0xf: {  	vm0 =	vcmask $0x3B38;
	v3 =	vsel vm1, $0x41600000, v2  }
0x10: {  	v3 =	vsel vm0, $0x41700000, v3  }
0x11: {  	[tilespmem:$0x1FDF0] =	vst v3;
	v3 =	vimm.f32 $3.200000000e+01  }
0x12: {  	v35 =	vlaneseq.u32;
	v3 =	vsel vm14, $0x41880000, v3  }
0x13: {  	v34 =	vimm.f32 $4.800000000e+01;
	v4 =	vadd.s32 $0x1, v35;
	v3 =	vsel vm13, $0x41900000, v3  }
0x14: {  	[tilespmem:$0x1FE00] =	vst v4;
	v4 =	vsel vm14, $0x42040000, v34;
	v3 =	vsel vm12, $0x41980000, v3  }
0x15: {  	v5 =	vimm.f32 $6.400000000e+01;
	v4 =	vsel vm13, $0x42080000, v4;
	v3 =	vsel vm11, $0x41A00000, v3  }
0x16: {  	v5 =	vsel vm14, $0x42440000, v5;
	v4 =	vsel vm12, $0x420C0000, v4;
	v3 =	vsel vm10, $0x41A80000, v3  }
0x17: {  	v5 =	vsel vm13, $0x42480000, v5;
	v4 =	vsel vm11, $0x42100000, v4;
	v3 =	vsel vm9, $0x41B00000, v3  }
0x18: {  	v5 =	vsel vm12, $0x424C0000, v5;
	v4 =	vsel vm10, $0x42140000, v4;
	v3 =	vsel vm8, $0x41B80000, v3  }
0x19: {  	v5 =	vsel vm11, $0x42500000, v5;
	v4 =	vsel vm9, $0x42180000, v4;
	v3 =	vsel vm7, $0x41C00000, v3  }
0x1a: {  	v5 =	vsel vm10, $0x42540000, v5;
	v4 =	vsel vm8, $0x421C0000, v4;
	v3 =	vsel vm6, $0x41C80000, v3  }
0x1b: {  	v5 =	vsel vm9, $0x42580000, v5;
	v4 =	vsel vm7, $0x42200000, v4;
	v3 =	vsel vm5, $0x41D00000, v3  }
0x1c: {  	v5 =	vsel vm8, $0x425C0000, v5;
	v4 =	vsel vm6, $0x42240000, v4;
	v3 =	vsel vm4, $0x41D80000, v3  }
0x1d: {  	v5 =	vsel vm7, $0x42600000, v5;
	v4 =	vsel vm5, $0x42280000, v4;
	v3 =	vsel vm3, $0x41E00000, v3  }
0x1e: {  	v5 =	vsel vm6, $0x42640000, v5;
	v4 =	vsel vm4, $0x422C0000, v4;
	v3 =	vsel vm2, $0x41E80000, v3  }
0x1f: {  	v5 =	vsel vm5, $0x42680000, v5;
	v4 =	vsel vm3, $0x42300000, v4;
	v3 =	vsel vm1, $0x41F00000, v3  }
0x20: {  	v5 =	vsel vm4, $0x426C0000, v5;
	v4 =	vsel vm2, $0x42340000, v4;
	v3 =	vsel vm0, $0x41F80000, v3  }
0x21: {  	v5 =	vsel vm3, $0x42700000, v5;
	[tilespmem:$0x1FE10] =	vst v3;
	v3 =	vsel vm1, $0x42380000, v4  }
0x22: {  	v36 =	vsel vm2, $0x42740000, v5;
	v3 =	vsel vm0, $0x423C0000, v3  }
0x23: {  	[tilespmem:$0x1FE30] =	vst v3;
	v3 =	vsel vm1, $0x42780000, v36  }
0x24: {  	v3 =	vsel vm0, $0x427C0000, v3  }
0x25: {  	[tilespmem:$0x1FE50] =	vst v3;
	v3 =	vimm.f32 $8.000000000e+01  }
0x26: {  	v3 =	vsel vm14, $0x42820000, v3  }
0x27: {  	v40 =	vimm.f32 $9.600000000e+01;
	v3 =	vsel vm13, $0x42840000, v3  }
0x28: {  	v4 =	vsel vm14, $0x42A20000, v40;
	v3 =	vsel vm12, $0x42860000, v3  }
0x29: {  	v41 =	vimm.f32 $1.120000000e+02;
	v4 =	vsel vm13, $0x42A40000, v4;
	v3 =	vsel vm11, $0x42880000, v3  }
0x2a: {  	v5 =	vsel vm14, $0x42C20000, v41;
	v4 =	vsel vm12, $0x42A60000, v4;
	v3 =	vsel vm10, $0x428A0000, v3  }
0x2b: {  	v5 =	vsel vm13, $0x42C40000, v5;
	v4 =	vsel vm11, $0x42A80000, v4;
	v3 =	vsel vm9, $0x428C0000, v3  }
0x2c: {  	v5 =	vsel vm12, $0x42C60000, v5;
	v4 =	vsel vm10, $0x42AA0000, v4;
	v3 =	vsel vm8, $0x428E0000, v3  }
0x2d: {  	v5 =	vsel vm11, $0x42C80000, v5;
	v4 =	vsel vm9, $0x42AC0000, v4;
	v3 =	vsel vm7, $0x42900000, v3  }
0x2e: {  	v5 =	vsel vm10, $0x42CA0000, v5;
	v4 =	vsel vm8, $0x42AE0000, v4;
	v3 =	vsel vm6, $0x42920000, v3  }
0x2f: {  	v5 =	vsel vm9, $0x42CC0000, v5;
	v4 =	vsel vm7, $0x42B00000, v4;
	v3 =	vsel vm5, $0x42940000, v3  }
0x30: {  	v5 =	vsel vm8, $0x42CE0000, v5;
	v4 =	vsel vm6, $0x42B20000, v4;
	v3 =	vsel vm4, $0x42960000, v3  }
0x31: {  	v5 =	vsel vm7, $0x42D00000, v5;
	v4 =	vsel vm5, $0x42B40000, v4;
	v3 =	vsel vm3, $0x42980000, v3  }
0x32: {  	v5 =	vsel vm6, $0x42D20000, v5;
	v4 =	vsel vm4, $0x42B60000, v4;
	v3 =	vsel vm2, $0x429A0000, v3  }
0x33: {  	v5 =	vsel vm5, $0x42D40000, v5;
	v4 =	vsel vm3, $0x42B80000, v4;
	v3 =	vsel vm1, $0x429C0000, v3  }
0x34: {  	v5 =	vsel vm4, $0x42D60000, v5;
	v4 =	vsel vm2, $0x42BA0000, v4;
	v3 =	vsel vm0, $0x429E0000, v3  }
0x35: {  	v5 =	vsel vm3, $0x42D80000, v5;
	[tilespmem:$0x1FE70] =	vst v3;
	v3 =	vsel vm1, $0x42BC0000, v4  }
0x36: {  	v42 =	vsel vm2, $0x42DA0000, v5;
	v3 =	vsel vm0, $0x42BE0000, v3  }
0x37: {  	[tilespmem:$0x1FE90] =	vst v3;
	v3 =	vsel vm1, $0x42DC0000, v42  }
0x38: {  	v3 =	vsel vm0, $0x42DE0000, v3  }
0x39: {  	[tilespmem:$0x1FEB0] =	vst v3;
	v3 =	vimm.f32 $1.280000000e+02  }
0x3a: {  	v3 =	vsel vm14, $0x42E20000, v3  }
0x3b: {  	v46 =	vimm.f32 $1.440000000e+02;
	v3 =	vsel vm13, $0x42E40000, v3  }
0x3c: {  	v4 =	vsel vm14, $0x43010000, v46;
	v3 =	vsel vm12, $0x42E60000, v3  }
0x3d: {  	v47 =	vimm.f32 $1.600000000e+02;
	v4 =	vsel vm13, $0x43020000, v4;
	v3 =	vsel vm11, $0x42E80000, v3  }
0x3e: {  	v5 =	vsel vm14, $0x43110000, v47;
	v4 =	vsel vm12, $0x43030000, v4;
	v3 =	vsel vm10, $0x42EA0000, v3  }
0x3f: {  	v5 =	vsel vm13, $0x43120000, v5;
	v4 =	vsel vm11, $0x43040000, v4;
	v3 =	vsel vm9, $0x42EC0000, v3  }
0x40: {  	v5 =	vsel vm12, $0x43130000, v5;
	v4 =	vsel vm10, $0x43050000, v4;
	v3 =	vsel vm8, $0x42EE0000, v3  }
0x41: {  	v5 =	vsel vm11, $0x43140000, v5;
	v4 =	vsel vm9, $0x43060000, v4;
	v3 =	vsel vm7, $0x42F00000, v3  }
0x42: {  	v5 =	vsel vm10, $0x43150000, v5;
	v4 =	vsel vm8, $0x43070000, v4;
	v3 =	vsel vm6, $0x42F20000, v3  }
0x43: {  	v5 =	vsel vm9, $0x43160000, v5;
	v4 =	vsel vm7, $0x43080000, v4;
	v3 =	vsel vm5, $0x42F40000, v3  }
0x44: {  	v5 =	vsel vm8, $0x43170000, v5;
	v4 =	vsel vm6, $0x43090000, v4;
	v3 =	vsel vm4, $0x42F60000, v3  }
0x45: {  	v5 =	vsel vm7, $0x43180000, v5;
	v4 =	vsel vm5, $0x430A0000, v4;
	v3 =	vsel vm3, $0x42F80000, v3  }
0x46: {  	v5 =	vsel vm6, $0x43190000, v5;
	v4 =	vsel vm4, $0x430B0000, v4;
	v3 =	vsel vm2, $0x42FA0000, v3  }
0x47: {  	v5 =	vsel vm5, $0x431A0000, v5;
	v4 =	vsel vm3, $0x430C0000, v4;
	v3 =	vsel vm1, $0x42FC0000, v3  }
0x48: {  	v5 =	vsel vm4, $0x431B0000, v5;
	v4 =	vsel vm2, $0x430D0000, v4;
	v3 =	vsel vm0, $0x42FE0000, v3  }
0x49: {  	v5 =	vsel vm3, $0x431C0000, v5;
	[tilespmem:$0x1FED0] =	vst v3;
	v3 =	vsel vm1, $0x430E0000, v4  }
0x4a: {  	v48 =	vsel vm2, $0x431D0000, v5;
	v3 =	vsel vm0, $0x430F0000, v3  }
0x4b: {  	[tilespmem:$0x1FEF0] =	vst v3;
	v3 =	vsel vm1, $0x431E0000, v48  }
0x4c: {  	v3 =	vsel vm0, $0x431F0000, v3  }
0x4d: {  	[tilespmem:$0x1FF10] =	vst v3;
	v3 =	vimm.f32 $1.760000000e+02  }
0x4e: {  	v3 =	vsel vm14, $0x43210000, v3  }
0x4f: {  	v52 =	vimm.f32 $1.920000000e+02;
	v3 =	vsel vm13, $0x43220000, v3  }
0x50: {  	v53 =	vimm.f32 $2.080000000e+02;
	v4 =	vsel vm14, $0x43310000, v52;
	v3 =	vsel vm12, $0x43230000, v3  }
0x51: {  	v58 =	vimm.f32 $2.400000000e+02;
	v4 =	vsel vm13, $0x43320000, v4;
	v3 =	vsel vm11, $0x43240000, v3  }
0x52: {  	v5 =	vsel vm14, $0x43410000, v53;
	v4 =	vsel vm12, $0x43330000, v4;
	v3 =	vsel vm10, $0x43250000, v3  }
0x53: {  	v5 =	vsel vm13, $0x43420000, v5;
	v4 =	vsel vm11, $0x43340000, v4;
	v3 =	vsel vm9, $0x43260000, v3  }
0x54: {  	v5 =	vsel vm12, $0x43430000, v5;
	v4 =	vsel vm10, $0x43350000, v4;
	v3 =	vsel vm8, $0x43270000, v3  }
0x55: {  	v5 =	vsel vm11, $0x43440000, v5;
	v4 =	vsel vm9, $0x43360000, v4;
	v3 =	vsel vm7, $0x43280000, v3  }
0x56: {  	v5 =	vsel vm10, $0x43450000, v5;
	v4 =	vsel vm8, $0x43370000, v4;
	v3 =	vsel vm6, $0x43290000, v3  }
0x57: {  	v5 =	vsel vm9, $0x43460000, v5;
	v4 =	vsel vm7, $0x43380000, v4;
	v3 =	vsel vm5, $0x432A0000, v3  }
0x58: {  	v5 =	vsel vm8, $0x43470000, v5;
	v4 =	vsel vm6, $0x43390000, v4;
	v3 =	vsel vm4, $0x432B0000, v3  }
0x59: {  	v5 =	vsel vm7, $0x43480000, v5;
	v4 =	vsel vm5, $0x433A0000, v4;
	v3 =	vsel vm3, $0x432C0000, v3  }
0x5a: {  	v5 =	vsel vm6, $0x43490000, v5;
	v4 =	vsel vm4, $0x433B0000, v4;
	v3 =	vsel vm2, $0x432D0000, v3  }
0x5b: {  	v5 =	vsel vm5, $0x434A0000, v5;
	v4 =	vsel vm3, $0x433C0000, v4;
	v3 =	vsel vm1, $0x432E0000, v3  }
0x5c: {  	v5 =	vsel vm4, $0x434B0000, v5;
	v4 =	vsel vm2, $0x433D0000, v4;
	v3 =	vsel vm0, $0x432F0000, v3  }
0x5d: {  	v59 =	vimm.f32 $2.560000000e+02;
	v5 =	vsel vm3, $0x434C0000, v5;
	[tilespmem:$0x1FF30] =	vst v3;
	v3 =	vsel vm1, $0x433E0000, v4  }
0x5e: {  	v37 =	vadd.s32 $0x11, v35;
	v54 =	vsel vm2, $0x434D0000, v5;
	v3 =	vsel vm0, $0x433F0000, v3  }
0x5f: {  	v38 =	vadd.s32 $0x21, v35;
	v39 =	vadd.s32 $0x31, v35;
	[tilespmem:$0x1FF50] =	vst v3;
	v3 =	vsel vm1, $0x434E0000, v54  }
0x60: {  	v43 =	vadd.s32 $0x41, v35;
	v44 =	vadd.s32 $0x51, v35;
	v3 =	vsel vm0, $0x434F0000, v3  }
0x61: {  	v45 =	vadd.s32 $0x61, v35;
	v49 =	vadd.s32 $0x71, v35;
	[tilespmem:$0x1FF70] =	vst v3;
	v3 =	vimm.f32 $2.240000000e+02  }
0x62: {  	v50 =	vadd.s32 $0x81, v35;
	v51 =	vadd.s32 $0x91, v35;
	v3 =	vsel vm14, $0x43510000, v3  }
0x63: {  	v55 =	vadd.s32 $0xA1, v35;
	v56 =	vadd.s32 $0xB1, v35;
	v3 =	vsel vm13, $0x43520000, v3  }
0x64: {  	v57 =	vadd.s32 $0xC1, v35;
	[tilespmem:$0x1FE20] =	vst v37;
	v4 =	vsel vm14, $0x43610000, v58;
	v3 =	vsel vm12, $0x43530000, v3  }
0x65: {  	v61 =	vadd.s32 $0xD1, v35;
	[tilespmem:$0x1FE40] =	vst v38;
	v4 =	vsel vm13, $0x43620000, v4;
	v3 =	vsel vm11, $0x43540000, v3  }
0x66: {  	[tilespmem:$0x1FE60] =	vst v39;
	v5 =	vsel vm14, $0x43710000, v59;
	v4 =	vsel vm12, $0x43630000, v4;
	v3 =	vsel vm10, $0x43550000, v3  }
0x67: {  	[tilespmem:$0x1FE80] =	vst v43;
	v5 =	vsel vm13, $0x43720000, v5;
	v4 =	vsel vm11, $0x43640000, v4;
	v3 =	vsel vm9, $0x43560000, v3  }
0x68: {  	[tilespmem:$0x1FEA0] =	vst v44;
	v5 =	vsel vm12, $0x43730000, v5;
	v4 =	vsel vm10, $0x43650000, v4;
	v3 =	vsel vm8, $0x43570000, v3  }
0x69: {  	[tilespmem:$0x1FEC0] =	vst v45;
	v5 =	vsel vm11, $0x43740000, v5;
	v4 =	vsel vm9, $0x43660000, v4;
	v3 =	vsel vm7, $0x43580000, v3  }
0x6a: {  	[tilespmem:$0x1FEE0] =	vst v49;
	v5 =	vsel vm10, $0x43750000, v5;
	v4 =	vsel vm8, $0x43670000, v4;
	v3 =	vsel vm6, $0x43590000, v3  }
0x6b: {  	[tilespmem:$0x1FF00] =	vst v50;
	v5 =	vsel vm9, $0x43760000, v5;
	v4 =	vsel vm7, $0x43680000, v4;
	v3 =	vsel vm5, $0x435A0000, v3  }
0x6c: {  	[tilespmem:$0x1FF20] =	vst v51;
	v5 =	vsel vm8, $0x43770000, v5;
	v4 =	vsel vm6, $0x43690000, v4;
	v3 =	vsel vm4, $0x435B0000, v3  }
0x6d: {  	[tilespmem:$0x1FF40] =	vst v55;
	v5 =	vsel vm7, $0x43780000, v5;
	v4 =	vsel vm5, $0x436A0000, v4;
	v3 =	vsel vm3, $0x435C0000, v3  }
0x6e: {  	[tilespmem:$0x1FF60] =	vst v56;
	v5 =	vsel vm6, $0x43790000, v5;
	v4 =	vsel vm4, $0x436B0000, v4;
	v3 =	vsel vm2, $0x435D0000, v3  }
0x6f: {  	[tilespmem:$0x1FF80] =	vst v57;
	v5 =	vsel vm5, $0x437A0000, v5;
	v4 =	vsel vm3, $0x436C0000, v4;
	v3 =	vsel vm1, $0x435E0000, v3  }
0x70: {  	s29 =	srdreg.scid;
	s2 =	stileid.u32;
	[tilespmem:$0x1FFA0] =	vst v61;
	v5 =	vsel vm4, $0x437B0000, v5;
	v4 =	vsel vm2, $0x436D0000, v4;
	v3 =	vsel vm0, $0x435F0000, v3  }
0x71: {  	s0 =	sand.u32 $0x1, s29;
	s2 =	sshll.u32 s2, $0x1;
	v63 =	vadd.s32 $0xE1, v35;
	v5 =	vsel vm3, $0x437C0000, v5;
	[tilespmem:$0x1FF90] =	vst v3;
	v3 =	vsel vm1, $0x436E0000, v4  }
0x72: {  	s1 =	ssub.s32 $0x2, s0;
	s0 =	sor.u32 s0, s2;
	[tilespmem:$0x1FFD0] =	vst v63;
	v60 =	vsel vm2, $0x437D0000, v5;
	v3 =	vsel vm0, $0x436F0000, v3  }
0x73: {  	s30 =	sadd.s32 $0x800, s3;
	s4 =	sshrl.u32 s1, $0x1;
	s0 =	smul.u32 $0x6, s0;
	v62 =	vpop (erf);
	[tilespmem:$0x1FFB0] =	vst v3;
	v3 =	vsel vm1, $0x437E0000, v60  }
0x74: {  	s10 =	simm.s32 $0x18000;
	[dreg:$0x4] =	wrdreg s30;
	s1 =	ssub.s32 s1, s4;
	[tilespmem:$0x1FFC0] =	vst v62;
	v3 =	vsel vm0, $0x437F0000, v3  }
0x75: {  	s11 =	simm.s32 $0x2;
	[dreg:$0x3] =	wrdreg s0;
	s31 =	smax.u32 s1, $0x1;
	[tilespmem:$0x1FFE0] =	vst v3;
	v3 =	vadd.s32 $0xF1, v35  }
0x76: {  	s12 =	simm.s32 $0x19100;
	s1 =	simm.s32 $0x0;
	[dreg:$0x5] =	wrdreg s31;
	v0 =	vimm.f32 $0.0e+00;
	v1 =	vmul.u32 $0x100, v35;
	v2 =	vimm.f32 $1.000000000e+00;
	[tilespmem:$0x1FFF0] =	vst v3  }
.LBB2_1:
0x77: {  	[dreg:$0x6] =	wrdreg s1;
	s2 =	simm.s32 $0x0  }
.LBB2_2:
0x78: {  	s0 =	simm.s32 $0x18040  }
0x79: {  	[tilespmem:s0+$0xFFFFFFC0] =	vst v0  }
0x7a: {  	[tilespmem:s0+$0x30] =	vst v0  }
0x7b: {  	[tilespmem:s0+$0x20] =	vst v0  }
0x7c: {  	[tilespmem:s0+$0x10] =	vst v0  }
0x7d: {  	[tilespmem:s0+$0x0] =	vst v0  }
0x7e: {  	[tilespmem:s0+$0xFFFFFFF0] =	vst v0  }
0x7f: {  	s1 =	simm.s32 $0x0;
	[tilespmem:s0+$0xFFFFFFE0] =	vst v0  }
.LBB2_3:
0x80: {  	s1 =	sadd.s32 $0x80, s1;
	[tilespmem:s0+$0xFFFFFFD0] =	vst v0;
	s0 =	sadd.s32 $0x80, s0  }
0x81: {  	[tilespmem:s0+$0xFFFFFFC0] =	vst v0;
	p0 =	slt.u32 s1, $0xF80  }
0x82: {  	[tilespmem:s0+$0x30] =	vst v0  }
.Ltmp0:
0x83: {  	[tilespmem:s0+$0x20] =	vst v0;
	(pc) =	sbr.rel @p0 .LBB2_3-.Ltmp0, $4  }
0x84: {  	[tilespmem:s0+$0x10] =	vst v0  }
0x85: {  	[tilespmem:s0+$0x0] =	vst v0  }
0x86: {  	[tilespmem:s0+$0xFFFFFFF0] =	vst v0  }
0x87: {  	[tilespmem:s0+$0xFFFFFFE0] =	vst v0  }
0x88: {  	s1 =	rddreg [dreg:$0x3]  }
0x89: {  	[dreg:$0x7] =	wrdreg s2  }
0x8a: {  	s30 =	rddreg [dreg:$0x0]  }
0x8b: {  	s21 =	simm.s32 $0x0;
	s23 =	simm.s32 $0x8000;
	s1 =	sadd.s32 s1, s2;
	[tilespmem:s0+$0xFFFFFFD0] =	vst v0  }
0x8c: {  	s24 =	simm.s32 $0x0;
	s1 =	sshll.u32 s1, $0xF;
	s31 =	rddreg [dreg:$0x4]  }
0x8d: {  	s20 =	sadd.s32 s30, s1;
	[dreg:$0x8] =	wrdreg s1;
	s22 =	sadd.s32 s1, s31  }
0x8e: {  	[tilespmem:s21], [sflag:$0x1] =	stream.linear.gather [hbm4b:s20+s21], $0x2000, $0x38;
	[tilespmem:$0x19280] =	vst v63  }
.LBB2_5:
0x8f: {  	s1 =	simm.s32 $0x1  }
0x90: {  	s0 =	sshll.u32 s24, $0xB;
	_ =	swait.ge [sflag:s1], $0x2000  }
0x91: {  	s7 =	simm.s32 $0x2000;
	s0 =	sadd.s32 s0, s20;
	[sflag:s1] =	ssyncset.done $0x0  }
0x92: {  	s8 =	sand.u32 $0x3000, s21;
	s0 =	sadd.s32 $0x400, s0;
	[sflag:s1] =	ssyncadd.s32 $0xFFFFE000  }
0x93: {  	[tilespmem:s7], [sflag:$0x2] =	stream.linear.gather [hbm4b:s0+s21], $0x2000, $0x38;
	[tilespmem:$0x19280] =	vst v63  }
0x94: {  	s9 =	sand.u32 $0x1000, s21;
	s0 =	sshrl.u32 s8, $0x2  }
0x95: {  	s2 =	sand.u32 $0x380, s21;
	s0 =	sor.u32 s0, s9  }
0x96: {  	s7 =	sor.u32 s2, s0  }
0x97: {  	v3 =	vld [tilespmem:s7+$0x0];
	_ =	sdelay $0x4  }
0x98: {  	v3 =	vtrunc.f32 v3  }
0x99: {  	v4 =	vcvt.f32.s32 v3;
	_ =	sdelay $0x1  }
0x9a: {  	s13 =	sand.u32 $0xC00, s21;
	v3 =	vadd.s32 v1, v4  }
0x9b: {  	s0 =	sor.u32 s13, s9  }
0x9c: {  	s6 =	sor.u32 s2, s0  }
0x9d: {  	s14 =	simm.s32 $0x1000;
	v5 =	vld [tilespmem:s6+$0x40]  }
0x9e: {  	s25 =	simm.s32 $0x80;
	s0 =	sand.u32 $0x3000, s14  }
0x9f: {  	s15 =	simm.s32 $0x20;
	s16 =	sand.u32 $0x1000, s25;
	s0 =	sshrl.u32 s0, $0x2;
	[tilespmem:v3+s10+$0x0] =	vst.idx.add.f32.msk $0xffff, v2  }
0xa0: {  	s1 =	sand.u32 $0x380, s15;
	s0 =	sor.u32 s0, s16;
	v3 =	vld [tilespmem:s7+$0x10]  }
0xa1: {  	s15 =	sor.u32 s1, s0  }
0xa2: {  	v6 =	vld [tilespmem:s15+$0x0];
	v5 =	vtrunc.f32 v5  }
0xa3: {  	v37 =	vcvt.f32.s32 v5;
	_ =	sdelay $0x1  }
0xa4: {  	v5 =	vadd.s32 v1, v37;
	v3 =	vtrunc.f32 v3  }
0xa5: {  	v7 =	vcvt.f32.s32 v3  }
0xa6: {  	s17 =	simm.s32 $0x400;
	v3 =	vtrunc.f32 v6  }
0xa7: {  	s0 =	sand.u32 $0xC00, s17;
	v40 =	vcvt.f32.s32 v3;
	v3 =	vadd.s32 v1, v7  }
0xa8: {  	s0 =	sor.u32 s0, s16  }
0xa9: {  	s1 =	sor.u32 s1, s0;
	[tilespmem:v5+s10+$0x0] =	vst.idx.add.f32.msk $0xffff, v2;
	v5 =	vadd.s32 v1, v40  }
0xaa: {  	v6 =	vld [tilespmem:s1+$0x40]  }
0xab: {  	s18 =	simm.s32 $0x2000;
	v8 =	vld [tilespmem:s6+$0x50]  }
0xac: {  	s26 =	simm.s32 $0x100;
	s0 =	sand.u32 $0x3000, s18;
	[tilespmem:v3+s10+$0x0] =	vst.idx.add.f32.msk $0xffff, v2  }
0xad: {  	s19 =	simm.s32 $0x40;
	s5 =	sand.u32 $0x1000, s26;
	s0 =	sshrl.u32 s0, $0x2;
	v3 =	vld [tilespmem:s7+$0x20]  }
0xae: {  	s2 =	sand.u32 $0x380, s19;
	s0 =	sor.u32 s0, s5;
	[tilespmem:v5+s10+$0x0] =	vst.idx.add.f32.msk $0xffff, v2  }
0xaf: {  	s4 =	sor.u32 s2, s0;
	v5 =	vtrunc.f32 v6;
	v6 =	vld [tilespmem:s15+$0x10]  }
0xb0: {  	v38 =	vcvt.f32.s32 v5;
	v5 =	vtrunc.f32 v8;
	v8 =	vld [tilespmem:s4+$0x0]  }
0xb1: {  	v43 =	vcvt.f32.s32 v5  }
0xb2: {  	s29 =	simm.s32 $0x800;
	v5 =	vadd.s32 v1, v38  }
0xb3: {  	s0 =	sand.u32 $0xC00, s29;
	v9 =	vadd.s32 v1, v43;
	v3 =	vtrunc.f32 v3  }
0xb4: {  	s0 =	sor.u32 s0, s5;
	v10 =	vcvt.f32.s32 v3;
	v3 =	vtrunc.f32 v6  }
0xb5: {  	s2 =	sor.u32 s2, s0;
	v8 =	vtrunc.f32 v8;
	v45 =	vcvt.f32.s32 v3  }
0xb6: {  	v3 =	vld [tilespmem:s2+$0x40];
	v41 =	vcvt.f32.s32 v8  }
0xb7: {  	[tilespmem:v5+s10+$0x0] =	vst.idx.add.f32.msk $0xffff, v2;
	v5 =	vadd.s32 v1, v45  }
0xb8: {  	[tilespmem:v9+s10+$0x0] =	vst.idx.add.f32.msk $0xffff, v2;
	v9 =	vadd.s32 v1, v41  }
0xb9: {  	v8 =	vld [tilespmem:s1+$0x50];
	_ =	sdelay $0x1  }
0xba: {  	v6 =	vadd.s32 v1, v10;
	v11 =	vld [tilespmem:s6+$0x60]  }
0xbb: {  	v3 =	vtrunc.f32 v3;
	[tilespmem:v5+s10+$0x0] =	vst.idx.add.f32.msk $0xffff, v2  }
0xbc: {  	v39 =	vcvt.f32.s32 v3;
	[tilespmem:v9+s10+$0x0] =	vst.idx.add.f32.msk $0xffff, v2  }
0xbd: {  	s30 =	simm.s32 $0x3000;
	v3 =	vtrunc.f32 v8;
	v5 =	vld [tilespmem:s15+$0x20]  }
0xbe: {  	s9 =	sand.u32 $0x3000, s30;
	s0 =	simm.s32 $0x180;
	v44 =	vcvt.f32.s32 v3;
	v3 =	vadd.s32 v1, v39;
	v8 =	vld [tilespmem:s4+$0x10]  }
0xbf: {  	s9 =	sshrl.u32 s9, $0x2;
	s5 =	simm.s32 $0x60;
	s16 =	sand.u32 $0x1000, s0;
	[tilespmem:v6+s10+$0x0] =	vst.idx.add.f32.msk $0xffff, v2;
	v6 =	vtrunc.f32 v11  }
0xc0: {  	s31 =	simm.s32 $0xC00;
	s18 =	sand.u32 $0x380, s5;
	s9 =	sor.u32 s9, s16;
	v9 =	vld [tilespmem:s7+$0x30];
	v12 =	vcvt.f32.s32 v6  }
0xc1: {  	s17 =	sor.u32 s18, s9;
	s7 =	sand.u32 $0xC00, s31;
	v11 =	vadd.s32 v1, v44  }
0xc2: {  	v13 =	vld [tilespmem:s17+$0x0];
	s7 =	sor.u32 s7, s16;
	v6 =	vadd.s32 v1, v12;
	v5 =	vtrunc.f32 v5  }
0xc3: {  	s7 =	sor.u32 s18, s7;
	[tilespmem:v3+s10+$0x0] =	vst.idx.add.f32.msk $0xffff, v2;
	v3 =	vtrunc.f32 v8;
	v14 =	vcvt.f32.s32 v5  }
0xc4: {  	v15 =	vld [tilespmem:s7+$0x40];
	v3 =	vcvt.f32.s32 v3  }
0xc5: {  	v5 =	vtrunc.f32 v9;
	v9 =	vld [tilespmem:s2+$0x50];
	v8 =	vadd.s32 v1, v14  }
0xc6: {  	[tilespmem:v11+s10+$0x0] =	vst.idx.add.f32.msk $0xffff, v2;
	v5 =	vcvt.f32.s32 v5;
	v16 =	vadd.s32 v1, v3  }
0xc7: {  	v13 =	vtrunc.f32 v13;
	v7 =	vshll.u32 v7, $0x8;
	v10 =	vshll.u32 v10, $0x10;
	[tilespmem:v6+s10+$0x0] =	vst.idx.add.f32.msk $0xffff, v2  }
0xc8: {  	v42 =	vcvt.f32.s32 v13;
	v7 =	vor.u32 v10, v7;
	v11 =	vld [tilespmem:s1+$0x60];
	v10 =	vshll.u32 v5, $0x18  }
0xc9: {  	v36 =	vmov s23;
	v17 =	vor.u32 v10, v7;
	v10 =	vld [tilespmem:s6+$0x70]  }
0xca: {  	v6 =	vadd.s32 v1, v5;
	v5 =	vshll.u32 v12, $0x10;
	v12 =	vadd.s32 v1, v42;
	[tilespmem:v8+s10+$0x0] =	vst.idx.add.f32.msk $0xffff, v2  }
0xcb: {  	s28 =	simm.s32 $0x0;
	v7 =	vshll.u32 v14, $0x10;
	v13 =	vtrunc.f32 v9;
	v8 =	vtrunc.f32 v15;
	[tilespmem:v16+s10+$0x0] =	vst.idx.add.f32.msk $0xffff, v2  }
0xcc: {  	s9 =	simm.s32 $0x200;
	s6 =	simm.s32 $0x1000;
	v4 =	vor.u32 v4, v17;
	v9 =	vld [tilespmem:s15+$0x30];
	v46 =	vcvt.f32.s32 v8;
	s15 =	simm.s32 $0x4000;
	v8 =	vcvt.f32.s32 v13  }
.LBB2_6:
0xcd: {  	s18 =	sand.u32 $0x3000, s15  }
0xce: {  	v13 =	vadd.s32 v1, v46;
	s5 =	sadd.s32 $0x20, s5;
	v14 =	vld [tilespmem:s4+$0x20];
	v15 =	vshll.u32 v43, $0x8;
	v43 =	vmov v44;
	s19 =	smov.u32 s9;
	s16 =	sadd.s32 $0x80, s9  }
0xcf: {  	s30 =	sand.u32 $0xC00, s6;
	v11 =	vtrunc.f32 v11;
	s29 =	sand.u32 $0x1000, s19;
	s18 =	sshrl.u32 s18, $0x2;
	[tilespmem:v12+s10+$0x0] =	vst.idx.add.f32.msk $0xffff, v2;
	v12 =	vshll.u32 v45, $0x8;
	v10 =	vtrunc.f32 v10;
	v45 =	vmovc v3;
	v44 =	vmovc v8  }
0xd0: {  	s31 =	sand.u32 $0x380, s5;
	v11 =	vcvt.f32.s32 v11;
	s18 =	sor.u32 s18, s29;
	s29 =	sor.u32 s30, s29;
	v3 =	vld [tilespmem:s17+$0x10];
	v8 =	vadd.s32 v1, v44;
	v10 =	vcvt.f32.s32 v10  }
0xd1: {  	p0 =	slt.u32 s9, $0x1F80;
	s9 =	sshra.s32 s28, $0x2;
	v5 =	vor.u32 v5, v15;
	v7 =	vor.u32 v7, v12;
	s18 =	sor.u32 s31, s18;
	v9 =	vtrunc.f32 v9;
	[tilespmem:v6+s10+$0x0] =	vst.idx.add.f32.msk $0xffff, v2  }
0xd2: {  	s28 =	smov.u32 s25;
	s25 =	smov.u32 s26;
	s26 =	smov.u32 s0;
	v15 =	vadd.s32 v1, v11;
	v12 =	vld [tilespmem:s18+$0x0];
	v9 =	vcvt.f32.s32 v9;
	[tilespmem:v36+s9+$0x0 ss:$0x1] =	vst.idx.msk $0xffff, v4;
	v4 =	vshll.u32 v10, $0x18  }
0xd3: {  	s0 =	smov.u32 s19;
	s29 =	sor.u32 s31, s29;
	v10 =	vadd.s32 v1, v10;
	[tilespmem:v13+s10+$0x0] =	vst.idx.add.f32.msk $0xffff, v2;
	v6 =	vtrunc.f32 v14;
	v4 =	vor.u32 v4, v5  }
0xd4: {  	v13 =	vld [tilespmem:s29+$0x40];
	v14 =	vcvt.f32.s32 v6;
	v6 =	vadd.s32 v1, v9;
	v9 =	vshll.u32 v9, $0x18  }
0xd5: {  	v5 =	vshll.u32 v11, $0x10;
	v3 =	vtrunc.f32 v3;
	[tilespmem:v8+s10+$0x0] =	vst.idx.add.f32.msk $0xffff, v2;
	v8 =	vor.u32 v37, v4;
	v37 =	vmovc v38  }
0xd6: {  	v4 =	vor.u32 v9, v7;
	v38 =	vmovc v39;
	v39 =	vmovc v46;
	v3 =	vcvt.f32.s32 v3;
	v16 =	vld [tilespmem:s7+$0x50];
	v17 =	vadd.s32 v1, v14  }
0xd7: {  	v7 =	vshll.u32 v14, $0x10;
	v4 =	vor.u32 v40, v4;
	v40 =	vmovc v41;
	v9 =	vtrunc.f32 v12;
	[tilespmem:v15+s10+$0x0] =	vst.idx.add.f32.msk $0xffff, v2  }
0xd8: {  	v41 =	vmov v42;
	v14 =	vadd.s32 v1, v3;
	v11 =	vld [tilespmem:s2+$0x60];
	v42 =	vcvt.f32.s32 v9  }
.Ltmp1:
0xd9: {  	[tilespmem:v10+s10+$0x0] =	vst.idx.add.f32.msk $0xffff, v2;
	(pc) =	sbr.rel @p0 .LBB2_6-.Ltmp1, $4  }
0xda: {  	v12 =	vadd.s32 v1, v42;
	v10 =	vld [tilespmem:s1+$0x70];
	[tilespmem:v36+s9+$0x10 ss:$0x1] =	vst.idx.msk $0xffff, v8;
	s1 =	smov.u32 s2;
	s2 =	smov.u32 s7;
	s7 =	smov.u32 s29  }
0xdb: {  	v8 =	vtrunc.f32 v13;
	[tilespmem:v17+s10+$0x0] =	vst.idx.add.f32.msk $0xffff, v2  }
0xdc: {  	v46 =	vcvt.f32.s32 v8;
	v8 =	vtrunc.f32 v16;
	v9 =	vld [tilespmem:s4+$0x30];
	s4 =	smov.u32 s17;
	s17 =	smov.u32 s18  }
0xdd: {  	s6 =	sadd.s32 $0x400, s6;
	s15 =	sadd.s32 $0x1000, s15;
	s9 =	smov.u32 s16;
	v8 =	vcvt.f32.s32 v8;
	[tilespmem:v14+s10+$0x0] =	vst.idx.add.f32.msk $0xffff, v2  }
0xde: {  	_ = 	snop  }
0xdf: {  	v13 =	vadd.s32 v1, v46;
	_ =	sdelay $0x2  }
0xe0: {  	[tilespmem:v12+s10+$0x0] =	vst.idx.add.f32.msk $0xffff, v2  }
0xe1: {  	v12 =	vld [tilespmem:s17+$0x10]  }
0xe2: {  	[tilespmem:v13+s10+$0x0] =	vst.idx.add.f32.msk $0xffff, v2  }
0xe3: {  	v13 =	vld [tilespmem:s7+$0x50];
	_ =	sdelay $0x2  }
0xe4: {  	v12 =	vtrunc.f32 v12  }
0xe5: {  	v16 =	vld [tilespmem:s4+$0x20];
	v14 =	vadd.s32 v1, v8;
	v12 =	vcvt.f32.s32 v12  }
0xe6: {  	v13 =	vtrunc.f32 v13  }
0xe7: {  	v15 =	vadd.s32 v1, v12;
	v13 =	vcvt.f32.s32 v13;
	_ =	sdelay $0x1  }
0xe8: {  	v17 =	vadd.s32 v1, v13  }
0xe9: {  	v16 =	vtrunc.f32 v16;
	[tilespmem:v14+s10+$0x0] =	vst.idx.add.f32.msk $0xffff, v2  }
0xea: {  	v16 =	vcvt.f32.s32 v16;
	v14 =	vld [tilespmem:s2+$0x60]  }
0xeb: {  	v11 =	vtrunc.f32 v11;
	[tilespmem:v15+s10+$0x0] =	vst.idx.add.f32.msk $0xffff, v2  }
0xec: {  	v11 =	vcvt.f32.s32 v11;
	v19 =	vadd.s32 v1, v16;
	v15 =	vld [tilespmem:s17+$0x20]  }
0xed: {  	[tilespmem:v17+s10+$0x0] =	vst.idx.add.f32.msk $0xffff, v2  }
0xee: {  	v10 =	vtrunc.f32 v10;
	v17 =	vadd.s32 v1, v11;
	v18 =	vld [tilespmem:s7+$0x60]  }
0xef: {  	v10 =	vcvt.f32.s32 v10;
	v14 =	vtrunc.f32 v14  }
0xf0: {  	v14 =	vcvt.f32.s32 v14  }
0xf1: {  	[tilespmem:v19+s10+$0x0] =	vst.idx.add.f32.msk $0xffff, v2;
	v19 =	vshll.u32 v10, $0x18;
	v10 =	vadd.s32 v1, v10;
	v15 =	vtrunc.f32 v15  }
0xf2: {  	[tilespmem:v6+s10+$0x0] =	vst.idx.add.f32.msk $0xffff, v2;
	v6 =	vadd.s32 v1, v14;
	v15 =	vcvt.f32.s32 v15  }
0xf3: {  	[tilespmem:v17+s10+$0x0] =	vst.idx.add.f32.msk $0xffff, v2;
	v17 =	vtrunc.f32 v18  }
0xf4: {  	v22 =	vadd.s32 v1, v15;
	v18 =	vld [tilespmem:s1+$0x70];
	v17 =	vcvt.f32.s32 v17  }
0xf5: {  	v20 =	vshll.u32 v43, $0x8;
	v9 =	vtrunc.f32 v9;
	v60 =	vld [tilespmem:s4+$0x30]  }
0xf6: {  	v21 =	vshll.u32 v45, $0x8;
	v9 =	vcvt.f32.s32 v9;
	[tilespmem:v10+s10+$0x0] =	vst.idx.add.f32.msk $0xffff, v2;
	v61 =	vadd.s32 v1, v17  }
0xf7: {  	v3 =	vshll.u32 v3, $0x8;
	v7 =	vor.u32 v7, v21;
	v5 =	vor.u32 v5, v20;
	[tilespmem:v6+s10+$0x0] =	vst.idx.add.f32.msk $0xffff, v2  }
0xf8: {  	v5 =	vor.u32 v19, v5;
	v6 =	vadd.s32 v1, v9;
	v9 =	vshll.u32 v9, $0x18;
	v19 =	vld [tilespmem:s2+$0x70]  }
0xf9: {  	v16 =	vshll.u32 v16, $0x10;
	v7 =	vor.u32 v9, v7;
	[tilespmem:v22+s10+$0x0] =	vst.idx.add.f32.msk $0xffff, v2;
	v9 =	vtrunc.f32 v18  }
0xfa: {  	v62 =	vshll.u32 v44, $0x8;
	v3 =	vor.u32 v16, v3;
	v18 =	vld [tilespmem:s17+$0x30];
	v9 =	vcvt.f32.s32 v9  }
0xfb: {  	v5 =	vor.u32 v37, v5;
	v11 =	vshll.u32 v11, $0x10;
	v20 =	vtrunc.f32 v60;
	s2 =	sshra.s32 s28, $0x2;
	[tilespmem:v61+s10+$0x0] =	vst.idx.add.f32.msk $0xffff, v2  }
0xfc: {  	v10 =	vor.u32 v11, v62;
	[tilespmem:v36+s2+$0x0 ss:$0x1] =	vst.idx.msk $0xffff, v4;
	v4 =	vcvt.f32.s32 v20;
	v16 =	vadd.s32 v1, v9;
	v63 =	vld [tilespmem:s7+$0x70]  }
0xfd: {  	v7 =	vor.u32 v40, v7;
	v11 =	vtrunc.f32 v19;
	v9 =	vshll.u32 v9, $0x18  }
0xfe: {  	[tilespmem:v36+s2+$0x10 ss:$0x1] =	vst.idx.msk $0xffff, v5;
	v5 =	vor.u32 v9, v10;
	v9 =	vadd.s32 v1, v4;
	v10 =	vcvt.f32.s32 v11  }
0xff: {  	s3 =	sshra.s32 s25, $0x2;
	[tilespmem:v6+s10+$0x0] =	vst.idx.add.f32.msk $0xffff, v2;
	v6 =	vshll.u32 v14, $0x10;
	v4 =	vshll.u32 v4, $0x18;
	v11 =	vtrunc.f32 v18  }
0x100: {  	[tilespmem:v36+s3+$0x0 ss:$0x1] =	vst.idx.msk $0xffff, v7;
	v5 =	vor.u32 v38, v5;
	v7 =	vcvt.f32.s32 v11;
	v11 =	vadd.s32 v1, v10  }
0x101: {  	v3 =	vor.u32 v4, v3;
	v4 =	vshll.u32 v15, $0x10;
	[tilespmem:v16+s10+$0x0] =	vst.idx.add.f32.msk $0xffff, v2;
	v14 =	vtrunc.f32 v63  }
0x102: {  	[tilespmem:v36+s3+$0x10 ss:$0x1] =	vst.idx.msk $0xffff, v5;
	v5 =	vshll.u32 v8, $0x8;
	v8 =	vadd.s32 v1, v7;
	v14 =	vcvt.f32.s32 v14  }
0x103: {  	s4 =	sshra.s32 s26, $0x2;
	v3 =	vor.u32 v41, v3;
	[tilespmem:v9+s10+$0x0] =	vst.idx.add.f32.msk $0xffff, v2;
	v5 =	vor.u32 v6, v5;
	v6 =	vshll.u32 v10, $0x18  }
0x104: {  	v9 =	vshll.u32 v12, $0x8;
	[tilespmem:v36+s4+$0x0 ss:$0x1] =	vst.idx.msk $0xffff, v3;
	v3 =	vor.u32 v6, v5;
	v5 =	vadd.s32 v1, v14  }
0x105: {  	v4 =	vor.u32 v4, v9;
	v6 =	vshll.u32 v7, $0x18;
	[tilespmem:v11+s10+$0x0] =	vst.idx.add.f32.msk $0xffff, v2;
	v3 =	vor.u32 v39, v3  }
0x106: {  	v7 =	vshll.u32 v17, $0x10;
	v4 =	vor.u32 v6, v4;
	[tilespmem:v36+s4+$0x10 ss:$0x1] =	vst.idx.msk $0xffff, v3;
	v3 =	vshll.u32 v13, $0x8  }
0x107: {  	s0 =	sshra.s32 s0, $0x2;
	v6 =	vshll.u32 v14, $0x18;
	v4 =	vor.u32 v42, v4;
	[tilespmem:v8+s10+$0x0] =	vst.idx.add.f32.msk $0xffff, v2;
	v3 =	vor.u32 v7, v3  }
0x108: {  	[tilespmem:v36+s0+$0x0 ss:$0x1] =	vst.idx.msk $0xffff, v4;
	v3 =	vor.u32 v6, v3  }
0x109: {  	v3 =	vor.u32 v46, v3;
	[tilespmem:v5+s10+$0x0] =	vst.idx.add.f32.msk $0xffff, v2  }
0x10a: {  	p0 =	seq.s32 s24, $0xF;
	s5 =	simm.s32 $0x0;
	[tilespmem:v36+s0+$0x10 ss:$0x1] =	vst.idx.msk $0xffff, v3  }
0x10b: {  	s6 =	sand.u32 $0x1000, s5;
	s8 =	sand.u32 $0xC00, s5;
	_ =	swait.ge [sflag:s11], $0x2000  }
0x10c: {  	s1 =	simm.s32 @!p0 $0x0;
	s0 =	sshll.u32 @!p0 s24, $0xB;
	[sflag:s11] =	ssyncset.done $0x0  }
0x10d: {  	s7 =	sor.u32 $0x2000, s6;
	s0 =	sadd.s32 @!p0 s0, s22;
	[sflag:s11] =	ssyncadd.s32 $0xFFFFE000  }
0x10e: {  	[tilespmem:s1], [sflag:$0x1] =	stream.linear.gather @!p0 [hbm4b:s0+s1], $0x2000, $0x38;
	[tilespmem:$0x19280] =	vst v63  }
0x10f: {  	s9 =	sand.u32 $0x3000, s5;
	s0 =	sand.u32 $0x380, s5;
	s1 =	sor.u32 s8, s7  }
0x110: {  	s4 =	sshrl.u32 s9, $0x2;
	s1 =	sor.u32 s0, s1  }
0x111: {  	s2 =	sor.u32 s4, s7;
	v3 =	vld [tilespmem:s1+$0x40]  }
0x112: {  	s5 =	sor.u32 s0, s2  }
0x113: {  	v4 =	vld [tilespmem:s5+$0x0];
	_ =	sdelay $0x1  }
0x114: {  	s25 =	simm.s32 $0x80;
	s13 =	simm.s32 $0x1000  }
0x115: {  	s14 =	sand.u32 $0x1000, s25;
	s0 =	sand.u32 $0x3000, s13;
	v3 =	vtrunc.f32 v3  }
0x116: {  	s15 =	simm.s32 $0x20;
	s2 =	sor.u32 $0x2000, s14;
	s0 =	sshrl.u32 s0, $0x2;
	v6 =	vcvt.f32.s32 v3  }
0x117: {  	s6 =	simm.s32 $0x400;
	s4 =	sand.u32 $0x380, s15;
	s0 =	sor.u32 s0, s2;
	v3 =	vtrunc.f32 v4  }
0x118: {  	s6 =	sand.u32 $0xC00, s6;
	s0 =	sor.u32 s4, s0;
	v40 =	vcvt.f32.s32 v3;
	v4 =	vadd.s32 v1, v6  }
0x119: {  	s2 =	sor.u32 s6, s2;
	v3 =	vld [tilespmem:s0+$0x0]  }
0x11a: {  	s17 =	sor.u32 s4, s2;
	v5 =	vadd.s32 v1, v40  }
0x11b: {  	v7 =	vld [tilespmem:s17+$0x40];
	_ =	sdelay $0x1  }
0x11c: {  	[tilespmem:v4+s10+$0x0] =	vst.idx.add.f32.msk $0xffff, v2  }
0x11d: {  	v3 =	vtrunc.f32 v3;
	v4 =	vld [tilespmem:s1+$0x50]  }
0x11e: {  	s16 =	simm.s32 $0x40;
	s26 =	simm.s32 $0x100;
	v37 =	vcvt.f32.s32 v3;
	[tilespmem:v5+s10+$0x0] =	vst.idx.add.f32.msk $0xffff, v2  }
0x11f: {  	s18 =	simm.s32 $0x800;
	s19 =	simm.s32 $0x2000;
	s3 =	sand.u32 $0x1000, s26;
	v5 =	vtrunc.f32 v7;
	v3 =	vld [tilespmem:s5+$0x10]  }
0x120: {  	s7 =	sor.u32 $0x2000, s3;
	s6 =	sand.u32 $0x3000, s19;
	s4 =	sand.u32 $0xC00, s18;
	v7 =	vadd.s32 v1, v37;
	v41 =	vcvt.f32.s32 v5  }
0x121: {  	s6 =	sshrl.u32 s6, $0x2;
	s2 =	sand.u32 $0x380, s16;
	s4 =	sor.u32 s4, s7  }
0x122: {  	s6 =	sor.u32 s6, s7;
	s31 =	sor.u32 s2, s4;
	v5 =	vadd.s32 v1, v41;
	v4 =	vtrunc.f32 v4  }
0x123: {  	s30 =	sor.u32 s2, s6;
	v8 =	vld [tilespmem:s31+$0x40];
	v4 =	vcvt.f32.s32 v4  }
0x124: {  	v9 =	vld [tilespmem:s30+$0x0];
	v3 =	vtrunc.f32 v3  }
0x125: {  	[tilespmem:v7+s10+$0x0] =	vst.idx.add.f32.msk $0xffff, v2;
	v3 =	vcvt.f32.s32 v3;
	v10 =	vadd.s32 v1, v4  }
0x126: {  	v7 =	vld [tilespmem:s0+$0x10]  }
0x127: {  	[tilespmem:v5+s10+$0x0] =	vst.idx.add.f32.msk $0xffff, v2;
	v11 =	vadd.s32 v1, v3  }
0x128: {  	v5 =	vtrunc.f32 v8;
	v8 =	vld [tilespmem:s17+$0x50]  }
0x129: {  	s28 =	simm.s32 $0x180;
	s9 =	simm.s32 $0x60;
	s8 =	simm.s32 $0x3000;
	v39 =	vcvt.f32.s32 v5  }
0x12a: {  	s13 =	sand.u32 $0x1000, s28;
	s14 =	simm.s32 $0xC00;
	s2 =	sand.u32 $0x3000, s8;
	v5 =	vtrunc.f32 v9;
	[tilespmem:v10+s10+$0x0] =	vst.idx.add.f32.msk $0xffff, v2  }
0x12b: {  	s7 =	sand.u32 $0xC00, s14;
	s6 =	sor.u32 $0x2000, s13;
	s2 =	sshrl.u32 s2, $0x2;
	v38 =	vcvt.f32.s32 v5;
	v7 =	vtrunc.f32 v7;
	v10 =	vadd.s32 v1, v39;
	v9 =	vld [tilespmem:s1+$0x60]  }
0x12c: {  	s9 =	sand.u32 $0x380, s9;
	s2 =	sor.u32 s2, s6;
	s6 =	sor.u32 s7, s6;
	v5 =	vcvt.f32.s32 v7;
	[tilespmem:v11+s10+$0x0] =	vst.idx.add.f32.msk $0xffff, v2  }
0x12d: {  	s7 =	sor.u32 s9, s6;
	v11 =	vadd.s32 v1, v38;
	v8 =	vtrunc.f32 v8;
	v7 =	vld [tilespmem:s5+$0x20]  }
0x12e: {  	s4 =	sor.u32 s9, s2;
	v13 =	vadd.s32 v1, v5;
	v45 =	vcvt.f32.s32 v8;
	v8 =	vld [tilespmem:s7+$0x40]  }
0x12f: {  	v12 =	vld [tilespmem:s4+$0x0]  }
0x130: {  	[tilespmem:v10+s10+$0x0] =	vst.idx.add.f32.msk $0xffff, v2;
	v9 =	vtrunc.f32 v9  }
0x131: {  	v14 =	vadd.s32 v1, v45;
	v10 =	vld [tilespmem:s31+$0x50];
	v9 =	vcvt.f32.s32 v9  }
0x132: {  	[tilespmem:v11+s10+$0x0] =	vst.idx.add.f32.msk $0xffff, v2;
	v7 =	vtrunc.f32 v7  }
0x133: {  	[tilespmem:v13+s10+$0x0] =	vst.idx.add.f32.msk $0xffff, v2;
	v8 =	vtrunc.f32 v8;
	v7 =	vcvt.f32.s32 v7;
	v11 =	vadd.s32 v1, v9  }
0x134: {  	v13 =	vld [tilespmem:s30+$0x10];
	v42 =	vcvt.f32.s32 v8  }
0x135: {  	v16 =	vld [tilespmem:s0+$0x20];
	v15 =	vadd.s32 v1, v7  }
0x136: {  	[tilespmem:v14+s10+$0x0] =	vst.idx.add.f32.msk $0xffff, v2;
	v17 =	vadd.s32 v1, v42  }
0x137: {  	v14 =	vld [tilespmem:s17+$0x60]  }
0x138: {  	s29 =	simm.s32 $0x200;
	s15 =	simm.s32 $0x4000;
	v8 =	vtrunc.f32 v12;
	[tilespmem:v11+s10+$0x0] =	vst.idx.add.f32.msk $0xffff, v2  }
0x139: {  	s16 =	sand.u32 $0x1000, s29;
	s2 =	sand.u32 $0x3000, s15;
	v49 =	vshll.u32 v3, $0x8;
	v43 =	vcvt.f32.s32 v8;
	v3 =	vtrunc.f32 v10;
	v12 =	vld [tilespmem:s1+$0x70]  }
0x13a: {  	s18 =	simm.s32 $0x80;
	s6 =	sor.u32 $0x2000, s16;
	s2 =	sshrl.u32 s2, $0x2;
	v46 =	vcvt.f32.s32 v3;
	v11 =	vtrunc.f32 v13;
	[tilespmem:v15+s10+$0x0] =	vst.idx.add.f32.msk $0xffff, v2  }
0x13b: {  	s9 =	sand.u32 $0x380, s18;
	s15 =	simm.s32 $0x1000;
	s2 =	sor.u32 s2, s6;
	v13 =	vadd.s32 v1, v43;
	v11 =	vcvt.f32.s32 v11;
	[tilespmem:v17+s10+$0x0] =	vst.idx.add.f32.msk $0xffff, v2  }
0x13c: {  	s19 =	sand.u32 $0xC00, s15;
	v47 =	vshll.u32 v5, $0x8;
	v9 =	vshll.u32 v9, $0x10;
	v19 =	vadd.s32 v1, v46;
	s1 =	sor.u32 s9, s2;
	v17 =	vld [tilespmem:s5+$0x30]  }
0x13d: {  	v3 =	vtrunc.f32 v16;
	s2 =	sor.u32 s19, s6;
	v5 =	vtrunc.f32 v14;
	v8 =	vld [tilespmem:s1+$0x0];
	v14 =	vadd.s32 v1, v11  }
0x13e: {  	s2 =	sor.u32 s9, s2;
	v15 =	vcvt.f32.s32 v5;
	v5 =	vshll.u32 v7, $0x10;
	v18 =	vld [tilespmem:s7+$0x50];
	v48 =	vshll.u32 v11, $0x8  }
0x13f: {  	v16 =	vld [tilespmem:s2+$0x40];
	v11 =	vshll.u32 v4, $0x8;
	v7 =	vtrunc.f32 v12;
	v12 =	vcvt.f32.s32 v3  }
0x140: {  	v9 =	vor.u32 v9, v11;
	[tilespmem:v13+s10+$0x0] =	vst.idx.add.f32.msk $0xffff, v2;
	v7 =	vcvt.f32.s32 v7  }
0x141: {  	[tilespmem:v19+s10+$0x0] =	vst.idx.add.f32.msk $0xffff, v2;
	v3 =	vshll.u32 v15, $0x10;
	v11 =	vtrunc.f32 v17;
	v10 =	vadd.s32 v1, v12  }
0x142: {  	v4 =	vshll.u32 v12, $0x10;
	[tilespmem:v14+s10+$0x0] =	vst.idx.add.f32.msk $0xffff, v2;
	v13 =	vadd.s32 v1, v7;
	v7 =	vshll.u32 v7, $0x18  }
0x143: {  	v12 =	vld [tilespmem:s4+$0x10];
	v14 =	vadd.s32 v1, v15;
	v15 =	vcvt.f32.s32 v11;
	v7 =	vor.u32 v7, v9  }
0x144: {  	s16 =	simm.s32 $0x5000;
	s15 =	simm.s32 $0x1400;
	v17 =	vtrunc.f32 v18;
	v9 =	vld [tilespmem:s30+$0x20];
	v7 =	vor.u32 v6, v7;
	v6 =	vtrunc.f32 v16  }
0x145: {  	s19 =	simm.s32 $0x280;
	s6 =	simm.s32 $0xA0;
	s5 =	simm.s32 $0x0;
	v11 =	vadd.s32 v1, v15;
	v15 =	vshll.u32 v15, $0x18;
	v16 =	vld [tilespmem:s31+$0x60];
	v44 =	vcvt.f32.s32 v6  }
.LBB2_8:
0x146: {  	s13 =	sand.u32 $0x1000, s19;
	s14 =	sand.u32 $0x3000, s16;
	s18 =	smov.u32 s28  }
0x147: {  	v6 =	vcvt.f32.s32 v17;
	[tilespmem:v13+s10+$0x0] =	vst.idx.add.f32.msk $0xffff, v2;
	s28 =	smov.u32 s29;
	s29 =	smov.u32 s19;
	s9 =	sadd.s32 $0x80, s19  }
0x148: {  	s3 =	sand.u32 $0xC00, s15;
	v5 =	vor.u32 v5, v49;
	v49 =	vmov v47;
	s13 =	sor.u32 $0x2000, s13;
	s14 =	sshrl.u32 s14, $0x2;
	v13 =	vadd.s32 v1, v44;
	[tilespmem:v14+s10+$0x0] =	vst.idx.add.f32.msk $0xffff, v2  }
0x149: {  	s8 =	sand.u32 $0x380, s6;
	v8 =	vtrunc.f32 v8;
	v47 =	vmovc v48;
	v12 =	vtrunc.f32 v12;
	v17 =	vor.u32 v15, v5;
	s14 =	sor.u32 s14, s13;
	s3 =	sor.u32 s3, s13;
	v14 =	vld [tilespmem:s17+$0x70];
	[tilespmem:v36+s5+$0x810 ss:$0x1] =	vst.idx.msk $0xffff, v7  }
0x14a: {  	p0 =	slt.u32 s19, $0x1F80;
	v7 =	vcvt.f32.s32 v8;
	v12 =	vcvt.f32.s32 v12;
	s13 =	sor.u32 s8, s14;
	s3 =	sor.u32 s8, s3;
	[tilespmem:v10+s10+$0x0] =	vst.idx.add.f32.msk $0xffff, v2;
	v10 =	vor.u32 v40, v17;
	v40 =	vmovc v37  }
0x14b: {  	s17 =	smov.u32 s31;
	s31 =	smov.u32 s7;
	s7 =	smov.u32 s2;
	v37 =	vmovc v38;
	v38 =	vmov v43;
	v5 =	vmov v4;
	v15 =	vtrunc.f32 v16;
	[tilespmem:v11+s10+$0x0] =	vst.idx.add.f32.msk $0xffff, v2  }
0x14c: {  	v11 =	vadd.s32 v1, v7;
	v16 =	vadd.s32 v1, v12;
	s2 =	smov.u32 s3;
	v8 =	vld [tilespmem:s13+$0x0];
	v15 =	vcvt.f32.s32 v15;
	[tilespmem:v36+s5+$0x800 ss:$0x1] =	vst.idx.msk $0xffff, v10  }
0x14d: {  	v4 =	vtrunc.f32 v9;
	v48 =	vshll.u32 v12, $0x8;
	v43 =	vmov v7;
	[tilespmem:v13+s10+$0x0] =	vst.idx.add.f32.msk $0xffff, v2  }
0x14e: {  	v4 =	vcvt.f32.s32 v4;
	v7 =	vshll.u32 v15, $0x10;
	v9 =	vld [tilespmem:s0+$0x30];
	v10 =	vtrunc.f32 v14;
	s0 =	smov.u32 s30;
	s30 =	smov.u32 s4;
	s4 =	smov.u32 s1  }
0x14f: {  	v12 =	vshll.u32 v45, $0x8;
	v45 =	vmovc v46;
	v46 =	vmov v6;
	s1 =	smov.u32 s13;
	v17 =	vld [tilespmem:s2+$0x40];
	v14 =	vcvt.f32.s32 v10  }
0x150: {  	v18 =	vadd.s32 v1, v46;
	v10 =	vadd.s32 v1, v4;
	v4 =	vshll.u32 v4, $0x10;
	v6 =	vld [tilespmem:s7+$0x50]  }
0x151: {  	v12 =	vor.u32 v3, v12;
	[tilespmem:v11+s10+$0x0] =	vst.idx.add.f32.msk $0xffff, v2;
	v13 =	vadd.s32 v1, v14;
	v11 =	vshll.u32 v14, $0x18  }
.Ltmp2:
0x152: {  	v3 =	vmov v7;
	[tilespmem:v16+s10+$0x0] =	vst.idx.add.f32.msk $0xffff, v2;
	v11 =	vor.u32 v11, v12;
	(pc) =	sbr.rel @p0 .LBB2_8-.Ltmp2, $4  }
0x153: {  	v14 =	vadd.s32 v1, v15;
	v12 =	vld [tilespmem:s4+$0x10];
	v15 =	vtrunc.f32 v9;
	v7 =	vor.u32 v41, v11;
	v41 =	vmovc v39;
	v39 =	vmovc v42  }
0x154: {  	s6 =	sadd.s32 $0x20, s6;
	v42 =	vmov v44;
	v9 =	vld [tilespmem:s30+$0x20];
	v15 =	vcvt.f32.s32 v15  }
0x155: {  	s5 =	sshra.s32 s25, $0x2;
	s25 =	smov.u32 s26;
	s26 =	smov.u32 s18;
	v11 =	vtrunc.f32 v17;
	v17 =	vtrunc.f32 v6;
	[tilespmem:v18+s10+$0x0] =	vst.idx.add.f32.msk $0xffff, v2  }
0x156: {  	s15 =	sadd.s32 $0x400, s15;
	s16 =	sadd.s32 $0x1000, s16;
	s19 =	smov.u32 s9;
	v44 =	vcvt.f32.s32 v11;
	v16 =	vld [tilespmem:s31+$0x60];
	v11 =	vadd.s32 v1, v15;
	v15 =	vshll.u32 v15, $0x18  }
0x157: {  	v6 =	vtrunc.f32 v8  }
0x158: {  	v51 =	vadd.s32 v1, v44;
	v6 =	vcvt.f32.s32 v6;
	_ =	sdelay $0x1  }
0x159: {  	v18 =	vadd.s32 v1, v6;
	_ =	sdelay $0x2  }
0x15a: {  	[tilespmem:v51+s10+$0x0] =	vst.idx.add.f32.msk $0xffff, v2  }
0x15b: {  	v8 =	vld [tilespmem:s2+$0x50]  }
0x15c: {  	[tilespmem:v18+s10+$0x0] =	vst.idx.add.f32.msk $0xffff, v2  }
0x15d: {  	v17 =	vcvt.f32.s32 v17;
	v18 =	vld [tilespmem:s1+$0x10]  }
0x15e: {  	v12 =	vtrunc.f32 v12  }
0x15f: {  	[tilespmem:v13+s10+$0x0] =	vst.idx.add.f32.msk $0xffff, v2;
	v12 =	vcvt.f32.s32 v12;
	v52 =	vadd.s32 v1, v17  }
0x160: {  	[tilespmem:v14+s10+$0x0] =	vst.idx.add.f32.msk $0xffff, v2;
	v8 =	vtrunc.f32 v8  }
0x161: {  	[tilespmem:v10+s10+$0x0] =	vst.idx.add.f32.msk $0xffff, v2;
	v19 =	vadd.s32 v1, v12;
	v8 =	vcvt.f32.s32 v8  }
0x162: {  	[tilespmem:v11+s10+$0x0] =	vst.idx.add.f32.msk $0xffff, v2;
	v53 =	vtrunc.f32 v18  }
0x163: {  	v14 =	vld [tilespmem:s17+$0x70];
	v10 =	vcvt.f32.s32 v53;
	v20 =	vadd.s32 v1, v8  }
0x164: {  	[tilespmem:v52+s10+$0x0] =	vst.idx.add.f32.msk $0xffff, v2  }
0x165: {  	v9 =	vtrunc.f32 v9;
	v56 =	vld [tilespmem:s7+$0x60];
	v21 =	vadd.s32 v1, v10  }
0x166: {  	v9 =	vcvt.f32.s32 v9;
	v55 =	vtrunc.f32 v16;
	[tilespmem:v19+s10+$0x0] =	vst.idx.add.f32.msk $0xffff, v2  }
0x167: {  	v13 =	vcvt.f32.s32 v55;
	v19 =	vld [tilespmem:s4+$0x20]  }
0x168: {  	v57 =	vadd.s32 v1, v9;
	[tilespmem:v20+s10+$0x0] =	vst.idx.add.f32.msk $0xffff, v2  }
0x169: {  	v14 =	vtrunc.f32 v14;
	v22 =	vadd.s32 v1, v13;
	v20 =	vld [tilespmem:s2+$0x60]  }
0x16a: {  	v14 =	vcvt.f32.s32 v14;
	v16 =	vtrunc.f32 v56;
	[tilespmem:v21+s10+$0x0] =	vst.idx.add.f32.msk $0xffff, v2  }
0x16b: {  	v5 =	vor.u32 v5, v49;
	v59 =	vshll.u32 v45, $0x8;
	v16 =	vcvt.f32.s32 v16;
	v21 =	vld [tilespmem:s1+$0x20]  }
0x16c: {  	v4 =	vor.u32 v4, v47;
	v54 =	vld [tilespmem:s0+$0x30];
	v23 =	vadd.s32 v1, v14;
	v58 =	vtrunc.f32 v19  }
0x16d: {  	v34 =	vshll.u32 v46, $0x8;
	[tilespmem:v57+s10+$0x0] =	vst.idx.add.f32.msk $0xffff, v2;
	v11 =	vcvt.f32.s32 v58;
	v60 =	vadd.s32 v1, v16  }
0x16e: {  	v5 =	vor.u32 v15, v5;
	v3 =	vor.u32 v3, v59;
	[tilespmem:v22+s10+$0x0] =	vst.idx.add.f32.msk $0xffff, v2;
	v20 =	vtrunc.f32 v20  }
0x16f: {  	v5 =	vor.u32 v40, v5;
	v61 =	vld [tilespmem:s31+$0x70];
	v62 =	vadd.s32 v1, v11;
	v20 =	vcvt.f32.s32 v20  }
0x170: {  	v12 =	vshll.u32 v12, $0x8;
	v9 =	vshll.u32 v9, $0x10;
	v28 =	vld [tilespmem:s30+$0x30];
	v27 =	vtrunc.f32 v21  }
0x171: {  	v9 =	vor.u32 v9, v48;
	[tilespmem:v23+s10+$0x0] =	vst.idx.add.f32.msk $0xffff, v2;
	v15 =	vcvt.f32.s32 v27;
	v29 =	vadd.s32 v1, v20  }
0x172: {  	v13 =	vshll.u32 v13, $0x10;
	v14 =	vshll.u32 v14, $0x18;
	v18 =	vtrunc.f32 v54;
	[tilespmem:v60+s10+$0x0] =	vst.idx.add.f32.msk $0xffff, v2  }
0x173: {  	v3 =	vor.u32 v14, v3;
	v63 =	vcvt.f32.s32 v18;
	v22 =	vld [tilespmem:s7+$0x70];
	v30 =	vadd.s32 v1, v15  }
0x174: {  	v13 =	vor.u32 v13, v34;
	v3 =	vor.u32 v41, v3;
	v19 =	vtrunc.f32 v61;
	[tilespmem:v62+s10+$0x0] =	vst.idx.add.f32.msk $0xffff, v2  }
0x175: {  	[tilespmem:v36+s5+$0x810 ss:$0x1] =	vst.idx.msk $0xffff, v7;
	v18 =	vtrunc.f32 v28;
	v31 =	vadd.s32 v1, v63;
	v19 =	vcvt.f32.s32 v19;
	v33 =	vld [tilespmem:s4+$0x30]  }
0x176: {  	v32 =	vshll.u32 v16, $0x10;
	v24 =	vshll.u32 v63, $0x18;
	v18 =	vcvt.f32.s32 v18;
	[tilespmem:v29+s10+$0x0] =	vst.idx.add.f32.msk $0xffff, v2  }
0x177: {  	[tilespmem:v36+s5+$0x800 ss:$0x1] =	vst.idx.msk $0xffff, v5;
	v4 =	vor.u32 v24, v4;
	v11 =	vshll.u32 v11, $0x10;
	v35 =	vadd.s32 v1, v19;
	v40 =	vld [tilespmem:s2+$0x70]  }
0x178: {  	s25 =	sshra.s32 s25, $0x2;
	v4 =	vor.u32 v37, v4;
	v37 =	vshll.u32 v19, $0x18;
	v41 =	vtrunc.f32 v22;
	[tilespmem:v30+s10+$0x0] =	vst.idx.add.f32.msk $0xffff, v2  }
0x179: {  	[tilespmem:v36+s25+$0x810 ss:$0x1] =	vst.idx.msk $0xffff, v3;
	v45 =	vadd.s32 v1, v18;
	v5 =	vor.u32 v37, v13;
	v13 =	vcvt.f32.s32 v41;
	v46 =	vld [tilespmem:s1+$0x30]  }
0x17a: {  	v47 =	vshll.u32 v18, $0x18;
	v59 =	vor.u32 v11, v12;
	[tilespmem:v31+s10+$0x0] =	vst.idx.add.f32.msk $0xffff, v2;
	v16 =	vtrunc.f32 v33  }
0x17b: {  	v49 =	vor.u32 v47, v9;
	[tilespmem:v36+s25+$0x800 ss:$0x1] =	vst.idx.msk $0xffff, v4;
	v50 =	vadd.s32 v1, v13;
	v51 =	vcvt.f32.s32 v16  }
0x17c: {  	s26 =	sshra.s32 s26, $0x2;
	v3 =	vor.u32 v39, v5;
	v4 =	vor.u32 v38, v49;
	[tilespmem:v35+s10+$0x0] =	vst.idx.add.f32.msk $0xffff, v2;
	v53 =	vtrunc.f32 v40  }
0x17d: {  	[tilespmem:v36+s26+$0x810 ss:$0x1] =	vst.idx.msk $0xffff, v3;
	v3 =	vshll.u32 v17, $0x8;
	v54 =	vadd.s32 v1, v51;
	v18 =	vcvt.f32.s32 v53  }
0x17e: {  	[tilespmem:v45+s10+$0x0] =	vst.idx.add.f32.msk $0xffff, v2;
	v3 =	vor.u32 v32, v3;
	v55 =	vshll.u32 v13, $0x18;
	v56 =	vtrunc.f32 v46  }
0x17f: {  	[tilespmem:v36+s26+$0x800 ss:$0x1] =	vst.idx.msk $0xffff, v4;
	v3 =	vor.u32 v55, v3;
	v57 =	vadd.s32 v1, v18;
	v58 =	vcvt.f32.s32 v56  }
0x180: {  	s30 =	sshra.s32 s28, $0x2;
	v52 =	vshll.u32 v20, $0x10;
	v3 =	vor.u32 v42, v3;
	v9 =	vshll.u32 v51, $0x18;
	[tilespmem:v50+s10+$0x0] =	vst.idx.add.f32.msk $0xffff, v2  }
0x181: {  	s24 =	sadd.s32 $0x1, s24;
	v7 =	vor.u32 v9, v59;
	[tilespmem:v36+s30+$0x810 ss:$0x1] =	vst.idx.msk $0xffff, v3;
	v3 =	vshll.u32 v8, $0x8;
	v60 =	vadd.s32 v1, v58  }
0x182: {  	p0 =	sne.s32 s24, $0x10;
	v7 =	vor.u32 v43, v7;
	[tilespmem:v54+s10+$0x0] =	vst.idx.add.f32.msk $0xffff, v2;
	v3 =	vor.u32 v52, v3;
	v61 =	vshll.u32 v18, $0x18  }
.Ltmp3:
0x183: {  	v10 =	vshll.u32 v10, $0x8;
	v62 =	vshll.u32 v15, $0x10;
	[tilespmem:v36+s30+$0x800 ss:$0x1] =	vst.idx.msk $0xffff, v7;
	v3 =	vor.u32 v61, v3;
	(pc) =	sbr.rel @p0 .LBB2_5-.Ltmp3, $4  }
0x184: {  	s31 =	sshra.s32 s29, $0x2;
	v63 =	vor.u32 v62, v10;
	v3 =	vor.u32 v44, v3;
	v5 =	vshll.u32 v58, $0x18;
	[tilespmem:v57+s10+$0x0] =	vst.idx.add.f32.msk $0xffff, v2  }
0x185: {  	v4 =	vor.u32 v5, v63;
	[tilespmem:v36+s31+$0x810 ss:$0x1] =	vst.idx.msk $0xffff, v3  }
0x186: {  	v3 =	vor.u32 v6, v4;
	[tilespmem:v60+s10+$0x0] =	vst.idx.add.f32.msk $0xffff, v2  }
0x187: {  	s23 =	sadd.s32 $0x1000, s23;
	[tilespmem:v36+s31+$0x800 ss:$0x1] =	vst.idx.msk $0xffff, v3  }
0x188: {  	v3 =	vld [tilespmem:$0x18A10];
	_ =	sdelay $0x4  }
0x189: {  	[tilespmem:$0x1F9B0] =	vst v3;
	v3 =	vld [tilespmem:$0x18B10];
	_ =	sdelay $0x1  }
0x18a: {  	v10 =	vld [tilespmem:$0x18000]  }
0x18b: {  	v26 =	vld [tilespmem:$0x18100]  }
0x18c: {  	v33 =	vld [tilespmem:$0x18200]  }
0x18d: {  	[tilespmem:$0x1F9C0] =	vst v3;
	v3 =	vld [tilespmem:$0x18C10]  }
0x18e: {  	v36 =	vld [tilespmem:$0x18300]  }
0x18f: {  	v43 =	vld [tilespmem:$0x18400]  }
0x190: {  	v49 =	vld [tilespmem:$0x18500]  }
0x191: {  	v58 =	vld [tilespmem:$0x18600]  }
0x192: {  	[tilespmem:$0x1F9D0] =	vst v3;
	v3 =	vld [tilespmem:$0x18D10]  }
0x193: {  	v60 =	vld [tilespmem:$0x18700]  }
0x194: {  	v63 =	vld [tilespmem:$0x18800]  }
0x195: {  	v22 =	vld [tilespmem:$0x18900]  }
0x196: {  	v27 =	vld [tilespmem:$0x18A00]  }
0x197: {  	[tilespmem:$0x1F9E0] =	vst v3;
	v3 =	vld [tilespmem:$0x18E10]  }
0x198: {  	v31 =	vld [tilespmem:$0x18B00]  }
0x199: {  	v35 =	vld [tilespmem:$0x18C00]  }
0x19a: {  	v41 =	vld [tilespmem:$0x18D00]  }
0x19b: {  	v46 =	vld [tilespmem:$0x18E00]  }
0x19c: {  	[tilespmem:$0x1FA00] =	vst v3;
	v3 =	vld [tilespmem:$0x18F10]  }
0x19d: {  	v52 =	vld [tilespmem:$0x18F00]  }
0x19e: {  	v16 =	vld [tilespmem:$0x18010]  }
0x19f: {  	v15 =	vld [tilespmem:$0x18110]  }
0x1a0: {  	v19 =	vld [tilespmem:$0x18210]  }
0x1a1: {  	[tilespmem:$0x1FA20] =	vst v3;
	v3 =	vld [tilespmem:$0x18B20]  }
0x1a2: {  	v21 =	vld [tilespmem:$0x18310]  }
0x1a3: {  	v28 =	vld [tilespmem:$0x18410]  }
0x1a4: {  	v34 =	vld [tilespmem:$0x18510]  }
0x1a5: {  	v40 =	vld [tilespmem:$0x18610]  }
0x1a6: {  	[tilespmem:$0x1F9F0] =	vst v3;
	v3 =	vld [tilespmem:$0x18C20]  }
0x1a7: {  	v45 =	vld [tilespmem:$0x18710]  }
0x1a8: {  	v53 =	vld [tilespmem:$0x18810]  }
0x1a9: {  	v56 =	vld [tilespmem:$0x18910]  }
0x1aa: {  	v9 =	vld [tilespmem:$0x18020]  }
0x1ab: {  	[tilespmem:$0x1FA10] =	vst v3;
	v3 =	vld [tilespmem:$0x18D20]  }
0x1ac: {  	v8 =	vld [tilespmem:$0x18120]  }
0x1ad: {  	v13 =	vld [tilespmem:$0x18220]  }
0x1ae: {  	v17 =	vld [tilespmem:$0x18320]  }
0x1af: {  	v23 =	vld [tilespmem:$0x18420]  }
0x1b0: {  	[tilespmem:$0x1FA30] =	vst v3;
	v3 =	vld [tilespmem:$0x18E20]  }
0x1b1: {  	v29 =	vld [tilespmem:$0x18520]  }
0x1b2: {  	v37 =	vld [tilespmem:$0x18620]  }
0x1b3: {  	v42 =	vld [tilespmem:$0x18720]  }
0x1b4: {  	v48 =	vld [tilespmem:$0x18820]  }
0x1b5: {  	[tilespmem:$0x1FA50] =	vst v3;
	v3 =	vld [tilespmem:$0x18F20]  }
0x1b6: {  	v54 =	vld [tilespmem:$0x18920]  }
0x1b7: {  	v59 =	vld [tilespmem:$0x18A20]  }
0x1b8: {  	v6 =	vld [tilespmem:$0x18030]  }
0x1b9: {  	v5 =	vld [tilespmem:$0x18130]  }
0x1ba: {  	[tilespmem:$0x1FA70] =	vst v3;
	v3 =	vld [tilespmem:$0x18B30]  }
0x1bb: {  	v11 =	vld [tilespmem:$0x18230]  }
0x1bc: {  	v14 =	vld [tilespmem:$0x18330]  }
0x1bd: {  	v20 =	vld [tilespmem:$0x18430]  }
0x1be: {  	v25 =	vld [tilespmem:$0x18530]  }
0x1bf: {  	[tilespmem:$0x1FA40] =	vst v3;
	v3 =	vld [tilespmem:$0x18C30]  }
0x1c0: {  	v32 =	vld [tilespmem:$0x18630];
	v10 =	vadd.f32 v26, v10  }
0x1c1: {  	v39 =	vld [tilespmem:$0x18730]  }
0x1c2: {  	v47 =	vld [tilespmem:$0x18830];
	v10 =	vadd.f32 v33, v10  }
0x1c3: {  	v51 =	vld [tilespmem:$0x18930]  }
0x1c4: {  	v57 =	vld [tilespmem:$0x18A30];
	v10 =	vadd.f32 v36, v10;
	[tilespmem:$0x1FA60] =	vst v3  }
0x1c5: {  	v3 =	vld [tilespmem:$0x18D30]  }
0x1c6: {  	v10 =	vadd.f32 v43, v10;
	_ =	sdelay $0x1  }
0x1c7: {  	v10 =	vadd.f32 v49, v10;
	_ =	sdelay $0x1  }
0x1c8: {  	v10 =	vadd.f32 v58, v10;
	[tilespmem:$0x1FA80] =	vst v3;
	v3 =	vld [tilespmem:$0x18E30];
	_ =	sdelay $0x1  }
0x1c9: {  	v10 =	vadd.f32 v60, v10;
	_ =	sdelay $0x1  }
0x1ca: {  	v10 =	vadd.f32 v63, v10;
	v63 =	vld [tilespmem:$0x18670]  }
0x1cb: {  	[tilespmem:$0x1FA90] =	vst v3;
	v3 =	vld [tilespmem:$0x18F30]  }
0x1cc: {  	v15 =	vadd.f32 v15, v16  }
0x1cd: {  	v4 =	vld [tilespmem:$0x18040]  }
0x1ce: {  	v15 =	vadd.f32 v19, v15;
	v10 =	vadd.f32 v22, v10;
	v22 =	vld [tilespmem:$0x18A70]  }
0x1cf: {  	[tilespmem:$0x1FC30] =	vst v63;
	v63 =	vld [tilespmem:$0x18770]  }
0x1d0: {  	v8 =	vadd.f32 v8, v9;
	v15 =	vadd.f32 v21, v15;
	[tilespmem:$0x1FAB0] =	vst v3;
	v3 =	vld [tilespmem:$0x18140]  }
0x1d1: {  	v10 =	vadd.f32 v27, v10;
	v27 =	vld [tilespmem:$0x18B70]  }
0x1d2: {  	v8 =	vadd.f32 v13, v8;
	v15 =	vadd.f32 v28, v15;
	v7 =	vld [tilespmem:$0x18240]  }
0x1d3: {  	v12 =	vld [tilespmem:$0x18340];
	[tilespmem:$0x1FCE0] =	vst v22  }
0x1d4: {  	v8 =	vadd.f32 v17, v8;
	v22 =	vadd.f32 v34, v15;
	[tilespmem:$0x1FC60] =	vst v63;
	v63 =	vld [tilespmem:$0x18970]  }
0x1d5: {  	v10 =	vadd.f32 v31, v10;
	v18 =	vld [tilespmem:$0x18440];
	v3 =	vadd.f32 v3, v4  }
0x1d6: {  	v31 =	vld [tilespmem:$0x18C70];
	[tilespmem:$0x1FD10] =	vst v27;
	v27 =	vadd.f32 v23, v8;
	v13 =	vadd.f32 v40, v22  }
0x1d7: {  	v24 =	vld [tilespmem:$0x18540];
	v3 =	vadd.f32 v7, v3  }
0x1d8: {  	v62 =	vld [tilespmem:$0x18C40];
	v15 =	vadd.f32 v29, v27;
	v28 =	vadd.f32 v45, v13  }
0x1d9: {  	[tilespmem:$0x1FCB0] =	vst v63;
	v63 =	vadd.f32 v35, v10;
	v35 =	vld [tilespmem:$0x1F9B0];
	v3 =	vadd.f32 v12, v3  }
0x1da: {  	v30 =	vld [tilespmem:$0x18640];
	v29 =	vadd.f32 v53, v28  }
0x1db: {  	[tilespmem:$0x1FD30] =	vst v31;
	v31 =	vadd.f32 v37, v15;
	v37 =	vld [tilespmem:$0x1F9C0];
	v3 =	vadd.f32 v18, v3  }
0x1dc: {  	v4 =	vadd.f32 v56, v29  }
0x1dd: {  	v40 =	vld [tilespmem:$0x1F9D0];
	v34 =	vadd.f32 v42, v31;
	v3 =	vadd.f32 v24, v3  }
0x1de: {  	[tilespmem:$0x1FAA0] =	vst v62;
	v62 =	vld [tilespmem:$0x18D40];
	v4 =	vadd.f32 v35, v4  }
0x1df: {  	v7 =	vadd.f32 v48, v34;
	v48 =	vadd.f32 v30, v3;
	v3 =	vld [tilespmem:$0x1F9E0]  }
0x1e0: {  	v4 =	vadd.f32 v37, v4;
	_ =	sdelay $0x1  }
0x1e1: {  	v4 =	vadd.f32 v40, v4  }
0x1e2: {  	[tilespmem:$0x1FAC0] =	vst v62;
	v62 =	vld [tilespmem:$0x18E40]  }
0x1e3: {  	v53 =	vadd.f32 v3, v4;
	v3 =	vld [tilespmem:$0x1F9F0]  }
0x1e4: {  	v7 =	vadd.f32 v54, v7;
	_ =	sdelay $0x1  }
0x1e5: {  	v7 =	vadd.f32 v59, v7  }
0x1e6: {  	[tilespmem:$0x1FAD0] =	vst v62;
	v62 =	vld [tilespmem:$0x18F40]  }
0x1e7: {  	v7 =	vadd.f32 v3, v7;
	v3 =	vld [tilespmem:$0x1FA00];
	_ =	sdelay $0x3  }
0x1e8: {  	[tilespmem:$0x1FAE0] =	vst v62;
	v62 =	vld [tilespmem:$0x18050]  }
0x1e9: {  	v5 =	vadd.f32 v5, v6;
	v15 =	vadd.f32 v3, v53;
	v3 =	vld [tilespmem:$0x1FA10];
	_ =	sdelay $0x1  }
0x1ea: {  	v11 =	vadd.f32 v11, v5;
	_ =	sdelay $0x1  }
0x1eb: {  	v11 =	vadd.f32 v14, v11;
	[tilespmem:$0x1FAF0] =	vst v62;
	v62 =	vld [tilespmem:$0x18150]  }
0x1ec: {  	v7 =	vadd.f32 v3, v7;
	v3 =	vld [tilespmem:$0x1FA20]  }
0x1ed: {  	v11 =	vadd.f32 v20, v11;
	_ =	sdelay $0x1  }
0x1ee: {  	v11 =	vadd.f32 v25, v11  }
0x1ef: {  	[tilespmem:$0x1FB00] =	vst v62;
	v62 =	vld [tilespmem:$0x18250]  }
0x1f0: {  	v11 =	vadd.f32 v32, v11;
	v56 =	vadd.f32 v3, v15;
	v3 =	vld [tilespmem:$0x1FA30];
	_ =	sdelay $0x1  }
0x1f1: {  	v11 =	vadd.f32 v39, v11;
	_ =	sdelay $0x1  }
0x1f2: {  	v11 =	vadd.f32 v47, v11;
	[tilespmem:$0x1FB10] =	vst v62;
	v62 =	vld [tilespmem:$0x18350]  }
0x1f3: {  	v7 =	vadd.f32 v3, v7;
	v3 =	vld [tilespmem:$0x1FA40]  }
0x1f4: {  	v11 =	vadd.f32 v51, v11;
	_ =	sdelay $0x1  }
0x1f5: {  	v11 =	vadd.f32 v57, v11  }
0x1f6: {  	[tilespmem:$0x1FB20] =	vst v62;
	v62 =	vld [tilespmem:$0x18450]  }
0x1f7: {  	v11 =	vadd.f32 v3, v11;
	v3 =	vld [tilespmem:$0x1FA50];
	_ =	sdelay $0x3  }
0x1f8: {  	[tilespmem:$0x1FB50] =	vst v62;
	v62 =	vld [tilespmem:$0x18550]  }
0x1f9: {  	v7 =	vadd.f32 v3, v7;
	v3 =	vld [tilespmem:$0x1FA60];
	_ =	sdelay $0x3  }
0x1fa: {  	[tilespmem:$0x1FB70] =	vst v62;
	v62 =	vld [tilespmem:$0x18650]  }
0x1fb: {  	v11 =	vadd.f32 v3, v11;
	v3 =	vld [tilespmem:$0x1FA70];
	_ =	sdelay $0x2  }
0x1fc: {  	v38 =	vld [tilespmem:$0x18740]  }
0x1fd: {  	[tilespmem:$0x1FB90] =	vst v62;
	v62 =	vld [tilespmem:$0x18750]  }
0x1fe: {  	v7 =	vadd.f32 v3, v7;
	v3 =	vld [tilespmem:$0x1FA80];
	_ =	sdelay $0x1  }
0x1ff: {  	v44 =	vld [tilespmem:$0x18840]  }
0x200: {  	v50 =	vld [tilespmem:$0x18940]  }
0x201: {  	[tilespmem:$0x1FBB0] =	vst v62;
	v62 =	vld [tilespmem:$0x18850]  }
0x202: {  	v54 =	vadd.f32 v38, v48;
	v11 =	vadd.f32 v3, v11;
	v3 =	vld [tilespmem:$0x1FA90]  }
0x203: {  	v55 =	vld [tilespmem:$0x18A40]  }
0x204: {  	v16 =	vadd.f32 v44, v54  }
0x205: {  	v61 =	vld [tilespmem:$0x18B40]  }
0x206: {  	v16 =	vadd.f32 v50, v16;
	[tilespmem:$0x1FBD0] =	vst v62;
	v62 =	vld [tilespmem:$0x18950]  }
0x207: {  	v59 =	vadd.f32 v3, v11;
	v3 =	vld [tilespmem:$0x1FAA0]  }
0x208: {  	v57 =	vadd.f32 v55, v16;
	_ =	sdelay $0x1  }
0x209: {  	v17 =	vadd.f32 v61, v57  }
0x20a: {  	[tilespmem:$0x1FBF0] =	vst v62;
	v62 =	vld [tilespmem:$0x18A50]  }
0x20b: {  	v61 =	vadd.f32 v3, v17;
	v3 =	vld [tilespmem:$0x18C90];
	_ =	sdelay $0x3  }
0x20c: {  	v9 =	vadd.f32 v41, v63;
	[tilespmem:$0x1FC10] =	vst v62;
	v62 =	vld [tilespmem:$0x18B50]  }
0x20d: {  	[tilespmem:$0x1FD90] =	vst v3;
	v3 =	vld [tilespmem:$0x18D90]  }
0x20e: {  	v9 =	vadd.f32 v46, v9;
	_ =	sdelay $0x1  }
0x20f: {  	v9 =	vadd.f32 v52, v9  }
0x210: {  	[tilespmem:$0x1FC40] =	vst v62;
	v62 =	vld [tilespmem:$0x18C50]  }
0x211: {  	(xrf2) =	vadd.scan.msk.f32 $0xffff, v9;
	[tilespmem:$0x1FDA0] =	vst v3;
	v3 =	vld [tilespmem:$0x1FAB0];
	_ =	sdelay $0x2  }
0x212: {  	v21 =	vld [tilespmem:$0x18F70]  }
0x213: {  	(xrf2) =	vadd.scan.msk.f32 $0xffff, v56;
	[tilespmem:$0x1FC70] =	vst v62;
	v62 =	vld [tilespmem:$0x18D50]  }
0x214: {  	(xrf2) =	vadd.scan.msk.f32 $0xffff, v7;
	v7 =	vadd.f32 v3, v59;
	v3 =	vld [tilespmem:$0x1FAC0];
	_ =	sdelay $0x3  }
0x215: {  	[tilespmem:$0x1FD70] =	vst v21  }
0x216: {  	v21 =	vld [tilespmem:$0x1FAD0];
	[tilespmem:$0x1FC90] =	vst v62;
	v11 =	vadd.f32 v3, v61;
	v3, _, _ =	vpop (xrf2)  }
0x217: {  	v62 =	vld [tilespmem:$0x18E50];
	[tilespmem:$0x1FDD0] =	vst v3;
	v3 =	vadd.f32 $0.0e+00, v3;
	_ =	sdelay $0x1  }
0x218: {  	[tilespmem:$0x1FDE0] =	vst v3;
	v29 =	vbroadcast v3, $0xF;
	v3 =	vld [tilespmem:$0x1FAE0];
	_ =	sdelay $0x2  }
0x219: {  	[tilespmem:$0x1FCC0] =	vst v62;
	v62 =	vld [tilespmem:$0x18F50];
	v23 =	vadd.f32 v21, v11  }
0x21a: {  	v34 =	vld [tilespmem:$0x1FB00]  }
0x21b: {  	(xrf2) =	vadd.scan.msk.f32 $0xffff, v7;
	v7 =	vadd.f32 v3, v23;
	v3 =	vld [tilespmem:$0x1FAF0];
	_ =	sdelay $0x2  }
0x21c: {  	[tilespmem:$0x1FCF0] =	vst v62;
	v62 =	vld [tilespmem:$0x18060];
	_ =	sdelay $0x1  }
0x21d: {  	v35 =	vadd.f32 v34, v3;
	v3 =	vld [tilespmem:$0x1FB10];
	_ =	sdelay $0x2  }
0x21e: {  	[tilespmem:$0x1FB30] =	vst v62;
	v62 =	vld [tilespmem:$0x18160];
	_ =	sdelay $0x1  }
0x21f: {  	v31, _, _ =	vpop (xrf2);
	(xrf2) =	vadd.scan.msk.f32 $0xffff, v7;
	v7 =	vadd.f32 v3, v35;
	v3 =	vld [tilespmem:$0x1FB20];
	_ =	sdelay $0x2  }
0x220: {  	[tilespmem:$0x1FB40] =	vst v62  }
0x221: {  	v40 =	vld [tilespmem:$0x1FB40]  }
0x222: {  	v7 =	vadd.f32 v3, v7;
	v3 =	vld [tilespmem:$0x1FB30];
	_ =	sdelay $0x3  }
0x223: {  	v62 =	vld [tilespmem:$0x18260]  }
0x224: {  	v57 =	vadd.f32 v40, v3;
	v3 =	vld [tilespmem:$0x1FB50];
	_ =	sdelay $0x3  }
0x225: {  	v17 =	vld [tilespmem:$0x18F90];
	[tilespmem:$0x1FB60] =	vst v62  }
0x226: {  	v7 =	vadd.f32 v3, v7;
	v3 =	vld [tilespmem:$0x1FB60]  }
0x227: {  	v33 =	vld [tilespmem:$0x18B60]  }
0x228: {  	v36 =	vld [tilespmem:$0x18C60]  }
0x229: {  	v43 =	vld [tilespmem:$0x18F60]  }
0x22a: {  	v62 =	vld [tilespmem:$0x18360]  }
0x22b: {  	[tilespmem:$0x1FDC0] =	vst v17;
	v17 =	vadd.f32 v3, v57;
	v3 =	vld [tilespmem:$0x1FB70]  }
0x22c: {  	v26 =	vld [tilespmem:$0x18170]  }
0x22d: {  	v49 =	vld [tilespmem:$0x18370]  }
0x22e: {  	v58 =	vld [tilespmem:$0x18470]  }
0x22f: {  	v9 =	vld [tilespmem:$0x18E90];
	[tilespmem:$0x1FB80] =	vst v62  }
0x230: {  	v7 =	vadd.f32 v3, v7;
	v3 =	vld [tilespmem:$0x1FB80]  }
0x231: {  	v60 =	vld [tilespmem:$0x18570]  }
0x232: {  	v19 =	vld [tilespmem:$0x18E70]  }
0x233: {  	v6 =	vld [tilespmem:$0x18480];
	v37 =	vadd.f32 v31, v29  }
0x234: {  	v62 =	vld [tilespmem:$0x18460]  }
0x235: {  	[tilespmem:$0x1FDB0] =	vst v9;
	v11 =	vbroadcast v37, $0xF;
	v9 =	vadd.f32 v3, v17;
	v3 =	vld [tilespmem:$0x1FB90]  }
0x236: {  	v5 =	vld [tilespmem:$0x18580];
	v39, _, _ =	vpop (xrf2)  }
0x237: {  	v32 =	vld [tilespmem:$0x18D80];
	v38 =	vadd.f32 v39, v11  }
0x238: {  	v25 =	vld [tilespmem:$0x18190]  }
0x239: {  	v14 =	vld [tilespmem:$0x18290];
	[tilespmem:$0x1FBA0] =	vst v62;
	v11 =	vbroadcast v38, $0xF  }
0x23a: {  	v59, _, _ =	vpop (xrf2);
	v7 =	vadd.f32 v3, v7;
	v3 =	vld [tilespmem:$0x1FBA0]  }
0x23b: {  	v20 =	vld [tilespmem:$0x18490];
	v39 =	vadd.f32 v59, v11  }
0x23c: {  	v47 =	vld [tilespmem:$0x180A0]  }
0x23d: {  	[tilespmem:$0x1FCA0] =	vst v33;
	v33 =	vld [tilespmem:$0x18D60];
	v61 =	vbroadcast v39, $0xF  }
0x23e: {  	v62 =	vld [tilespmem:$0x18560];
	v59, _, _ =	vpop (xrf2)  }
0x23f: {  	v40 =	vadd.f32 v59, v61;
	v61 =	vadd.f32 v3, v9;
	v3 =	vld [tilespmem:$0x1FBB0]  }
0x240: {  	v51 =	vld [tilespmem:$0x182A0];
	[tilespmem:$0x1FCD0] =	vst v36  }
0x241: {  	v36 =	vld [tilespmem:$0x18E60];
	[tilespmem:$0x1FD40] =	vst v43  }
0x242: {  	v43 =	vld [tilespmem:$0x18270];
	[tilespmem:$0x1FD00] =	vst v33  }
0x243: {  	v33 =	vld [tilespmem:$0x18070];
	[tilespmem:$0x1FBC0] =	vst v62  }
0x244: {  	v7 =	vadd.f32 v3, v7;
	v3 =	vld [tilespmem:$0x1FBC0]  }
0x245: {  	[tilespmem:$0x1FD60] =	vst v19;
	v19 =	vld [tilespmem:$0x18280]  }
0x246: {  	v8 =	vld [tilespmem:$0x18380]  }
0x247: {  	v22 =	vld [tilespmem:$0x18880]  }
0x248: {  	v62 =	vld [tilespmem:$0x18660]  }
0x249: {  	v26 =	vadd.f32 v26, v33;
	v33 =	vadd.f32 v3, v61;
	v3 =	vld [tilespmem:$0x1FBD0]  }
0x24a: {  	v27 =	vld [tilespmem:$0x18C80]  }
0x24b: {  	v13 =	vld [tilespmem:$0x18680]  }
0x24c: {  	v45 =	vld [tilespmem:$0x18F80];
	[tilespmem:$0x1FD20] =	vst v36  }
0x24d: {  	v36 =	vld [tilespmem:$0x18870];
	[tilespmem:$0x1FBE0] =	vst v62  }
0x24e: {  	v7 =	vadd.f32 v3, v7;
	v3 =	vld [tilespmem:$0x1FBE0]  }
0x24f: {  	v42 =	vld [tilespmem:$0x18980]  }
0x250: {  	v28 =	vld [tilespmem:$0x18790]  }
0x251: {  	[tilespmem:$0x1FD80] =	vst v45;
	v45 =	vld [tilespmem:$0x18A90]  }
0x252: {  	v62 =	vld [tilespmem:$0x18760]  }
0x253: {  	v33 =	vadd.f32 v3, v33;
	v3 =	vld [tilespmem:$0x1FBF0]  }
0x254: {  	[tilespmem:$0x1FC80] =	vst v36;
	v36 =	vld [tilespmem:$0x18D70]  }
0x255: {  	v10 =	vld [tilespmem:$0x18080]  }
0x256: {  	v63 =	vld [tilespmem:$0x18180]  }
0x257: {  	v41 =	vld [tilespmem:$0x18B80];
	[tilespmem:$0x1FC00] =	vst v62  }
0x258: {  	v7 =	vadd.f32 v3, v7;
	v3 =	vld [tilespmem:$0x1FC00]  }
0x259: {  	v26 =	vadd.f32 v43, v26;
	v43 =	vld [tilespmem:$0x180B0]  }
0x25a: {  	v46 =	vld [tilespmem:$0x18E80]  }
0x25b: {  	v26 =	vadd.f32 v49, v26;
	v49 =	vld [tilespmem:$0x182B0]  }
0x25c: {  	v62 =	vld [tilespmem:$0x18860]  }
0x25d: {  	v33 =	vadd.f32 v3, v33;
	v3 =	vld [tilespmem:$0x1FC10]  }
0x25e: {  	[tilespmem:$0x1FD50] =	vst v36;
	v36 =	vld [tilespmem:$0x18A80]  }
0x25f: {  	v52 =	vld [tilespmem:$0x18780]  }
0x260: {  	v26 =	vadd.f32 v58, v26;
	v58 =	vld [tilespmem:$0x184B0]  }
0x261: {  	v10 =	vadd.f32 v63, v10;
	v63 =	vld [tilespmem:$0x18EB0];
	[tilespmem:$0x1FC20] =	vst v62  }
0x262: {  	v7 =	vadd.f32 v3, v7;
	v3 =	vld [tilespmem:$0x1FC20]  }
0x263: {  	v26 =	vadd.f32 v60, v26;
	v60 =	vld [tilespmem:$0x188B0]  }
0x264: {  	v12 =	vld [tilespmem:$0x18090]  }
0x265: {  	v10 =	vadd.f32 v19, v10;
	v19 =	vld [tilespmem:$0x183B0]  }
0x266: {  	v18 =	vld [tilespmem:$0x18390]  }
0x267: {  	v33 =	vadd.f32 v3, v33;
	v3 =	vld [tilespmem:$0x1FC30]  }
0x268: {  	v8 =	vadd.f32 v8, v10;
	v10 =	vld [tilespmem:$0x185B0]  }
0x269: {  	v24 =	vld [tilespmem:$0x18990]  }
0x26a: {  	v6 =	vadd.f32 v6, v8;
	v8 =	vld [tilespmem:$0x187B0]  }
0x26b: {  	v62 =	vld [tilespmem:$0x18960]  }
0x26c: {  	v26 =	vadd.f32 v3, v26;
	v3 =	vld [tilespmem:$0x1FC40]  }
0x26d: {  	v12 =	vadd.f32 v25, v12;
	v25 =	vld [tilespmem:$0x183C0]  }
0x26e: {  	v30 =	vld [tilespmem:$0x18B90]  }
0x26f: {  	v5 =	vadd.f32 v5, v6;
	v6 =	vld [tilespmem:$0x182C0]  }
0x270: {  	v12 =	vadd.f32 v14, v12;
	v14 =	vld [tilespmem:$0x185C0];
	[tilespmem:$0x1FC50] =	vst v62  }
0x271: {  	v7 =	vadd.f32 v3, v7;
	v3 =	vld [tilespmem:$0x1FC50]  }
0x272: {  	v48 =	vld [tilespmem:$0x187A0]  }
0x273: {  	v5 =	vadd.f32 v13, v5;
	v13 =	vld [tilespmem:$0x18BB0]  }
0x274: {  	v12 =	vadd.f32 v18, v12;
	v18 =	vld [tilespmem:$0x187C0]  }
0x275: {  	v44 =	vld [tilespmem:$0x18590]  }
0x276: {  	v33 =	vadd.f32 v3, v33;
	v3 =	vld [tilespmem:$0x1FC60]  }
0x277: {  	v54 =	vld [tilespmem:$0x183A0]  }
0x278: {  	v5 =	vadd.f32 v52, v5;
	v52 =	vld [tilespmem:$0x18DB0]  }
0x279: {  	v12 =	vadd.f32 v20, v12;
	v20 =	vld [tilespmem:$0x189C0]  }
0x27a: {  	v50 =	vld [tilespmem:$0x181A0]  }
0x27b: {  	v26 =	vadd.f32 v3, v26;
	v3 =	vld [tilespmem:$0x1FC70]  }
0x27c: {  	v5 =	vadd.f32 v22, v5;
	v22 =	vld [tilespmem:$0x1FCD0]  }
0x27d: {  	v16 =	vld [tilespmem:$0x18890]  }
0x27e: {  	v55 =	vld [tilespmem:$0x188A0];
	v5 =	vadd.f32 v42, v5  }
0x27f: {  	v42 =	vld [tilespmem:$0x1FD00]  }
0x280: {  	v5 =	vadd.f32 v36, v5;
	v7 =	vadd.f32 v3, v7;
	v3 =	vld [tilespmem:$0x1FC80]  }
0x281: {  	v36 =	vld [tilespmem:$0x1FD30]  }
0x282: {  	v5 =	vadd.f32 v41, v5;
	v15 =	vld [tilespmem:$0x18690]  }
0x283: {  	v41 =	vld [tilespmem:$0x1FD50]  }
0x284: {  	v5 =	vadd.f32 v27, v5;
	v27 =	vld [tilespmem:$0x188C0]  }
0x285: {  	v12 =	vadd.f32 v44, v12;
	v26 =	vadd.f32 v3, v26;
	v3 =	vld [tilespmem:$0x1FC90]  }
0x286: {  	v53 =	vld [tilespmem:$0x186A0]  }
0x287: {  	v5 =	vadd.f32 v32, v5;
	v32 =	vld [tilespmem:$0x18AC0];
	v12 =	vadd.f32 v15, v12  }
0x288: {  	v62 =	vld [tilespmem:$0x18A60]  }
0x289: {  	v5 =	vadd.f32 v46, v5;
	v46 =	vld [tilespmem:$0x18CC0];
	v12 =	vadd.f32 v28, v12  }
0x28a: {  	v7 =	vadd.f32 v3, v7;
	v3 =	vld [tilespmem:$0x1FCA0]  }
0x28b: {  	v56 =	vld [tilespmem:$0x184A0];
	v12 =	vadd.f32 v16, v12  }
0x28c: {  	v15 =	vld [tilespmem:$0x18DC0]  }
0x28d: {  	v28 =	vld [tilespmem:$0x185D0];
	v12 =	vadd.f32 v24, v12;
	v33 =	vadd.f32 v62, v33  }
0x28e: {  	v16 =	vld [tilespmem:$0x181D0]  }
0x28f: {  	v12 =	vadd.f32 v45, v12;
	v33 =	vadd.f32 v3, v33;
	v3 =	vld [tilespmem:$0x1FCB0]  }
0x290: {  	v24 =	vld [tilespmem:$0x187D0]  }
0x291: {  	v12 =	vadd.f32 v30, v12;
	v30 =	vld [tilespmem:$0x18DD0]  }
0x292: {  	v4 =	vld [tilespmem:$0x1FCF0]  }
0x293: {  	v21 =	vld [tilespmem:$0x185A0]  }
0x294: {  	v26 =	vadd.f32 v3, v26;
	v3 =	vld [tilespmem:$0x1FCC0]  }
0x295: {  	v29 =	vld [tilespmem:$0x18AA0]  }
0x296: {  	v31 =	vld [tilespmem:$0x18BA0]  }
0x297: {  	v23 =	vld [tilespmem:$0x18EA0]  }
0x298: {  	v22 =	vadd.f32 v22, v33;
	v33 =	vld [tilespmem:$0x1FCE0]  }
0x299: {  	v34 =	vld [tilespmem:$0x18CA0];
	v3 =	vadd.f32 v3, v7  }
0x29a: {  	v22 =	vadd.f32 v42, v22;
	v42 =	vld [tilespmem:$0x1FD10]  }
0x29b: {  	v11 =	vld [tilespmem:$0x18DA0];
	v3 =	vadd.f32 v4, v3  }
0x29c: {  	v35 =	vld [tilespmem:$0x189A0]  }
0x29d: {  	v26 =	vadd.f32 v33, v26;
	(xrf2) =	vadd.scan.msk.f32 $0xffff, v3;
	v3 =	vld [tilespmem:$0x1FD20]  }
0x29e: {  	v59 =	vld [tilespmem:$0x186B0]  }
0x29f: {  	v26 =	vadd.f32 v42, v26;
	v42 =	vld [tilespmem:$0x1FD40]  }
0x2a0: {  	v57 =	vld [tilespmem:$0x181B0]  }
0x2a1: {  	v17 =	vld [tilespmem:$0x18FA0]  }
0x2a2: {  	v33 =	vld [tilespmem:$0x180C0];
	v3 =	vadd.f32 v3, v22  }
0x2a3: {  	v4 =	vld [tilespmem:$0x181C0]  }
0x2a4: {  	v9 =	vld [tilespmem:$0x189B0];
	v3 =	vadd.f32 v42, v3  }
0x2a5: {  	v61 =	vld [tilespmem:$0x18AB0]  }
0x2a6: {  	(xrf2) =	vadd.scan.msk.f32 $0xffff, v3;
	v3 =	vld [tilespmem:$0x1FD60]  }
0x2a7: {  	v62 =	vld [tilespmem:$0x18CB0];
	v22 =	vadd.f32 v36, v26  }
0x2a8: {  	v4 =	vadd.f32 v4, v33;
	v42 =	vadd.f32 v50, v47;
	v47 =	vld [tilespmem:$0x1FD70]  }
0x2a9: {  	v26 =	vld [tilespmem:$0x184C0];
	v22 =	vadd.f32 v41, v22  }
0x2aa: {  	v7 =	vld [tilespmem:$0x18FB0];
	v4 =	vadd.f32 v6, v4  }
0x2ab: {  	v33 =	vld [tilespmem:$0x188E0];
	v3 =	vadd.f32 v3, v22  }
0x2ac: {  	v36 =	vld [tilespmem:$0x186C0];
	v4 =	vadd.f32 v25, v4  }
0x2ad: {  	v6 =	vld [tilespmem:$0x18FD0];
	v22 =	vadd.f32 v51, v42;
	v3 =	vadd.f32 v47, v3  }
0x2ae: {  	v50 =	vadd.f32 v57, v43;
	v4 =	vadd.f32 v26, v4;
	v51 =	vld [tilespmem:$0x1FD80]  }
0x2af: {  	v41 =	vld [tilespmem:$0x18BC0];
	(xrf2) =	vadd.scan.msk.f32 $0xffff, v3;
	v3 =	vadd.f32 v54, v22  }
0x2b0: {  	v25 =	vld [tilespmem:$0x184F0];
	v4 =	vadd.f32 v14, v4;
	v22 =	vadd.f32 v49, v50  }
0x2b1: {  	v26 =	vld [tilespmem:$0x187E0];
	v57 =	vadd.f32 v56, v3  }
0x2b2: {  	v4 =	vadd.f32 v36, v4;
	v36 =	vld [tilespmem:$0x189E0];
	v19 =	vadd.f32 v19, v22  }
0x2b3: {  	v47 =	vld [tilespmem:$0x18EC0];
	v5 =	vadd.f32 v51, v5;
	v43 =	vadd.f32 v21, v57  }
0x2b4: {  	v4 =	vadd.f32 v18, v4;
	v49 =	vld [tilespmem:$0x182D0];
	v19 =	vadd.f32 v58, v19  }
0x2b5: {  	v54 =	vbroadcast v40, $0xF;
	v50 =	vld [tilespmem:$0x18AD0];
	v3, _, _ =	vpop (xrf2);
	(xrf2) =	vadd.scan.msk.f32 $0xffff, v5;
	v5 =	vadd.f32 v53, v43  }
0x2b6: {  	v4 =	vadd.f32 v27, v4;
	v27 =	vld [tilespmem:$0x185F0];
	v10 =	vadd.f32 v10, v19  }
0x2b7: {  	v22 =	vld [tilespmem:$0x183D0];
	v42 =	vadd.f32 v3, v54;
	v5 =	vadd.f32 v48, v5  }
0x2b8: {  	v21 =	vld [tilespmem:$0x180D0];
	v10 =	vadd.f32 v59, v10  }
0x2b9: {  	v57 =	vld [tilespmem:$0x1FD90];
	v44 =	vbroadcast v42, $0xF;
	v5 =	vadd.f32 v55, v5  }
0x2ba: {  	v3 =	vld [tilespmem:$0x18FC0];
	v53, _, _ =	vpop (xrf2);
	v8 =	vadd.f32 v8, v10  }
0x2bb: {  	v19 =	vld [tilespmem:$0x184D0];
	v43 =	vadd.f32 v53, v44;
	v5 =	vadd.f32 v35, v5  }
0x2bc: {  	v48 =	vld [tilespmem:$0x186D0];
	v8 =	vadd.f32 v60, v8  }
0x2bd: {  	v59 =	vld [tilespmem:$0x1FDA0];
	v54 =	vbroadcast v43, $0xF;
	v5 =	vadd.f32 v29, v5  }
0x2be: {  	v4 =	vadd.f32 v20, v4;
	v53 =	vld [tilespmem:$0x181E0];
	v55, _, _ =	vpop (xrf2);
	v8 =	vadd.f32 v9, v8  }
0x2bf: {  	v60 =	vld [tilespmem:$0x1FDB0];
	v44 =	vadd.f32 v55, v54;
	v5 =	vadd.f32 v31, v5  }
0x2c0: {  	v12 =	vadd.f32 v57, v12;
	v57 =	vld [tilespmem:$0x181F0];
	v8 =	vadd.f32 v61, v8  }
0x2c1: {  	v51 =	vadd.f32 v16, v21;
	v56 =	vbroadcast v44, $0xF;
	v5 =	vadd.f32 v34, v5;
	v34 =	vld [tilespmem:$0x180E0]  }
0x2c2: {  	v12 =	vadd.f32 v59, v12;
	v58, _, _ =	vpop (xrf2);
	v61 =	vld [tilespmem:$0x1FDC0];
	v8 =	vadd.f32 v13, v8  }
0x2c3: {  	v54 =	vld [tilespmem:$0x182E0];
	v45 =	vadd.f32 v58, v56;
	v13 =	vadd.f32 v49, v51  }
0x2c4: {  	v12 =	vadd.f32 v60, v12;
	v56 =	vld [tilespmem:$0x180F0];
	v8 =	vadd.f32 v62, v8  }
0x2c5: {  	v55 =	vld [tilespmem:$0x183E0];
	v5 =	vadd.f32 v11, v5;
	v13 =	vadd.f32 v22, v13  }
0x2c6: {  	v59 =	vld [tilespmem:$0x182F0];
	v8 =	vadd.f32 v52, v8;
	v11 =	vadd.f32 v53, v34  }
0x2c7: {  	v58 =	vld [tilespmem:$0x184E0];
	v12 =	vadd.f32 v61, v12;
	v13 =	vadd.f32 v19, v13  }
0x2c8: {  	v62 =	vld [tilespmem:$0x183F0];
	v8 =	vadd.f32 v63, v8;
	v60 =	vadd.f32 v54, v11  }
0x2c9: {  	v61 =	vld [tilespmem:$0x185E0];
	v14 =	vadd.f32 v57, v56;
	v13 =	vadd.f32 v28, v13  }
0x2ca: {  	v10 =	vld [tilespmem:$0x188D0];
	v7 =	vadd.f32 v7, v8;
	v8 =	vadd.f32 v55, v60  }
0x2cb: {  	v4 =	vadd.f32 v32, v4;
	v63 =	vld [tilespmem:$0x186E0];
	v13 =	vadd.f32 v48, v13  }
0x2cc: {  	v35 =	vld [tilespmem:$0x189D0];
	v14 =	vadd.f32 v59, v14;
	v8 =	vadd.f32 v58, v8  }
0x2cd: {  	v4 =	vadd.f32 v41, v4;
	v41 =	vld [tilespmem:$0x187F0];
	v13 =	vadd.f32 v24, v13  }
0x2ce: {  	v29 =	vld [tilespmem:$0x18BD0];
	v28 =	vadd.f32 v62, v14;
	v8 =	vadd.f32 v61, v8  }
0x2cf: {  	v5 =	vadd.f32 v23, v5;
	v34 =	vld [tilespmem:$0x186F0];
	v10 =	vadd.f32 v10, v13  }
0x2d0: {  	v9 =	vld [tilespmem:$0x18CD0];
	(xrf2) =	vadd.scan.msk.f32 $0xffff, v12;
	v11 =	vadd.f32 v25, v28;
	v8 =	vadd.f32 v63, v8  }
0x2d1: {  	v31 =	vld [tilespmem:$0x18ED0];
	v5 =	vadd.f32 v17, v5;
	v10 =	vadd.f32 v35, v10  }
0x2d2: {  	v49 =	vld [tilespmem:$0x188F0];
	v11 =	vadd.f32 v27, v11;
	v8 =	vadd.f32 v26, v8  }
0x2d3: {  	v4 =	vadd.f32 v46, v4;
	v48 =	vld [tilespmem:$0x18AE0];
	v10 =	vadd.f32 v50, v10  }
0x2d4: {  	v52 =	vld [tilespmem:$0x18BE0];
	(xrf2) =	vadd.scan.msk.f32 $0xffff, v5;
	v51 =	vadd.f32 v34, v11;
	v50 =	vadd.f32 v33, v8  }
0x2d5: {  	v4 =	vadd.f32 v15, v4;
	v53 =	vld [tilespmem:$0x189F0];
	v10 =	vadd.f32 v29, v10  }
0x2d6: {  	v54 =	vld [tilespmem:$0x18CE0];
	v8 =	vadd.f32 v41, v51;
	v5 =	vadd.f32 v36, v50  }
0x2d7: {  	v4 =	vadd.f32 v47, v4;
	v55 =	vld [tilespmem:$0x18AF0];
	v9 =	vadd.f32 v9, v10  }
0x2d8: {  	v57 =	vld [tilespmem:$0x18DE0];
	(xrf2) =	vadd.scan.msk.f32 $0xffff, v7;
	v56 =	vadd.f32 v49, v8;
	v5 =	vadd.f32 v48, v5  }
0x2d9: {  	v4 =	vadd.f32 v3, v4;
	v3 =	vbroadcast v45, $0xF;
	v58 =	vld [tilespmem:$0x18BF0];
	v9 =	vadd.f32 v30, v9  }
0x2da: {  	v60 =	vld [tilespmem:$0x18EE0];
	v59, _, _ =	vpop (xrf2);
	v7 =	vadd.f32 v53, v56;
	v5 =	vadd.f32 v52, v5  }
0x2db: {  	v61 =	vld [tilespmem:$0x18CF0];
	v3 =	vadd.f32 v59, v3;
	v9 =	vadd.f32 v31, v9  }
0x2dc: {  	v18 =	vld [tilespmem:$0x18DF0];
	(xrf2) =	vadd.scan.msk.f32 $0xffff, v4;
	v16 =	vadd.f32 v55, v7;
	v62 =	vadd.f32 v54, v5  }
0x2dd: {  	v63 =	vld [tilespmem:$0x18FE0];
	v17 =	vbroadcast v3, $0xF;
	v6 =	vadd.f32 v6, v9  }
0x2de: {  	v20, _, _ =	vpop (xrf2);
	v19 =	vadd.f32 v58, v16;
	v4 =	vadd.f32 v57, v62  }
0x2df: {  	v21 =	vld [tilespmem:$0x18EF0];
	v5 =	vadd.f32 v20, v17  }
0x2e0: {  	(xrf2) =	vadd.scan.msk.f32 $0xffff, v6;
	v22 =	vadd.f32 v61, v19;
	v4 =	vadd.f32 v60, v4  }
0x2e1: {  	v23 =	vld [tilespmem:$0x18FF0];
	v7 =	vbroadcast v5, $0xF  }
0x2e2: {  	v24, _, _ =	vpop (xrf2);
	v6 =	vadd.f32 v18, v22;
	v4 =	vadd.f32 v63, v4  }
0x2e3: {  	v7 =	vadd.f32 v24, v7  }
0x2e4: {  	v25 =	vadd.f32 v21, v6;
	(xrf2) =	vadd.scan.msk.f32 $0xffff, v4  }
0x2e5: {  	v26 =	vbroadcast v7, $0xF  }
0x2e6: {  	v27, _, _ =	vpop (xrf2);
	v4 =	vadd.f32 v23, v25  }
0x2e7: {  	v8 =	vadd.f32 v27, v26  }
0x2e8: {  	(xrf2) =	vadd.scan.msk.f32 $0xffff, v4  }
0x2e9: {  	v28 =	vbroadcast v8, $0xF  }
0x2ea: {  	v29, _, _ =	vpop (xrf2)  }
0x2eb: {  	v9 =	vadd.f32 v29, v28;
	_ =	sdelay $0x1  }
0x2ec: {  	v4 =	vbroadcast v9, $0xF  }
0x2ed: {  	v30, _, _ =	vpop (xrf2)  }
0x2ee: {  	v10 =	vadd.f32 v30, v4;
	_ =	sdelay $0x1  }
0x2ef: {  	v4 =	vbroadcast v10, $0xF  }
0x2f0: {  	v33 =	vld [tilespmem:$0x1FDD0];
	v31, _, _ =	vpop (xrf2)  }
0x2f1: {  	v34 =	vld [tilespmem:$0x1FDE0];
	v32 =	vadd.f32 v31, v4;
	_ =	sdelay $0x1  }
0x2f2: {  	v4 =	vbroadcast v32, $0xF;
	_ =	sdelay $0x1  }
0x2f3: {  	vm0 =	vlt.f32 v33, v4  }
0x2f4: {  	vm12 =	vlt.f32 v37, v4;
	v6 =	vnsel vm0, $0x0, v34  }
0x2f5: {  	vm13 =	vlt.f32 v38, v4;
	v35 =	vnsel vm12, $0x0, v37;
	(xrf0) =	vmax.scan.msk.f32 $0xffff, v6  }
0x2f6: {  	vm14 =	vlt.f32 v39, v4;
	v36 =	vnsel vm13, $0x0, v38;
	(xrf0) =	vmax.scan.msk.f32 $0xffff, v35  }
0x2f7: {  	vm15 =	vlt.f32 v40, v4;
	v41 =	vnsel vm14, $0x0, v39;
	(xrf0) =	vmax.scan.msk.f32 $0xffff, v36  }
0x2f8: {  	vm4 =	vlt.f32 v42, v4;
	v46 =	vnsel vm15, $0x0, v40;
	(xrf0) =	vmax.scan.msk.f32 $0xffff, v41  }
0x2f9: {  	vm5 =	vlt.f32 v43, v4;
	v47 =	vnsel vm4, $0x0, v42;
	(xrf0) =	vmax.scan.msk.f32 $0xffff, v46  }
0x2fa: {  	vm6 =	vlt.f32 v44, v4;
	v48 =	vnsel vm5, $0x0, v43;
	(xrf0) =	vmax.scan.msk.f32 $0xffff, v47  }
0x2fb: {  	vm7 =	vlt.f32 v45, v4;
	v50 =	vnsel vm6, $0x0, v44;
	v49, _, _ =	vpop (xrf0);
	(xrf0) =	vmax.scan.msk.f32 $0xffff, v48  }
0x2fc: {  	vm8 =	vlt.f32 v3, v4;
	v52 =	vnsel vm7, $0x0, v45;
	(v2sf) =	vpush v49, $0xF;
	v51, _, _ =	vpop (xrf0);
	(xrf0) =	vmax.scan.msk.f32 $0xffff, v50  }
0x2fd: {  	vm9 =	vlt.f32 v5, v4;
	v54 =	vnsel vm8, $0x0, v3;
	(v2sf) =	vpush v51, $0xF;
	v53, _, _ =	vpop (xrf0);
	(xrf0) =	vmax.scan.msk.f32 $0xffff, v52  }
0x2fe: {  	vm10 =	vlt.f32 v7, v4;
	v56 =	vnsel vm9, $0x0, v5;
	(v2sf) =	vpush v53, $0xF;
	v55, _, _ =	vpop (xrf0);
	(xrf0) =	vmax.scan.msk.f32 $0xffff, v54  }
0x2ff: {  	vm11 =	vlt.f32 v8, v4;
	v58 =	vnsel vm10, $0x0, v7;
	(v2sf) =	vpush v55, $0xF;
	v57, _, _ =	vpop (xrf0);
	(xrf0) =	vmax.scan.msk.f32 $0xffff, v56  }
0x300: {  	v60 =	vnsel vm11, $0x0, v8;
	vm12 =	vlt.f32 v9, v4;
	(v2sf) =	vpush v57, $0xF;
	v59, _, _ =	vpop (xrf0);
	(xrf0) =	vmax.scan.msk.f32 $0xffff, v58  }
0x301: {  	vm13 =	vlt.f32 v10, v4;
	v62 =	vnsel vm12, $0x0, v9;
	(v2sf) =	vpush v59, $0xF;
	v61, _, _ =	vpop (xrf0);
	(xrf0) =	vmax.scan.msk.f32 $0xffff, v60  }
0x302: {  	vm14 =	vlt.f32 v32, v4;
	v16 =	vnsel vm13, $0x0, v10;
	(v2sf) =	vpush v61, $0xF;
	v63, _, _ =	vpop (xrf0);
	(xrf0) =	vmax.scan.msk.f32 $0xffff, v62  }
0x303: {  	v18 =	vnsel vm14, $0x0, v32;
	(v2sf) =	vpush v63, $0xF;
	v17, _, _ =	vpop (xrf0);
	(xrf0) =	vmax.scan.msk.f32 $0xffff, v16  }
0x304: {  	(v2sf) =	vpush v17, $0xF;
	v19, _, _ =	vpop (xrf0);
	(xrf0) =	vmax.scan.msk.f32 $0xffff, v18  }
0x305: {  	v20, _, _ =	vpop (xrf0);
	(v2sf) =	vpush v19, $0xF  }
0x306: {  	v21, _, _ =	vpop (xrf0);
	(v2sf) =	vpush v20, $0xF  }
0x307: {  	v22, _, _ =	vpop (xrf0);
	(v2sf) =	vpush v21, $0xF  }
0x308: {  	v23, _, _ =	vpop (xrf0);
	(v2sf) =	vpush v22, $0xF  }
0x309: {  	v24, _, _ =	vpop (xrf0);
	(v2sf) =	vpush v23, $0xF  }
0x30a: {  	(v2sf) =	vpush v24, $0xF;
	v25, _, _ =	vpop (xrf0)  }
0x30b: {  	s0 =	spop (v2sf);
	(v2sf) =	vpush v25, $0xF  }
0x30c: {  	s1 =	spop (v2sf);
	s0 =	smax.f32 s0, $0.0e+00  }
0x30d: {  	s2 =	spop (v2sf);
	s0 =	smax.f32 s0, s1  }
0x30e: {  	s16 =	spop (v2sf);
	s0 =	smax.f32 s0, s2  }
0x30f: {  	s17 =	spop (v2sf);
	s0 =	smax.f32 s0, s16  }
0x310: {  	s18 =	spop (v2sf);
	s0 =	smax.f32 s0, s17  }
0x311: {  	s19 =	spop (v2sf);
	s0 =	smax.f32 s0, s18  }
0x312: {  	s20 =	spop (v2sf);
	s0 =	smax.f32 s0, s19  }
0x313: {  	s21 =	spop (v2sf);
	s0 =	smax.f32 s0, s20  }
0x314: {  	s22 =	spop (v2sf);
	s0 =	smax.f32 s0, s21  }
0x315: {  	s23 =	spop (v2sf);
	s0 =	smax.f32 s0, s22  }
0x316: {  	s24 =	spop (v2sf);
	s0 =	smax.f32 s0, s23  }
0x317: {  	v26 =	vld [tilespmem:$0x1FFC0];
	s25 =	spop (v2sf);
	s0 =	smax.f32 s0, s24  }
0x318: {  	s26 =	spop (v2sf);
	s0 =	smax.f32 s0, s25  }
0x319: {  	s28 =	spop (v2sf);
	s0 =	smax.f32 s0, s26  }
0x31a: {  	s0 =	smax.f32 s0, s28;
	s29 =	spop (v2sf)  }
0x31b: {  	s0 =	smax.f32 s0, s29  }
0x31c: {  	v4 =	vmul.f32 s0, v26;
	_ =	sdelay $0x1  }
0x31d: {  	v4 =	vtrunc.f32 v4  }
0x31e: {  	v27 =	vcvt.f32.s32 v4;
	_ =	sdelay $0x1  }
0x31f: {  	v4 =	vcvt.s32.f32 v27;
	_ =	sdelay $0x1  }
0x320: {  	v28 =	vmax.f32 v4, $1.000000000e+00  }
0x321: {  	(erf) = vrcp.f32 v28  }
0x322: {  	v4 =	vmul.f32 $5.000000000e-01, v4  }
0x323: {  	[tilespmem:$0x19000] =	vst v34  }
0x324: {  	v29 =	vld [tilespmem:$0x19000];
	v4 =	vtrunc.f32 v4  }
0x325: {  	[tilespmem:$0x19100] =	vst v0;
	v4 =	vcvt.f32.s32 v4  }
0x326: {  	[tilespmem:$0x19010] =	vst v37  }
0x327: {  	[tilespmem:$0x19020] =	vst v38;
	v4 =	vcvt.s32.f32 v4  }
0x328: {  	[tilespmem:$0x19030] =	vst v39  }
0x329: {  	[tilespmem:$0x19040] =	vst v40;
	v30 =	vadd.f32 v4, v29  }
0x32a: {  	[tilespmem:$0x19050] =	vst v42;
	v31 =	vpop (erf)  }
0x32b: {  	[tilespmem:$0x19060] =	vst v43;
	v13 =	vmul.f32 v30, v31  }
0x32c: {  	[tilespmem:$0x19070] =	vst v44  }
0x32d: {  	[tilespmem:$0x19090] =	vst v3;
	v33 =	vld [tilespmem:$0x1FE00];
	v3 =	vtrunc.f32 v13  }
0x32e: {  	[tilespmem:$0x19080] =	vst v45;
	v3 =	vcvt.f32.s32 v3  }
0x32f: {  	[tilespmem:$0x190F0] =	vst v32;
	v32 =	vld [tilespmem:$0x1FDF0]  }
0x330: {  	[tilespmem:$0x190A0] =	vst v5;
	v3 =	vcvt.s32.f32 v3  }
0x331: {  	[tilespmem:$0x190B0] =	vst v7  }
0x332: {  	[tilespmem:$0x190C0] =	vst v8;
	v3 =	vmax.f32 v3, $0.0e+00  }
0x333: {  	[tilespmem:$0x190D0] =	vst v9;
	vm15 =	veq.s32 v27, $0x0;
	v3 =	vmin.f32 v3, $2.550000000e+02  }
0x334: {  	[tilespmem:$0x190E0] =	vst v10;
	v3 =	vsel vm15, v32, v3  }
0x335: {  	[tilespmem:v33+s12+$0x0] =	vst.idx.msk $0xffff, v3  }
0x336: {  	v3 =	vld [tilespmem:$0x19010];
	_ =	sdelay $0x4  }
0x337: {  	v3 =	vadd.f32 v4, v3;
	_ =	sdelay $0x1  }
0x338: {  	v3 =	vmul.f32 v3, v31;
	_ =	sdelay $0x1  }
0x339: {  	v35 =	vld [tilespmem:$0x1FE20];
	v3 =	vtrunc.f32 v3  }
0x33a: {  	v3 =	vcvt.f32.s32 v3  }
0x33b: {  	v34 =	vld [tilespmem:$0x1FE10]  }
0x33c: {  	v3 =	vcvt.s32.f32 v3;
	_ =	sdelay $0x1  }
0x33d: {  	v3 =	vmax.f32 v3, $0.0e+00  }
0x33e: {  	v3 =	vmin.f32 v3, $2.550000000e+02  }
0x33f: {  	v3 =	vsel vm15, v34, v3  }
0x340: {  	[tilespmem:v35+s12+$0x0] =	vst.idx.msk $0xffff, v3  }
0x341: {  	v3 =	vld [tilespmem:$0x19020];
	_ =	sdelay $0x4  }
0x342: {  	v3 =	vadd.f32 v4, v3;
	_ =	sdelay $0x1  }
0x343: {  	v3 =	vmul.f32 v3, v31;
	_ =	sdelay $0x1  }
0x344: {  	v37 =	vld [tilespmem:$0x1FE40];
	v3 =	vtrunc.f32 v3  }
0x345: {  	v3 =	vcvt.f32.s32 v3  }
0x346: {  	v36 =	vld [tilespmem:$0x1FE30]  }
0x347: {  	v3 =	vcvt.s32.f32 v3;
	_ =	sdelay $0x1  }
0x348: {  	v3 =	vmax.f32 v3, $0.0e+00  }
0x349: {  	v3 =	vmin.f32 v3, $2.550000000e+02  }
0x34a: {  	v3 =	vsel vm15, v36, v3  }
0x34b: {  	[tilespmem:v37+s12+$0x0] =	vst.idx.msk $0xffff, v3  }
0x34c: {  	v3 =	vld [tilespmem:$0x19030];
	_ =	sdelay $0x4  }
0x34d: {  	v3 =	vadd.f32 v4, v3;
	_ =	sdelay $0x1  }
0x34e: {  	v3 =	vmul.f32 v3, v31;
	_ =	sdelay $0x1  }
0x34f: {  	v39 =	vld [tilespmem:$0x1FE60];
	v3 =	vtrunc.f32 v3  }
0x350: {  	v3 =	vcvt.f32.s32 v3  }
0x351: {  	v38 =	vld [tilespmem:$0x1FE50]  }
0x352: {  	v3 =	vcvt.s32.f32 v3;
	_ =	sdelay $0x1  }
0x353: {  	v3 =	vmax.f32 v3, $0.0e+00  }
0x354: {  	v3 =	vmin.f32 v3, $2.550000000e+02  }
0x355: {  	v3 =	vsel vm15, v38, v3  }
0x356: {  	[tilespmem:v39+s12+$0x0] =	vst.idx.msk $0xffff, v3  }
0x357: {  	v3 =	vld [tilespmem:$0x19040];
	_ =	sdelay $0x4  }
0x358: {  	v3 =	vadd.f32 v4, v3;
	_ =	sdelay $0x1  }
0x359: {  	v3 =	vmul.f32 v3, v31;
	_ =	sdelay $0x1  }
0x35a: {  	v41 =	vld [tilespmem:$0x1FE80];
	v3 =	vtrunc.f32 v3  }
0x35b: {  	v3 =	vcvt.f32.s32 v3  }
0x35c: {  	v40 =	vld [tilespmem:$0x1FE70]  }
0x35d: {  	v3 =	vcvt.s32.f32 v3;
	_ =	sdelay $0x1  }
0x35e: {  	v3 =	vmax.f32 v3, $0.0e+00  }
0x35f: {  	v3 =	vmin.f32 v3, $2.550000000e+02  }
0x360: {  	v3 =	vsel vm15, v40, v3  }
0x361: {  	[tilespmem:v41+s12+$0x0] =	vst.idx.msk $0xffff, v3  }
0x362: {  	v3 =	vld [tilespmem:$0x19050];
	_ =	sdelay $0x4  }
0x363: {  	v3 =	vadd.f32 v4, v3;
	_ =	sdelay $0x1  }
0x364: {  	v3 =	vmul.f32 v3, v31;
	_ =	sdelay $0x1  }
0x365: {  	v43 =	vld [tilespmem:$0x1FEA0];
	v3 =	vtrunc.f32 v3  }
0x366: {  	v3 =	vcvt.f32.s32 v3  }
0x367: {  	v42 =	vld [tilespmem:$0x1FE90]  }
0x368: {  	v3 =	vcvt.s32.f32 v3;
	_ =	sdelay $0x1  }
0x369: {  	v3 =	vmax.f32 v3, $0.0e+00  }
0x36a: {  	v3 =	vmin.f32 v3, $2.550000000e+02  }
0x36b: {  	v3 =	vsel vm15, v42, v3  }
0x36c: {  	[tilespmem:v43+s12+$0x0] =	vst.idx.msk $0xffff, v3  }
0x36d: {  	v3 =	vld [tilespmem:$0x19060];
	_ =	sdelay $0x4  }
0x36e: {  	v3 =	vadd.f32 v4, v3;
	_ =	sdelay $0x1  }
0x36f: {  	v3 =	vmul.f32 v3, v31;
	_ =	sdelay $0x1  }
0x370: {  	v45 =	vld [tilespmem:$0x1FEC0];
	v3 =	vtrunc.f32 v3  }
0x371: {  	v3 =	vcvt.f32.s32 v3  }
0x372: {  	v44 =	vld [tilespmem:$0x1FEB0]  }
0x373: {  	v3 =	vcvt.s32.f32 v3;
	_ =	sdelay $0x1  }
0x374: {  	v3 =	vmax.f32 v3, $0.0e+00  }
0x375: {  	v3 =	vmin.f32 v3, $2.550000000e+02  }
0x376: {  	v3 =	vsel vm15, v44, v3  }
0x377: {  	[tilespmem:v45+s12+$0x0] =	vst.idx.msk $0xffff, v3  }
0x378: {  	v3 =	vld [tilespmem:$0x19070];
	_ =	sdelay $0x4  }
0x379: {  	v3 =	vadd.f32 v4, v3;
	_ =	sdelay $0x1  }
0x37a: {  	v3 =	vmul.f32 v3, v31;
	_ =	sdelay $0x1  }
0x37b: {  	v47 =	vld [tilespmem:$0x1FEE0];
	v3 =	vtrunc.f32 v3  }
0x37c: {  	v3 =	vcvt.f32.s32 v3  }
0x37d: {  	v46 =	vld [tilespmem:$0x1FED0]  }
0x37e: {  	v3 =	vcvt.s32.f32 v3;
	_ =	sdelay $0x1  }
0x37f: {  	v3 =	vmax.f32 v3, $0.0e+00  }
0x380: {  	v3 =	vmin.f32 v3, $2.550000000e+02  }
0x381: {  	v3 =	vsel vm15, v46, v3  }
0x382: {  	[tilespmem:v47+s12+$0x0] =	vst.idx.msk $0xffff, v3  }
0x383: {  	v3 =	vld [tilespmem:$0x19080];
	_ =	sdelay $0x4  }
0x384: {  	v3 =	vadd.f32 v4, v3;
	_ =	sdelay $0x1  }
0x385: {  	v3 =	vmul.f32 v3, v31;
	_ =	sdelay $0x1  }
0x386: {  	v49 =	vld [tilespmem:$0x1FF00];
	v3 =	vtrunc.f32 v3  }
0x387: {  	v3 =	vcvt.f32.s32 v3  }
0x388: {  	v48 =	vld [tilespmem:$0x1FEF0]  }
0x389: {  	v3 =	vcvt.s32.f32 v3;
	_ =	sdelay $0x1  }
0x38a: {  	v3 =	vmax.f32 v3, $0.0e+00  }
0x38b: {  	v3 =	vmin.f32 v3, $2.550000000e+02  }
0x38c: {  	v3 =	vsel vm15, v48, v3  }
0x38d: {  	[tilespmem:v49+s12+$0x0] =	vst.idx.msk $0xffff, v3  }
0x38e: {  	v3 =	vld [tilespmem:$0x19090];
	_ =	sdelay $0x4  }
0x38f: {  	v3 =	vadd.f32 v4, v3;
	_ =	sdelay $0x1  }
0x390: {  	v3 =	vmul.f32 v3, v31;
	_ =	sdelay $0x1  }
0x391: {  	v51 =	vld [tilespmem:$0x1FF20];
	v3 =	vtrunc.f32 v3  }
0x392: {  	v3 =	vcvt.f32.s32 v3  }
0x393: {  	v50 =	vld [tilespmem:$0x1FF10]  }
0x394: {  	v3 =	vcvt.s32.f32 v3;
	_ =	sdelay $0x1  }
0x395: {  	v3 =	vmax.f32 v3, $0.0e+00  }
0x396: {  	v3 =	vmin.f32 v3, $2.550000000e+02  }
0x397: {  	v3 =	vsel vm15, v50, v3  }
0x398: {  	[tilespmem:v51+s12+$0x0] =	vst.idx.msk $0xffff, v3  }
0x399: {  	v3 =	vld [tilespmem:$0x190A0];
	_ =	sdelay $0x4  }
0x39a: {  	v3 =	vadd.f32 v4, v3;
	_ =	sdelay $0x1  }
0x39b: {  	v3 =	vmul.f32 v3, v31;
	_ =	sdelay $0x1  }
0x39c: {  	v53 =	vld [tilespmem:$0x1FF40];
	v3 =	vtrunc.f32 v3  }
0x39d: {  	v3 =	vcvt.f32.s32 v3  }
0x39e: {  	v52 =	vld [tilespmem:$0x1FF30]  }
0x39f: {  	v3 =	vcvt.s32.f32 v3;
	_ =	sdelay $0x1  }
0x3a0: {  	v3 =	vmax.f32 v3, $0.0e+00  }
0x3a1: {  	v3 =	vmin.f32 v3, $2.550000000e+02  }
0x3a2: {  	v3 =	vsel vm15, v52, v3  }
0x3a3: {  	[tilespmem:v53+s12+$0x0] =	vst.idx.msk $0xffff, v3  }
0x3a4: {  	v3 =	vld [tilespmem:$0x190B0];
	_ =	sdelay $0x4  }
0x3a5: {  	v3 =	vadd.f32 v4, v3;
	_ =	sdelay $0x1  }
0x3a6: {  	v3 =	vmul.f32 v3, v31;
	_ =	sdelay $0x1  }
0x3a7: {  	v55 =	vld [tilespmem:$0x1FF60];
	v3 =	vtrunc.f32 v3  }
0x3a8: {  	v3 =	vcvt.f32.s32 v3  }
0x3a9: {  	v54 =	vld [tilespmem:$0x1FF50]  }
0x3aa: {  	v3 =	vcvt.s32.f32 v3;
	_ =	sdelay $0x1  }
0x3ab: {  	v3 =	vmax.f32 v3, $0.0e+00  }
0x3ac: {  	v3 =	vmin.f32 v3, $2.550000000e+02  }
0x3ad: {  	v3 =	vsel vm15, v54, v3  }
0x3ae: {  	[tilespmem:v55+s12+$0x0] =	vst.idx.msk $0xffff, v3  }
0x3af: {  	v3 =	vld [tilespmem:$0x190C0];
	_ =	sdelay $0x4  }
0x3b0: {  	v3 =	vadd.f32 v4, v3;
	_ =	sdelay $0x1  }
0x3b1: {  	v3 =	vmul.f32 v3, v31;
	_ =	sdelay $0x1  }
0x3b2: {  	v57 =	vld [tilespmem:$0x1FF80];
	v3 =	vtrunc.f32 v3  }
0x3b3: {  	v3 =	vcvt.f32.s32 v3  }
0x3b4: {  	v56 =	vld [tilespmem:$0x1FF70]  }
0x3b5: {  	v3 =	vcvt.s32.f32 v3;
	_ =	sdelay $0x1  }
0x3b6: {  	v3 =	vmax.f32 v3, $0.0e+00  }
0x3b7: {  	v3 =	vmin.f32 v3, $2.550000000e+02  }
0x3b8: {  	v3 =	vsel vm15, v56, v3  }
0x3b9: {  	[tilespmem:v57+s12+$0x0] =	vst.idx.msk $0xffff, v3  }
0x3ba: {  	v3 =	vld [tilespmem:$0x190D0];
	_ =	sdelay $0x4  }
0x3bb: {  	v3 =	vadd.f32 v4, v3;
	_ =	sdelay $0x1  }
0x3bc: {  	v3 =	vmul.f32 v3, v31;
	_ =	sdelay $0x1  }
0x3bd: {  	v59 =	vld [tilespmem:$0x1FFA0];
	v3 =	vtrunc.f32 v3  }
0x3be: {  	v3 =	vcvt.f32.s32 v3  }
0x3bf: {  	v58 =	vld [tilespmem:$0x1FF90]  }
0x3c0: {  	v3 =	vcvt.s32.f32 v3;
	_ =	sdelay $0x1  }
0x3c1: {  	v3 =	vmax.f32 v3, $0.0e+00  }
0x3c2: {  	v3 =	vmin.f32 v3, $2.550000000e+02  }
0x3c3: {  	v3 =	vsel vm15, v58, v3  }
0x3c4: {  	[tilespmem:v59+s12+$0x0] =	vst.idx.msk $0xffff, v3  }
0x3c5: {  	v3 =	vld [tilespmem:$0x190E0];
	_ =	sdelay $0x4  }
0x3c6: {  	v3 =	vadd.f32 v4, v3;
	_ =	sdelay $0x1  }
0x3c7: {  	v3 =	vmul.f32 v3, v31;
	_ =	sdelay $0x1  }
0x3c8: {  	v61 =	vld [tilespmem:$0x1FFD0];
	v3 =	vtrunc.f32 v3  }
0x3c9: {  	v3 =	vcvt.f32.s32 v3  }
0x3ca: {  	v60 =	vld [tilespmem:$0x1FFB0]  }
0x3cb: {  	v3 =	vcvt.s32.f32 v3;
	_ =	sdelay $0x1  }
0x3cc: {  	v3 =	vmax.f32 v3, $0.0e+00  }
0x3cd: {  	v3 =	vmin.f32 v3, $2.550000000e+02  }
0x3ce: {  	v3 =	vsel vm15, v60, v3  }
0x3cf: {  	[tilespmem:v61+s12+$0x0] =	vst.idx.msk $0xffff, v3  }
0x3d0: {  	v3 =	vld [tilespmem:$0x190F0];
	_ =	sdelay $0x4  }
0x3d1: {  	v3 =	vadd.f32 v4, v3;
	_ =	sdelay $0x1  }
0x3d2: {  	v3 =	vmul.f32 v3, v31;
	_ =	sdelay $0x1  }
0x3d3: {  	v63 =	vld [tilespmem:$0x1FFF0];
	v3 =	vtrunc.f32 v3  }
0x3d4: {  	v3 =	vcvt.f32.s32 v3  }
0x3d5: {  	v62 =	vld [tilespmem:$0x1FFE0]  }
0x3d6: {  	v3 =	vcvt.s32.f32 v3;
	_ =	sdelay $0x1  }
0x3d7: {  	s30 =	rddreg [dreg:$0x1];
	v3 =	vmax.f32 v3, $0.0e+00  }
0x3d8: {  	s14 =	simm.s32 $0x0;
	s31 =	rddreg [dreg:$0x8];
	v3 =	vmin.f32 v3, $2.550000000e+02  }
0x3d9: {  	s19 =	sadd.s32 s30, s31;
	s20 =	simm.s32 $0x0;
	s21 =	simm.s32 $0x8000;
	v3 =	vsel vm15, v62, v3  }
0x3da: {  	s22 =	simm.s32 $0x0;
	s25 =	simm.s32 $0x4000;
	s26 =	simm.s32 $0x6000;
	[tilespmem:v63+s12+$0x0] =	vst.idx.msk $0xffff, v3  }
.LBB2_11:
0x3db: {  	p0 =	seq.s32 s22, $0x0;
	v36 =	vmov s21  }
0x3dc: {  	s0 =	simm.s32 @!p0 $0x3  }
0x3dd: {  	_ =	swait.ge @!p0 [sflag:s0], $0x2000  }
0x3de: {  	[sflag:s0] =	ssyncset.done @!p0 $0x0  }
0x3df: {  	s28 =	simm.s32 $0x0;
	[sflag:s0] =	ssyncadd.s32 @!p0 $0xFFFFE000  }
0x3e0: {  	v3 =	vld.idx.msk [tilespmem:v36+s28+$0x10 ss:$0x1], $0xffff;
	_ =	sdelay $0x1  }
0x3e1: {  	s29 =	simm.s32 $0x20  }
0x3e2: {  	v5 =	vld.idx.msk [tilespmem:v36+s29+$0x10 ss:$0x1], $0xffff;
	_ =	sdelay $0x1  }
0x3e3: {  	v6 =	vld.idx.msk [tilespmem:v36+s28+$0x0 ss:$0x1], $0xffff;
	v4 =	vand.u32 $0xFF, v3;
	_ =	sdelay $0x2  }
0x3e4: {  	v11 =	vand.u32 $0xFF, v5  }
0x3e5: {  	v9 =	vld.idx.msk [tilespmem:v36+s29+$0x0 ss:$0x1], $0xffff  }
0x3e6: {  	v7 =	vshrl.u32 v3, $0x8;
	v8 =	vand.u32 $0xFF, v6;
	v4 =	vld.idx.msk [tilespmem:v4+s12+$0x0], $0xffff  }
0x3e7: {  	s1 =	sand.u32 $0x1000, s20;
	s2 =	sand.u32 $0xC00, s20;
	s3 =	sand.u32 $0x3000, s20;
	v7 =	vand.u32 $0xFF, v7  }
0x3e8: {  	s30 =	sand.u32 $0x380, s20;
	s1 =	sor.u32 $0x4000, s1;
	s3 =	sshrl.u32 s3, $0x2  }
0x3e9: {  	s4 =	simm.s32 $0x80;
	s2 =	sor.u32 s2, s1;
	s1 =	sor.u32 s3, s1;
	v14 =	vshrl.u32 v5, $0x8;
	v11 =	vld.idx.msk [tilespmem:v11+s12+$0x0], $0xffff  }
0x3ea: {  	s3 =	sand.u32 $0x1000, s4;
	s4 =	simm.s32 $0x400;
	s5 =	sor.u32 s30, s2;
	v14 =	vand.u32 $0xFF, v14  }
0x3eb: {  	s6 =	simm.s32 $0x20;
	s2 =	sor.u32 $0x4000, s3;
	s3 =	sand.u32 $0xC00, s4;
	v13 =	vand.u32 $0xFF, v9;
	v8 =	vld.idx.msk [tilespmem:v8+s12+$0x0], $0xffff;
	[tilespmem:s5+$0x40] =	vst v4  }
0x3ec: {  	s31 =	simm.s32 $0x40;
	s7 =	sand.u32 $0x380, s6;
	s3 =	sor.u32 s3, s2;
	v4 =	vld.idx.msk [tilespmem:v7+s12+$0x0], $0xffff;
	v7 =	vshrl.u32 v3, $0x10  }
0x3ed: {  	v10 =	vld.idx.msk [tilespmem:v36+s31+$0x10 ss:$0x1], $0xffff;
	s17 =	sor.u32 s7, s3;
	v7 =	vand.u32 $0xFF, v7  }
0x3ee: {  	v17 =	vld.idx.msk [tilespmem:v36+s31+$0x0 ss:$0x1], $0xffff;
	v12 =	vshrl.u32 v6, $0x8;
	[tilespmem:s17+$0x40] =	vst v11  }
0x3ef: {  	s0 =	sor.u32 s30, s1;
	v12 =	vand.u32 $0xFF, v12;
	v11 =	vld.idx.msk [tilespmem:v14+s12+$0x0], $0xffff;
	v14 =	vshrl.u32 v5, $0x10  }
0x3f0: {  	s8 =	simm.s32 $0x1000;
	[tilespmem:s0+$0x0] =	vst v8;
	v8 =	vld.idx.msk [tilespmem:v13+s12+$0x0], $0xffff;
	v14 =	vand.u32 $0xFF, v14  }
0x3f1: {  	s3 =	sand.u32 $0x3000, s8;
	[tilespmem:s5+$0x50] =	vst v4  }
0x3f2: {  	s9 =	simm.s32 $0x60;
	s3 =	sshrl.u32 s3, $0x2;
	v4 =	vld.idx.msk [tilespmem:v7+s12+$0x0], $0xffff;
	v7 =	vand.u32 $0xFF, v10  }
0x3f3: {  	v37 =	vld.idx.msk [tilespmem:v36+s9+$0x10 ss:$0x1], $0xffff;
	s2 =	sor.u32 s3, s2;
	v3 =	vshrl.u32 v3, $0x18  }
0x3f4: {  	s1 =	sor.u32 s7, s2;
	v15 =	vshrl.u32 v9, $0x8;
	v13 =	vand.u32 $0xFF, v17;
	v12 =	vld.idx.msk [tilespmem:v12+s12+$0x0], $0xffff;
	[tilespmem:s17+$0x50] =	vst v11  }
0x3f5: {  	v15 =	vand.u32 $0xFF, v15;
	[tilespmem:s1+$0x0] =	vst v8;
	v8 =	vld.idx.msk [tilespmem:v14+s12+$0x0], $0xffff  }
0x3f6: {  	v19 =	vld.idx.msk [tilespmem:v36+s9+$0x0 ss:$0x1], $0xffff;
	v16 =	vshrl.u32 v6, $0x10;
	v5 =	vshrl.u32 v5, $0x18  }
0x3f7: {  	s6 =	simm.s32 $0x100;
	v7 =	vld.idx.msk [tilespmem:v7+s12+$0x0], $0xffff;
	[tilespmem:s5+$0x60] =	vst v4;
	v4 =	vand.u32 $0xFF, v16;
	v16 =	vshrl.u32 v10, $0x8  }
0x3f8: {  	s15 =	simm.s32 $0x800;
	s13 =	sand.u32 $0x1000, s6;
	v18 =	vld.idx.msk [tilespmem:v3+s12+$0x0], $0xffff;
	v3 =	vand.u32 $0xFF, v16  }
0x3f9: {  	s23 =	simm.s32 $0x40;
	s18 =	sand.u32 $0xC00, s15;
	s16 =	sor.u32 $0x4000, s13;
	v13 =	vld.idx.msk [tilespmem:v13+s12+$0x0], $0xffff;
	[tilespmem:s0+$0x10] =	vst v12  }
0x3fa: {  	s24 =	simm.s32 $0x2000;
	s3 =	sand.u32 $0x380, s23;
	s2 =	sor.u32 s18, s16;
	v11 =	vand.u32 $0xFF, v37;
	v12 =	vld.idx.msk [tilespmem:v15+s12+$0x0], $0xffff;
	[tilespmem:s17+$0x60] =	vst v8  }
0x3fb: {  	s6 =	sand.u32 $0x3000, s24;
	s2 =	sor.u32 s3, s2;
	v14 =	vand.u32 $0xFF, v19;
	v22 =	vld.idx.msk [tilespmem:v5+s12+$0x0], $0xffff  }
0x3fc: {  	s6 =	sshrl.u32 s6, $0x2;
	v20 =	vshrl.u32 v9, $0x10;
	[tilespmem:s2+$0x40] =	vst v7;
	v7 =	vld.idx.msk [tilespmem:v4+s12+$0x0], $0xffff  }
0x3fd: {  	s4 =	sor.u32 s6, s16;
	s7 =	simm.s32 $0x80;
	v20 =	vand.u32 $0xFF, v20;
	v15 =	vshrl.u32 v10, $0x10;
	v4 =	vld.idx.msk [tilespmem:v3+s12+$0x0], $0xffff  }
0x3fe: {  	s4 =	sor.u32 s3, s4;
	v15 =	vand.u32 $0xFF, v15;
	v16 =	vshrl.u32 v17, $0x8;
	v3 =	vld.idx.msk [tilespmem:v36+s7+$0x10 ss:$0x1], $0xffff  }
0x3ff: {  	s8 =	simm.s32 $0x180;
	[tilespmem:s4+$0x0] =	vst v13;
	v21 =	vld.idx.msk [tilespmem:v11+s12+$0x0], $0xffff;
	v8 =	vshrl.u32 v37, $0x8;
	v16 =	vand.u32 $0xFF, v16  }
0x400: {  	s15 =	simm.s32 $0xC00;
	s6 =	simm.s32 $0x3000;
	s28 =	sand.u32 $0x1000, s8;
	[tilespmem:s1+$0x10] =	vst v12;
	v13 =	vld.idx.msk [tilespmem:v14+s12+$0x0], $0xffff;
	v23 =	vand.u32 $0xFF, v8  }
0x401: {  	s29 =	sand.u32 $0xC00, s15;
	s16 =	simm.s32 $0x60;
	s3 =	sor.u32 $0x4000, s28;
	v11 =	vshrl.u32 v6, $0x18;
	v5 =	vld.idx.msk [tilespmem:v36+s7+$0x0 ss:$0x1], $0xffff;
	[tilespmem:s5+$0x70] =	vst v18  }
0x402: {  	s30 =	sand.u32 $0x3000, s6;
	s31 =	sand.u32 $0x380, s16;
	v6 =	vshrl.u32 v17, $0x10;
	v14 =	vld.idx.msk [tilespmem:v20+s12+$0x0], $0xffff;
	v10 =	vshrl.u32 v10, $0x18;
	s5 =	sor.u32 s29, s3;
	[tilespmem:s2+$0x50] =	vst v4  }
0x403: {  	v8 =	vand.u32 $0xFF, v6;
	v6 =	vshrl.u32 v19, $0x8;
	s7 =	sshrl.u32 s30, $0x2;
	[tilespmem:s17+$0x70] =	vst v22;
	s5 =	sor.u32 s31, s5;
	v18 =	vand.u32 $0xFF, v3;
	v15 =	vld.idx.msk [tilespmem:v15+s12+$0x0], $0xffff  }
0x404: {  	s24 =	simm.s32 $0x280;
	v12 =	vand.u32 $0xFF, v6;
	v16 =	vld.idx.msk [tilespmem:v16+s12+$0x0], $0xffff;
	s3 =	sor.u32 s7, s3;
	[tilespmem:s5+$0x40] =	vst v21;
	v4 =	vshrl.u32 v9, $0x18;
	v9 =	vshrl.u32 v19, $0x10  }
0x405: {  	s23 =	sshll.u32 s22, $0x1;
	s18 =	simm.s32 $0x200;
	v6 =	vshrl.u32 v19, $0x18;
	s7 =	sor.u32 s31, s3;
	[tilespmem:s0+$0x20] =	vst v7;
	v7 =	vshrl.u32 v17, $0x18;
	v17 =	vld.idx.msk [tilespmem:v23+s12+$0x0], $0xffff;
	v9 =	vand.u32 $0xFF, v9  }
.LBB2_12:
0x406: {  	s3 =	sshra.s32 s24, $0x2;
	p1 =	slt.u32 s24, $0x1F80;
	v19 =	vand.u32 $0xFF, v5;
	v20 =	vshrl.u32 v5, $0x8;
	v21 =	vshrl.u32 v37, $0x10;
	v22 =	vld.idx.msk [tilespmem:v11+s12+$0x0], $0xffff;
	v11 =	vmovc v4;
	v4 =	vmovc v7;
	s8 =	smov.u32 s18  }
0x407: {  	v24 =	vshrl.u32 v5, $0x10;
	v7 =	vmovc v6;
	s18 =	smov.u32 s24;
	v23 =	vld.idx.msk [tilespmem:v36+s3+$0x10 ss:$0x1], $0xffff;
	v20 =	vand.u32 $0xFF, v20;
	[tilespmem:s7+$0x0] =	vst v13;
	v21 =	vand.u32 $0xFF, v21  }
0x408: {  	v6 =	vshrl.u32 v5, $0x18;
	s6 =	sadd.s32 $0x1000, s6;
	v24 =	vand.u32 $0xFF, v24;
	v25 =	vld.idx.msk [tilespmem:v18+s12+$0x0], $0xffff;
	[tilespmem:s2+$0x60] =	vst v15  }
0x409: {  	s15 =	sadd.s32 $0x400, s15;
	s9 =	sand.u32 $0x3000, s6;
	v13 =	vshrl.u32 v3, $0x8;
	[tilespmem:s4+$0x10] =	vst v16;
	v26 =	vld.idx.msk [tilespmem:v10+s12+$0x0], $0xffff  }
0x40a: {  	s16 =	sadd.s32 $0x20, s16;
	v27 =	vand.u32 $0xFF, v13;
	v5 =	vld.idx.msk [tilespmem:v36+s3+$0x0 ss:$0x1], $0xffff;
	s3 =	sand.u32 $0x1000, s8;
	s8 =	sshrl.u32 s9, $0x2;
	[tilespmem:s1+$0x20] =	vst v14  }
.Ltmp4:
0x40b: {  	s9 =	sand.u32 $0xC00, s15;
	v13 =	vld.idx.msk [tilespmem:v19+s12+$0x0], $0xffff;
	s3 =	sor.u32 $0x4000, s3;
	[tilespmem:s5+$0x50] =	vst v17;
	(pc) =	sbr.rel @p1 .LBB2_12-.Ltmp4, $4  }
0x40c: {  	s13 =	sand.u32 $0x380, s16;
	s8 =	sor.u32 s8, s3;
	s3 =	sor.u32 s9, s3;
	v15 =	vld.idx.msk [tilespmem:v21+s12+$0x0], $0xffff;
	[tilespmem:s0+$0x30] =	vst v22  }
0x40d: {  	v18 =	vand.u32 $0xFF, v23;
	s0 =	smov.u32 s1;
	s8 =	sor.u32 s13, s8;
	s3 =	sor.u32 s13, s3;
	v16 =	vld.idx.msk [tilespmem:v12+s12+$0x0], $0xffff;
	v12 =	vmov v20  }
0x40e: {  	v10 =	vshrl.u32 v37, $0x18;
	v37 =	vmovc v3;
	v3 =	vmovc v23;
	s1 =	smov.u32 s4;
	s4 =	smov.u32 s7;
	[tilespmem:s3+$0x40] =	vst v25;
	v14 =	vld.idx.msk [tilespmem:v8+s12+$0x0], $0xffff;
	v8 =	vmov v9;
	v9 =	vmov v24;
	s7 =	smov.u32 s8  }
0x40f: {  	s24 =	sadd.s32 $0x80, s24;
	v17 =	vld.idx.msk [tilespmem:v27+s12+$0x0], $0xffff;
	[tilespmem:s2+$0x70] =	vst v26;
	s2 =	smov.u32 s5;
	s5 =	smov.u32 s3  }
0x410: {  	v19 =	vand.u32 $0xFF, v5;
	_ =	sdelay $0x3  }
0x411: {  	v18 =	vld.idx.msk [tilespmem:v18+s12+$0x0], $0xffff;
	v20 =	vshrl.u32 v3, $0x8;
	s3 =	sadd.s32 $0x1000, s6  }
0x412: {  	s31 =	sand.u32 $0x1000, s18;
	s8 =	sadd.s32 $0x400, s15;
	v21 =	vshrl.u32 v5, $0x8;
	s9 =	sadd.s32 $0x20, s16;
	v20 =	vand.u32 $0xFF, v20;
	v19 =	vld.idx.msk [tilespmem:v19+s12+$0x0], $0xffff  }
0x413: {  	[tilespmem:s7+$0x0] =	vst v13;
	s6 =	sor.u32 $0x4000, s31;
	s8 =	sand.u32 $0xC00, s8;
	v21 =	vand.u32 $0xFF, v21;
	s3 =	sand.u32 $0x3000, s3  }
0x414: {  	s9 =	sand.u32 $0x380, s9;
	[tilespmem:s2+$0x60] =	vst v15;
	s8 =	sor.u32 s8, s6;
	s3 =	sshrl.u32 s3, $0x2  }
0x415: {  	v13 =	vshrl.u32 v37, $0x10;
	v11 =	vld.idx.msk [tilespmem:v11+s12+$0x0], $0xffff;
	[tilespmem:s4+$0x10] =	vst v16;
	s8 =	sor.u32 s9, s8;
	s3 =	sor.u32 s3, s6  }
0x416: {  	v13 =	vand.u32 $0xFF, v13;
	v12 =	vld.idx.msk [tilespmem:v12+s12+$0x0], $0xffff;
	s3 =	sor.u32 s9, s3;
	[tilespmem:s8+$0x40] =	vst v18  }
0x417: {  	v16 =	vshrl.u32 v3, $0x10;
	v15 =	vld.idx.msk [tilespmem:v20+s12+$0x0], $0xffff;
	[tilespmem:s3+$0x0] =	vst v19  }
0x418: {  	v16 =	vand.u32 $0xFF, v16;
	[tilespmem:s1+$0x20] =	vst v14;
	v18 =	vshrl.u32 v5, $0x10;
	v14 =	vld.idx.msk [tilespmem:v21+s12+$0x0], $0xffff  }
0x419: {  	v10 =	vld.idx.msk [tilespmem:v10+s12+$0x0], $0xffff;
	[tilespmem:s5+$0x50] =	vst v17;
	v18 =	vand.u32 $0xFF, v18  }
0x41a: {  	v8 =	vld.idx.msk [tilespmem:v8+s12+$0x0], $0xffff;
	[tilespmem:s0+$0x30] =	vst v11  }
0x41b: {  	v13 =	vld.idx.msk [tilespmem:v13+s12+$0x0], $0xffff;
	[tilespmem:s7+$0x10] =	vst v12  }
0x41c: {  	v11 =	vshrl.u32 v37, $0x18;
	v9 =	vld.idx.msk [tilespmem:v9+s12+$0x0], $0xffff;
	[tilespmem:s8+$0x50] =	vst v15  }
0x41d: {  	v12 =	vld.idx.msk [tilespmem:v16+s12+$0x0], $0xffff;
	[tilespmem:s3+$0x10] =	vst v14  }
0x41e: {  	v3 =	vshrl.u32 v3, $0x18;
	[tilespmem:s2+$0x70] =	vst v10;
	v10 =	vld.idx.msk [tilespmem:v18+s12+$0x0], $0xffff  }
0x41f: {  	v4 =	vld.idx.msk [tilespmem:v4+s12+$0x0], $0xffff;
	v5 =	vshrl.u32 v5, $0x18;
	[tilespmem:s4+$0x20] =	vst v8  }
0x420: {  	v7 =	vld.idx.msk [tilespmem:v7+s12+$0x0], $0xffff;
	[tilespmem:s5+$0x60] =	vst v13  }
0x421: {  	v11 =	vld.idx.msk [tilespmem:v11+s12+$0x0], $0xffff;
	[tilespmem:s7+$0x20] =	vst v9  }
0x422: {  	v6 =	vld.idx.msk [tilespmem:v6+s12+$0x0], $0xffff;
	[tilespmem:s8+$0x60] =	vst v12  }
0x423: {  	v3 =	vld.idx.msk [tilespmem:v3+s12+$0x0], $0xffff;
	[tilespmem:s3+$0x20] =	vst v10  }
0x424: {  	[tilespmem:s1+$0x30] =	vst v4;
	v4 =	vld.idx.msk [tilespmem:v5+s12+$0x0], $0xffff  }
0x425: {  	[tilespmem:s4+$0x30] =	vst v7  }
0x426: {  	[tilespmem:s5+$0x70] =	vst v11  }
0x427: {  	[tilespmem:s7+$0x30] =	vst v6  }
0x428: {  	s4 =	sshll.u32 s22, $0xB;
	[tilespmem:s8+$0x70] =	vst v3  }
0x429: {  	s0 =	sadd.s32 s4, s19;
	[tilespmem:s3+$0x30] =	vst v4  }
0x42a: {  	[hbm4b:s0+s14] =	stream.linear.scatter [tilespmem:s25], [sflag:$0x3], $0x2000, $0x38;
	[tilespmem:$0x19280] =	vst v63  }
0x42b: {  	s0 =	simm.s32 @!p0 $0x4  }
0x42c: {  	_ =	swait.ge @!p0 [sflag:s0], $0x2000  }
0x42d: {  	[sflag:s0] =	ssyncset.done @!p0 $0x0  }
0x42e: {  	s5 =	simm.s32 $0x0;
	[sflag:s0] =	ssyncadd.s32 @!p0 $0xFFFFE000  }
0x42f: {  	v3 =	vld.idx.msk [tilespmem:v36+s5+$0x810 ss:$0x1], $0xffff;
	_ =	sdelay $0x1  }
0x430: {  	s6 =	simm.s32 $0x20  }
0x431: {  	v5 =	vld.idx.msk [tilespmem:v36+s6+$0x810 ss:$0x1], $0xffff;
	_ =	sdelay $0x1  }
0x432: {  	v6 =	vld.idx.msk [tilespmem:v36+s5+$0x800 ss:$0x1], $0xffff;
	v4 =	vand.u32 $0xFF, v3;
	_ =	sdelay $0x2  }
0x433: {  	v11 =	vand.u32 $0xFF, v5  }
0x434: {  	v9 =	vld.idx.msk [tilespmem:v36+s6+$0x800 ss:$0x1], $0xffff  }
0x435: {  	s7 =	simm.s32 $0x0;
	v7 =	vshrl.u32 v3, $0x8;
	v8 =	vand.u32 $0xFF, v6;
	v4 =	vld.idx.msk [tilespmem:v4+s12+$0x0], $0xffff  }
0x436: {  	s16 =	simm.s32 $0x80;
	s18 =	simm.s32 $0x400;
	s8 =	sand.u32 $0x1000, s7;
	v7 =	vand.u32 $0xFF, v7  }
0x437: {  	s24 =	simm.s32 $0x20;
	s9 =	sand.u32 $0xC00, s7;
	s2 =	sor.u32 $0x6000, s8  }
0x438: {  	s13 =	sand.u32 $0x380, s7;
	s1 =	sand.u32 $0x3000, s7;
	s3 =	sor.u32 s9, s2;
	v14 =	vshrl.u32 v5, $0x8;
	v11 =	vld.idx.msk [tilespmem:v11+s12+$0x0], $0xffff  }
0x439: {  	s17 =	sand.u32 $0x1000, s16;
	s1 =	sshrl.u32 s1, $0x2;
	s5 =	sor.u32 s13, s3;
	v14 =	vand.u32 $0xFF, v14  }
0x43a: {  	s1 =	sor.u32 s1, s2;
	s2 =	sor.u32 $0x6000, s17;
	s3 =	sand.u32 $0xC00, s18;
	v13 =	vand.u32 $0xFF, v9;
	v8 =	vld.idx.msk [tilespmem:v8+s12+$0x0], $0xffff;
	[tilespmem:s5+$0x40] =	vst v4  }
0x43b: {  	s15 =	simm.s32 $0x40;
	s28 =	sand.u32 $0x380, s24;
	s3 =	sor.u32 s3, s2;
	v4 =	vld.idx.msk [tilespmem:v7+s12+$0x0], $0xffff;
	v7 =	vshrl.u32 v3, $0x10  }
0x43c: {  	v10 =	vld.idx.msk [tilespmem:v36+s15+$0x810 ss:$0x1], $0xffff;
	s24 =	sor.u32 s28, s3;
	v7 =	vand.u32 $0xFF, v7  }
0x43d: {  	v17 =	vld.idx.msk [tilespmem:v36+s15+$0x800 ss:$0x1], $0xffff;
	v12 =	vshrl.u32 v6, $0x8;
	[tilespmem:s24+$0x40] =	vst v11  }
0x43e: {  	s0 =	sor.u32 s13, s1;
	v12 =	vand.u32 $0xFF, v12;
	v11 =	vld.idx.msk [tilespmem:v14+s12+$0x0], $0xffff;
	v14 =	vshrl.u32 v5, $0x10  }
0x43f: {  	s29 =	simm.s32 $0x1000;
	[tilespmem:s0+$0x0] =	vst v8;
	v8 =	vld.idx.msk [tilespmem:v13+s12+$0x0], $0xffff;
	v14 =	vand.u32 $0xFF, v14  }
0x440: {  	s3 =	sand.u32 $0x3000, s29;
	[tilespmem:s5+$0x50] =	vst v4  }
0x441: {  	s30 =	simm.s32 $0x60;
	s3 =	sshrl.u32 s3, $0x2;
	v4 =	vld.idx.msk [tilespmem:v7+s12+$0x0], $0xffff;
	v7 =	vand.u32 $0xFF, v10  }
0x442: {  	v37 =	vld.idx.msk [tilespmem:v36+s30+$0x810 ss:$0x1], $0xffff;
	s2 =	sor.u32 s3, s2;
	v3 =	vshrl.u32 v3, $0x18  }
0x443: {  	v15 =	vshrl.u32 v9, $0x8;
	s1 =	sor.u32 s28, s2;
	v13 =	vand.u32 $0xFF, v17;
	v12 =	vld.idx.msk [tilespmem:v12+s12+$0x0], $0xffff;
	[tilespmem:s24+$0x50] =	vst v11  }
0x444: {  	v15 =	vand.u32 $0xFF, v15;
	[tilespmem:s1+$0x0] =	vst v8;
	v8 =	vld.idx.msk [tilespmem:v14+s12+$0x0], $0xffff  }
0x445: {  	v19 =	vld.idx.msk [tilespmem:v36+s30+$0x800 ss:$0x1], $0xffff;
	v16 =	vshrl.u32 v6, $0x10;
	v5 =	vshrl.u32 v5, $0x18  }
0x446: {  	s31 =	simm.s32 $0x100;
	v7 =	vld.idx.msk [tilespmem:v7+s12+$0x0], $0xffff;
	[tilespmem:s5+$0x60] =	vst v4;
	v4 =	vand.u32 $0xFF, v16;
	v16 =	vshrl.u32 v10, $0x8  }
0x447: {  	s7 =	simm.s32 $0x800;
	s6 =	sand.u32 $0x1000, s31;
	v18 =	vld.idx.msk [tilespmem:v3+s12+$0x0], $0xffff;
	v3 =	vand.u32 $0xFF, v16  }
0x448: {  	s9 =	sand.u32 $0xC00, s7;
	s13 =	simm.s32 $0x40;
	s8 =	sor.u32 $0x6000, s6;
	v13 =	vld.idx.msk [tilespmem:v13+s12+$0x0], $0xffff;
	[tilespmem:s0+$0x10] =	vst v12  }
0x449: {  	s15 =	simm.s32 $0x2000;
	s3 =	sand.u32 $0x380, s13;
	s2 =	sor.u32 s9, s8;
	v11 =	vand.u32 $0xFF, v37;
	v12 =	vld.idx.msk [tilespmem:v15+s12+$0x0], $0xffff;
	[tilespmem:s24+$0x60] =	vst v8  }
0x44a: {  	s6 =	sand.u32 $0x3000, s15;
	s2 =	sor.u32 s3, s2;
	v14 =	vand.u32 $0xFF, v19;
	v22 =	vld.idx.msk [tilespmem:v5+s12+$0x0], $0xffff  }
0x44b: {  	s6 =	sshrl.u32 s6, $0x2;
	v20 =	vshrl.u32 v9, $0x10;
	[tilespmem:s2+$0x40] =	vst v7;
	v7 =	vld.idx.msk [tilespmem:v4+s12+$0x0], $0xffff  }
0x44c: {  	s16 =	simm.s32 $0x80;
	s4 =	sor.u32 s6, s8;
	v20 =	vand.u32 $0xFF, v20;
	v15 =	vshrl.u32 v10, $0x10;
	v4 =	vld.idx.msk [tilespmem:v3+s12+$0x0], $0xffff  }
0x44d: {  	s4 =	sor.u32 s3, s4;
	v15 =	vand.u32 $0xFF, v15;
	v16 =	vshrl.u32 v17, $0x8;
	v3 =	vld.idx.msk [tilespmem:v36+s16+$0x810 ss:$0x1], $0xffff  }
0x44e: {  	s17 =	simm.s32 $0x180;
	[tilespmem:s4+$0x0] =	vst v13;
	v63 =	vld.idx.msk [tilespmem:v11+s12+$0x0], $0xffff;
	v8 =	vshrl.u32 v37, $0x8;
	v16 =	vand.u32 $0xFF, v16  }
0x44f: {  	s18 =	sand.u32 $0x1000, s17;
	s15 =	simm.s32 $0xC00;
	s6 =	simm.s32 $0x3000;
	[tilespmem:s1+$0x10] =	vst v12;
	v13 =	vld.idx.msk [tilespmem:v14+s12+$0x0], $0xffff;
	v23 =	vand.u32 $0xFF, v8  }
0x450: {  	s28 =	sand.u32 $0xC00, s15;
	s3 =	sor.u32 $0x6000, s18;
	v11 =	vshrl.u32 v6, $0x18;
	v5 =	vld.idx.msk [tilespmem:v36+s16+$0x800 ss:$0x1], $0xffff;
	[tilespmem:s5+$0x70] =	vst v18;
	s16 =	simm.s32 $0x60  }
0x451: {  	s29 =	sand.u32 $0x3000, s6;
	v6 =	vshrl.u32 v17, $0x10;
	v14 =	vld.idx.msk [tilespmem:v20+s12+$0x0], $0xffff;
	v10 =	vshrl.u32 v10, $0x18;
	s5 =	sor.u32 s28, s3;
	s30 =	sand.u32 $0x380, s16;
	[tilespmem:s2+$0x50] =	vst v4  }
0x452: {  	s31 =	sshrl.u32 s29, $0x2;
	v8 =	vand.u32 $0xFF, v6;
	v6 =	vshrl.u32 v19, $0x8;
	[tilespmem:s24+$0x70] =	vst v22;
	s7 =	sor.u32 s30, s5;
	v18 =	vand.u32 $0xFF, v3;
	v15 =	vld.idx.msk [tilespmem:v15+s12+$0x0], $0xffff  }
0x453: {  	s18 =	simm.s32 $0x200;
	v12 =	vand.u32 $0xFF, v6;
	s3 =	sor.u32 s31, s3;
	v16 =	vld.idx.msk [tilespmem:v16+s12+$0x0], $0xffff;
	[tilespmem:s7+$0x40] =	vst v63;
	v4 =	vshrl.u32 v9, $0x18;
	v9 =	vshrl.u32 v19, $0x10  }
0x454: {  	v6 =	vshrl.u32 v19, $0x18;
	s5 =	sor.u32 $0x1, s23;
	s17 =	sor.u32 s30, s3;
	s23 =	simm.s32 $0x280;
	[tilespmem:s0+$0x20] =	vst v7;
	v7 =	vshrl.u32 v17, $0x18;
	v17 =	vld.idx.msk [tilespmem:v23+s12+$0x0], $0xffff;
	v9 =	vand.u32 $0xFF, v9  }
.LBB2_14:
0x455: {  	s3 =	sshra.s32 s23, $0x2;
	p0 =	slt.u32 s23, $0x1F80;
	v19 =	vand.u32 $0xFF, v5;
	v20 =	vshrl.u32 v5, $0x8;
	v21 =	vshrl.u32 v37, $0x10;
	v22 =	vld.idx.msk [tilespmem:v11+s12+$0x0], $0xffff;
	v11 =	vmovc v4;
	v4 =	vmovc v7;
	s8 =	smov.u32 s18  }
0x456: {  	v24 =	vshrl.u32 v5, $0x10;
	v7 =	vmovc v6;
	s18 =	smov.u32 s23;
	v23 =	vld.idx.msk [tilespmem:v36+s3+$0x810 ss:$0x1], $0xffff;
	v20 =	vand.u32 $0xFF, v20;
	[tilespmem:s17+$0x0] =	vst v13;
	v21 =	vand.u32 $0xFF, v21  }
0x457: {  	v6 =	vshrl.u32 v5, $0x18;
	s6 =	sadd.s32 $0x1000, s6;
	v24 =	vand.u32 $0xFF, v24;
	v25 =	vld.idx.msk [tilespmem:v18+s12+$0x0], $0xffff;
	[tilespmem:s2+$0x60] =	vst v15  }
0x458: {  	s15 =	sadd.s32 $0x400, s15;
	s9 =	sand.u32 $0x3000, s6;
	v13 =	vshrl.u32 v3, $0x8;
	[tilespmem:s4+$0x10] =	vst v16;
	v26 =	vld.idx.msk [tilespmem:v10+s12+$0x0], $0xffff  }
0x459: {  	s16 =	sadd.s32 $0x20, s16;
	v27 =	vand.u32 $0xFF, v13;
	v5 =	vld.idx.msk [tilespmem:v36+s3+$0x800 ss:$0x1], $0xffff;
	s3 =	sand.u32 $0x1000, s8;
	s8 =	sshrl.u32 s9, $0x2;
	[tilespmem:s1+$0x20] =	vst v14  }
.Ltmp5:
0x45a: {  	s9 =	sand.u32 $0xC00, s15;
	v13 =	vld.idx.msk [tilespmem:v19+s12+$0x0], $0xffff;
	s3 =	sor.u32 $0x6000, s3;
	[tilespmem:s7+$0x50] =	vst v17;
	(pc) =	sbr.rel @p0 .LBB2_14-.Ltmp5, $4  }
0x45b: {  	s13 =	sand.u32 $0x380, s16;
	s8 =	sor.u32 s8, s3;
	s3 =	sor.u32 s9, s3;
	v15 =	vld.idx.msk [tilespmem:v21+s12+$0x0], $0xffff;
	[tilespmem:s0+$0x30] =	vst v22  }
0x45c: {  	v18 =	vand.u32 $0xFF, v23;
	s0 =	smov.u32 s1;
	s8 =	sor.u32 s13, s8;
	s3 =	sor.u32 s13, s3;
	v16 =	vld.idx.msk [tilespmem:v12+s12+$0x0], $0xffff;
	v12 =	vmov v20  }
0x45d: {  	v10 =	vshrl.u32 v37, $0x18;
	v37 =	vmovc v3;
	v3 =	vmovc v23;
	s1 =	smov.u32 s4;
	s4 =	smov.u32 s17;
	[tilespmem:s3+$0x40] =	vst v25;
	v14 =	vld.idx.msk [tilespmem:v8+s12+$0x0], $0xffff;
	v8 =	vmov v9;
	v9 =	vmov v24;
	s17 =	smov.u32 s8  }
0x45e: {  	s23 =	sadd.s32 $0x80, s23;
	v17 =	vld.idx.msk [tilespmem:v27+s12+$0x0], $0xffff;
	[tilespmem:s2+$0x70] =	vst v26;
	s2 =	smov.u32 s7;
	s7 =	smov.u32 s3  }
0x45f: {  	v19 =	vand.u32 $0xFF, v5;
	_ =	sdelay $0x3  }
0x460: {  	v18 =	vld.idx.msk [tilespmem:v18+s12+$0x0], $0xffff;
	v20 =	vshrl.u32 v3, $0x8;
	s3 =	sadd.s32 $0x1000, s6  }
0x461: {  	s30 =	sand.u32 $0x1000, s18;
	s8 =	sadd.s32 $0x400, s15;
	v21 =	vshrl.u32 v5, $0x8;
	s9 =	sadd.s32 $0x20, s16;
	v20 =	vand.u32 $0xFF, v20;
	v19 =	vld.idx.msk [tilespmem:v19+s12+$0x0], $0xffff  }
0x462: {  	[tilespmem:s17+$0x0] =	vst v13;
	s6 =	sor.u32 $0x6000, s30;
	s8 =	sand.u32 $0xC00, s8;
	v21 =	vand.u32 $0xFF, v21;
	s3 =	sand.u32 $0x3000, s3  }
0x463: {  	s9 =	sand.u32 $0x380, s9;
	[tilespmem:s2+$0x60] =	vst v15;
	s8 =	sor.u32 s8, s6;
	s3 =	sshrl.u32 s3, $0x2  }
0x464: {  	v54 =	vshrl.u32 v37, $0x10;
	v11 =	vld.idx.msk [tilespmem:v11+s12+$0x0], $0xffff;
	[tilespmem:s4+$0x10] =	vst v16;
	s8 =	sor.u32 s9, s8;
	s3 =	sor.u32 s3, s6  }
0x465: {  	v13 =	vand.u32 $0xFF, v54;
	v12 =	vld.idx.msk [tilespmem:v12+s12+$0x0], $0xffff;
	s3 =	sor.u32 s9, s3;
	[tilespmem:s8+$0x40] =	vst v18  }
0x466: {  	v56 =	vshrl.u32 v3, $0x10;
	v55 =	vld.idx.msk [tilespmem:v20+s12+$0x0], $0xffff;
	[tilespmem:s3+$0x0] =	vst v19  }
0x467: {  	v57 =	vshrl.u32 v5, $0x10;
	v16 =	vand.u32 $0xFF, v56;
	[tilespmem:s1+$0x20] =	vst v14;
	v58 =	vld.idx.msk [tilespmem:v21+s12+$0x0], $0xffff  }
0x468: {  	v10 =	vld.idx.msk [tilespmem:v10+s12+$0x0], $0xffff;
	[tilespmem:s7+$0x50] =	vst v17;
	v18 =	vand.u32 $0xFF, v57  }
0x469: {  	v8 =	vld.idx.msk [tilespmem:v8+s12+$0x0], $0xffff;
	[tilespmem:s0+$0x30] =	vst v11  }
0x46a: {  	v13 =	vld.idx.msk [tilespmem:v13+s12+$0x0], $0xffff;
	[tilespmem:s17+$0x10] =	vst v12  }
0x46b: {  	v59 =	vshrl.u32 v37, $0x18;
	v9 =	vld.idx.msk [tilespmem:v9+s12+$0x0], $0xffff;
	[tilespmem:s8+$0x50] =	vst v55  }
0x46c: {  	v60 =	vld.idx.msk [tilespmem:v16+s12+$0x0], $0xffff;
	[tilespmem:s3+$0x10] =	vst v58  }
0x46d: {  	v3 =	vshrl.u32 v3, $0x18;
	[tilespmem:s2+$0x70] =	vst v10;
	v61 =	vld.idx.msk [tilespmem:v18+s12+$0x0], $0xffff  }
0x46e: {  	v62 =	vshrl.u32 v5, $0x18;
	v4 =	vld.idx.msk [tilespmem:v4+s12+$0x0], $0xffff;
	[tilespmem:s4+$0x20] =	vst v8  }
0x46f: {  	v7 =	vld.idx.msk [tilespmem:v7+s12+$0x0], $0xffff;
	[tilespmem:s7+$0x60] =	vst v13  }
0x470: {  	v11 =	vld.idx.msk [tilespmem:v59+s12+$0x0], $0xffff;
	[tilespmem:s17+$0x20] =	vst v9  }
0x471: {  	v6 =	vld.idx.msk [tilespmem:v6+s12+$0x0], $0xffff;
	[tilespmem:s8+$0x60] =	vst v60  }
0x472: {  	v3 =	vld.idx.msk [tilespmem:v3+s12+$0x0], $0xffff;
	[tilespmem:s3+$0x20] =	vst v61  }
0x473: {  	s22 =	sadd.s32 $0x1, s22;
	[tilespmem:s1+$0x30] =	vst v4;
	v63 =	vld.idx.msk [tilespmem:v62+s12+$0x0], $0xffff  }
0x474: {  	p0 =	sne.s32 s22, $0x10;
	[tilespmem:s4+$0x30] =	vst v7  }
.Ltmp6:
0x475: {  	[tilespmem:s7+$0x70] =	vst v11;
	(pc) =	sbr.rel @p0 .LBB2_11-.Ltmp6, $4  }
0x476: {  	[tilespmem:s17+$0x30] =	vst v6  }
0x477: {  	s31 =	sshll.u32 s5, $0xA;
	[tilespmem:s8+$0x70] =	vst v3  }
0x478: {  	s21 =	sadd.s32 $0x1000, s21;
	s0 =	sadd.s32 s31, s19;
	[tilespmem:s3+$0x30] =	vst v63  }
0x479: {  	[hbm4b:s0+s14] =	stream.linear.scatter [tilespmem:s26], [sflag:$0x4], $0x2000, $0x38;
	[tilespmem:$0x19280] =	vst v63  }
0x47a: {  	s0 =	simm.s32 $0x3  }
0x47b: {  	_ =	swait.ge [sflag:s0], $0x2000  }
0x47c: {  	[sflag:s0] =	ssyncset.done $0x0  }
0x47d: {  	s31 =	simm.s32 $0x4;
	[sflag:s0] =	ssyncadd.s32 $0xFFFFE000  }
0x47e: {  	_ =	swait.ge [sflag:s31], $0x2000  }
0x47f: {  	s2 =	rddreg [dreg:$0x7]  }
0x480: {  	s2 =	sadd.s32 $0x1, s2  }
0x481: {  	p0 =	sne.s32 s2, $0x6  }
.Ltmp7:
0x482: {  	_ = 	snop;
	(pc) =	sbr.rel @p0 .LBB2_2-.Ltmp7, $3  }
0x483: {  	_ =	sdelay $0x1  }
0x484: {  	[sflag:s31] =	ssyncset.done $0x0  }
0x485: {  	[sflag:s31] =	ssyncadd.s32 $0xFFFFE000  }
0x486: {  	s1 =	rddreg [dreg:$0x6]  }
0x487: {  	s0 =	rddreg [dreg:$0x5];
	s1 =	sadd.s32 $0x1, s1  }
0x488: {  	p0 =	sne.s32 s1, s0  }
.Ltmp8:
0x489: {  	_ = 	snop;
	(pc) =	sbr.rel @p0 .LBB2_1-.Ltmp8, $1  }
0x48a: {  	_ =	sdelay $0x3  }
0x48b: {  	_ =	sfence.sel $0x180000  }
0x48c: {  	[bflag:$0x0] =	sbarrier.arrive $0xFFFF  }
0x48d: {  	_ =	strace $0x90000047  }
0x48e: {  	s0 =	stileid.u32;
	[bflag:$0x2] =	sbarrier.arrive $0xFFFF  }
0x48f: {  	p0 =	sne.s32 s0, $0x0;
	s0 =	rddreg [dreg:$0x2]  }
0x490: {  	s0 =	sadd.s32 @!p0 $0x100000, s0  }
0x491: {  	[sflag:s0] =	ssyncadd.tile.s32 @!p0 $0x1;
	_ =	shalt  }
.Lfunc_end2:
_tile_overlayer_lowered:
.L_overlay_start_2:
0x492: {  	(tag) =	ssettag $0x2  }
0x493: {  	s0 =	rddreg [dreg:$0x0];
	s2 =	stileid.u32  }
0x494: {  	s1 =	rddreg [dreg:$0x1];
	p0 =	sne.s32 s2, $0x0  }
0x495: {  	s3 =	rddreg [dreg:$0x2];
	[bflag:$0x3] =	sbarrier.arrive $0xFFFF;
	s2 =	simm.s32 @!p0 $0x1C05  }
0x496: {  	[timem:s3], [sflag:s2] =	dma.local @!p0 [hbm:s0], s1  }
0x497: {  	s0 =	simm.s32 @!p0 $0x5  }
0x498: {  	_ =	swait.ge @!p0 [sflag:s0], s1  }
0x499: {  	s1 =	ssub.s32 @!p0 $0x0, s1;
	[sflag:s0] =	ssyncset.done @!p0 $0x0  }
0x49a: {  	[sflag:s0] =	ssyncadd.s32 @!p0 s1  }
0x49b: {  	[bflag:$0x3] =	sbarrier.arrive $0xFFFF  }
0x49c: {  	_ =	shalt  }

</sc_bundles>
